<compile_context>
chip_gen: v7x
topology: tpu7x:2x2x1
jax: 0.10.2.dev20260603
libtpu: 0.0.44.dev20260713+nightly
codegen_flags: <defaults>
</compile_context>

<pallas_src>
import jax
import jax.numpy as jnp
from jax import lax
from jax.experimental import pallas as pl
from jax.experimental.pallas import tpu as pltpu
from jax.experimental.pallas import tpu_sc as plsc

B, H, W, C = 8, 224, 224, 96
NBINS = 256
NB_INT = NBINS + 1
TILES_PER_B = 4
C_PER_TILE = C // TILES_PER_B
CPASS = 8
NPASS = C_PER_TILE // CPASS
HC = 16
NCHUNK = H // HC
LANES = 16
WK = W // LANES
CSTRIDE = 258 * LANES
H16 = CPASS * CSTRIDE
NG = NBINS // LANES
SROW = 17
SG = LANES * SROW


def _body(x_hbm, out_hbm, h16_v, stg_v, buf0, buf1, outb_v, sem0, sem1):
    cid = lax.axis_index("c")
    sid = lax.axis_index("s")
    b = cid * TILES_PER_B + sid // TILES_PER_B
    q = sid % TILES_PER_B
    c0 = q * C_PER_TILE

    zeros = jnp.zeros((LANES,), jnp.float32)
    ones = jnp.ones((LANES,), jnp.float32)
    iota = lax.iota(jnp.int32, LANES)
    iota17 = iota * SROW

    @plsc.parallel_loop(0, H16 // LANES)
    def _(i):
        h16_v[pl.ds(i * LANES, LANES)] = zeros

    def chunk_compute(buf):
        @plsc.parallel_loop(0, CPASS * HC)
        def _(i):
            ci = i >> 4
            h = i & 15
            cb = iota + ci * CSTRIDE
            for k in range(WK):
                v = buf[h, ci, pl.ds(k * LANES, LANES)]
                idx = ((v * jnp.float32(NB_INT)).astype(jnp.int32) << 4) + cb
                plsc.addupdate_scatter(h16_v, [idx], ones)

    def start(p, n, buf, sem):
        pltpu.async_copy(
            x_hbm.at[b, pl.ds(n * HC, HC), pl.ds(c0 + p * CPASS, CPASS), :],
            buf, sem)

    def wait(buf, sem):
        pltpu.make_async_copy(
            x_hbm.at[0, pl.ds(0, HC), pl.ds(0, CPASS), :], buf, sem).wait()

    def pass_body(p, _):
        start(p, 0, buf0, sem0)

        def pair_body(k, _):
            start(p, 2 * k + 1, buf1, sem1)
            wait(buf0, sem0)
            chunk_compute(buf0)

            @pl.when(k < NCHUNK // 2 - 1)
            def _():
                start(p, 2 * k + 2, buf0, sem0)

            wait(buf1, sem1)
            chunk_compute(buf1)
            return 0

        lax.fori_loop(0, NCHUNK // 2, pair_body, 0)

        def fold_body(ci, _):
            cb2 = ci * CSTRIDE
            row = p * CPASS + ci

            row0 = h16_v[pl.ds(cb2, LANES)]
            h16_v[pl.ds(cb2, LANES)] = zeros
            den = jnp.maximum(jnp.float32(H * W) - jnp.sum(row0),
                              jnp.float32(1e-7))
            inv = jnp.float32(1.0) / lax.broadcast_in_dim(den, (LANES,), ())

            @plsc.parallel_loop(0, NG)
            def _(g):
                sb = g * SG
                stg = stg_v.at[pl.ds(sb, SG)]
                for j2 in range(LANES):
                    o = cb2 + g * (LANES * LANES) + (j2 + 1) * LANES
                    v = h16_v[pl.ds(o, LANES)]
                    plsc.store_scatter(stg, [iota17 + j2], v)
                    h16_v[pl.ds(o, LANES)] = zeros
                acc = stg_v[pl.ds(sb, LANES)]
                for ll in range(1, LANES):
                    acc = acc + stg_v[pl.ds(sb + ll * SROW, LANES)]
                outb_v[row, pl.ds(g * LANES, LANES)] = acc * inv
            return 0

        lax.fori_loop(0, CPASS, fold_body, 0)
        return 0

    lax.fori_loop(0, NPASS, pass_body, 0)

    pltpu.sync_copy(outb_v, out_hbm.at[b, pl.ds(c0, C_PER_TILE), :])


@jax.jit
def kernel(inputs):
    mesh = plsc.VectorSubcoreMesh(core_axis_name="c", subcore_axis_name="s")
    run = pl.kernel(
        _body,
        out_type=jax.ShapeDtypeStruct((B, C, NBINS), jnp.float32),
        mesh=mesh,
        compiler_params=pltpu.CompilerParams(needs_layout_passes=False),
        scratch_types=[
            pltpu.VMEM((H16,), jnp.float32),
            pltpu.VMEM((NG * SG,), jnp.float32),
            pltpu.VMEM((HC, CPASS, W), jnp.float32),
            pltpu.VMEM((HC, CPASS, W), jnp.float32),
            pltpu.VMEM((C_PER_TILE, NBINS), jnp.float32),
            pltpu.SemaphoreType.DMA,
            pltpu.SemaphoreType.DMA,
        ],
    )
    xt = jnp.transpose(inputs, (0, 1, 3, 2))
    return jnp.transpose(run(xt), (0, 2, 1))

# --- scband reference (transcript-rebuilt; emitter-appended) ---
"""Pipeline reference for scband-normalized-histogram-85787676770927 (READ-ONLY COPY).

The authoritative reference and input builder live on the scoring server;
editing this copy changes nothing except your own understanding.
"""

import jax, jax.numpy as jnp
import numpy as np

NBINS = 256
EPS = 1e-07  # tf.keras.backend.epsilon()


def setup_inputs(seed: int = 0) -> dict:
    key = jax.random.key(seed)
    x = jax.random.uniform(key, (8, 224, 224, 96), dtype=jnp.float32)
    return {"inputs": x}


def reference(inputs):
    # Faithful translation of NormalizedHistogram.call:
    # internal histogram uses nbins+1 bins over [0, 1], then drops bin 0 and normalizes.
    nbins_internal = NBINS + 1
    min_val = 0.0
    max_val = 1.0
    bin_width = jnp.maximum((max_val - min_val) / float(nbins_internal), EPS)
    bins = jnp.floor((inputs - min_val) / bin_width)
    bins = jnp.clip(bins, 0, nbins_internal - 1).astype(jnp.int32)  # [B,H,W,C]
    B, H, W, C = inputs.shape
    # per-(image, channel) histogram via offset bincount (equivalent to one_hot + reduce_sum)
    flat = jnp.transpose(bins, (0, 3, 1, 2)).reshape(B * C, H * W)
    offsets = (jnp.arange(B * C, dtype=jnp.int32) * nbins_internal)[:, None]
    counts = jnp.bincount((flat + offsets).reshape(-1), length=B * C * nbins_internal)
    hist = counts.reshape(B, C, nbins_internal).astype(jnp.float32)
    hist = hist[:, :, 1:]  # drop bin 0 (values that floor to the first bin)
    denom = jnp.maximum(jnp.sum(hist, axis=-1, keepdims=True), EPS)
    normalized = hist / denom  # [B, C, NBINS]
    # transpose back to (samples, nbins, channels) as in compute_output_shape
    return jnp.transpose(normalized, (0, 2, 1))

if __name__ == "__main__":
    import jax
    _d = setup_inputs()
    print(jax.jit(kernel)(*tuple(_d.values())))

</pallas_src>

<mosaic_0001>
#map = affine_map<(d0, d1) -> (0, 0, 0, 0)>
#map1 = affine_map<(d0, d1) -> (0, 0, 0)>
module attributes {stable_mosaic.version = 14 : i64} {
  func.func @_body(%arg0: i32, %arg1: i32, %arg2: memref<8x224x96x224xf32, #tpu.memory_space<hbm>>, %arg3: memref<8x96x256xf32, #tpu.memory_space<hbm>>, %arg4: memref<33024xf32, #tpu.memory_space<vmem>>, %arg5: memref<4352xf32, #tpu.memory_space<vmem>>, %arg6: memref<16x8x224xf32, #tpu.memory_space<vmem>>, %arg7: memref<16x8x224xf32, #tpu.memory_space<vmem>>, %arg8: memref<24x256xf32, #tpu.memory_space<vmem>>, %arg9: memref<!tpu.dma_semaphore, #tpu.memory_space<semaphore_mem>>, %arg10: memref<!tpu.dma_semaphore, #tpu.memory_space<semaphore_mem>>) attributes {dimension_semantics = [#tpu.dimension_semantics<core_parallel>, #tpu.dimension_semantics<subcore_parallel>], iteration_bounds = array<i64: 2, 16>, scalar_prefetch = 0 : i64, scratch_operands = 7 : i64, tpu.core_type = #tpu.core_type<sc_vector_subcore>, window_params = [{transform_indices = #map}, {transform_indices = #map1}]} {
    %mul3A = arith.constant 4 : i32
    %mul3A_0 = arith.muli %arg0, %mul3A : i32
    %jit3A = arith.constant 4 : i32
    %div3A = arith.divsi %arg1, %jit3A : i32
    %sign3A = arith.constant 0 : i32
    %sign3A_1 = arith.cmpi sgt, %arg1, %sign3A : i32
    %sign3A_2 = arith.extui %sign3A_1 : i1 to i32
    %sign3A_3 = arith.constant 0 : i32
    %sign3A_4 = arith.cmpi slt, %arg1, %sign3A_3 : i32
    %sign3A_5 = arith.extui %sign3A_4 : i1 to i32
    %sign3A_6 = arith.subi %sign3A_2, %sign3A_5 : i32
    %sign3A_7 = arith.constant 0 : i32
    %sign3A_8 = arith.cmpi sgt, %jit3A, %sign3A_7 : i32
    %sign3A_9 = arith.extui %sign3A_8 : i1 to i32
    %sign3A_10 = arith.constant 0 : i32
    %sign3A_11 = arith.cmpi slt, %jit3A, %sign3A_10 : i32
    %sign3A_12 = arith.extui %sign3A_11 : i1 to i32
    %sign3A_13 = arith.subi %sign3A_9, %sign3A_12 : i32
    %ne3A = arith.cmpi ne, %sign3A_6, %sign3A_13 : i32
    %rem3A = arith.remsi %arg1, %jit3A : i32
    %ne3A_14 = arith.constant 0 : i32
    %ne3A_15 = arith.cmpi ne, %rem3A, %ne3A_14 : i32
    %and3A = arith.andi %ne3A, %ne3A_15 : i1
    %sub3A = arith.constant 1 : i32
    %sub3A_16 = arith.subi %div3A, %sub3A : i32
    %select_n3A = arith.select %and3A, %sub3A_16, %div3A : i32
    %add3A = arith.addi %mul3A_0, %select_n3A : i32
    %jit3A_17 = arith.constant 4 : i32
    %eq3A = arith.constant 0 : i32
    %eq3A_18 = arith.cmpi eq, %jit3A_17, %eq3A : i32
    %jit3A_19 = arith.constant 1 : i32
    %select_n3A_20 = arith.select %eq3A_18, %jit3A_19, %jit3A_17 : i32
    %rem3A_21 = arith.remsi %arg1, %select_n3A_20 : i32
    %ne3A_22 = arith.constant 0 : i32
    %ne3A_23 = arith.cmpi ne, %rem3A_21, %ne3A_22 : i32
    %lt3A = arith.constant 0 : i32
    %lt3A_24 = arith.cmpi slt, %rem3A_21, %lt3A : i32
    %lt3A_25 = arith.constant 0 : i32
    %lt3A_26 = arith.cmpi slt, %select_n3A_20, %lt3A_25 : i32
    %ne3A_27 = arith.xori %lt3A_24, %lt3A_26 : i1
    %and3A_28 = arith.andi %ne3A_27, %ne3A_23 : i1
    %add3A_29 = arith.addi %rem3A_21, %select_n3A_20 : i32
    %select_n3A_30 = arith.select %and3A_28, %add3A_29, %rem3A_21 : i32
    %mul3A_31 = arith.constant 24 : i32
    %mul3A_32 = arith.muli %select_n3A_30, %mul3A_31 : i32
    %broadcast_in_dim3A = arith.constant 0.000000e+00 : f32
    %broadcast_in_dim3A_33 = vector.broadcast %broadcast_in_dim3A : f32 to vector<16xf32>
    %broadcast_in_dim3A_34 = arith.constant 1.000000e+00 : f32
    %broadcast_in_dim3A_35 = vector.broadcast %broadcast_in_dim3A_34 : f32 to vector<16xf32>
    %iota3A = tpu.iota {dimensions = array<i32: 0>} : vector<16xi32>
    %mul3A_36 = arith.constant 17 : i32
    %mul3A_37 = vector.broadcast %mul3A_36 : i32 to vector<16xi32>
    %mul3A_38 = arith.muli %iota3A, %mul3A_37 : vector<16xi32>
    %parallel_loop3A = arith.constant 0 : i32
    %parallel_loop3A_39 = arith.constant 2064 : i32
    %parallel_loop3A_40 = arith.constant 1 : i32
    scf.for %parallel_loop3A_47 = %parallel_loop3A to %parallel_loop3A_39 step %parallel_loop3A_40  : i32 {
      %parallel_loop3A_48 = arith.constant 16 : i32
      %parallel_loop3A_49 = arith.muli %parallel_loop3A_47, %parallel_loop3A_48 : i32
      %parallel_loop3A_50 = arith.index_cast %parallel_loop3A_49 : i32 to index
      %parallel_loop3A_51 = tpu.vector_load %arg4[%parallel_loop3A_50] {strides = array<i32>} : memref<33024xf32, #tpu.memory_space<vmem>>, vector<16xf32>,
      tpu.vector_store %arg4[%parallel_loop3A_50], %broadcast_in_dim3A_33 {strides = array<i32>} : memref<33024xf32, #tpu.memory_space<vmem>>, vector<16xf32>,
    } {sc.loop_unroll_factor = 1 : i64, sc.parallel_access}
    %scan3A = arith.constant 0 : i32
    %scan3A_41 = arith.constant 0 : i32
    %scan3A_42 = arith.constant 3 : i32
    %scan3A_43 = arith.addi %scan3A_41, %scan3A_42 : i32
    %scan3A_44 = arith.constant 1 : i32
    %scan3A_45 = scf.for %scan3A_47 = %scan3A_41 to %scan3A_43 step %scan3A_44 iter_args(%scan3A_48 = %scan3A) -> (i32)  : i32 {
      %mul3A_49 = arith.constant 8 : i32
      %mul3A_50 = arith.muli %scan3A_47, %mul3A_49 : i32
      %add3A_51 = arith.addi %mul3A_32, %mul3A_50 : i32
      %dma_start3A = arith.constant 0 : i32
      %dma_start3A_52 = arith.constant 0 : i32
      %dma_start3A_53 = tpu.memref_slice %arg2[%add3A, %dma_start3A, %add3A_51, %dma_start3A_52] : memref<8x224x96x224xf32, #tpu.memory_space<hbm>> -> memref<1x16x8x224xf32, #tpu.memory_space<hbm>>
      %dma_start3A_54 = tpu.memref_squeeze %dma_start3A_53 : memref<1x16x8x224xf32, #tpu.memory_space<hbm>> -> memref<16x8x224xf32, #tpu.memory_space<hbm>>
      %dma_start3A_55 = arith.constant 0 : i32
      %dma_start3A_56 = arith.constant 0 : i32
      %dma_start3A_57 = tpu.memref_slice %arg2[%add3A, %dma_start3A_55, %add3A_51, %dma_start3A_56] : memref<8x224x96x224xf32, #tpu.memory_space<hbm>> -> memref<1x16x8x224xf32, #tpu.memory_space<hbm>>
      %dma_start3A_58 = tpu.memref_squeeze %dma_start3A_57 : memref<1x16x8x224xf32, #tpu.memory_space<hbm>> -> memref<16x8x224xf32, #tpu.memory_space<hbm>>
      tpu.enqueue_dma source(%dma_start3A_58 : memref<16x8x224xf32, #tpu.memory_space<hbm>>) target(%arg6 : memref<16x8x224xf32, #tpu.memory_space<vmem>>) target_semaphore(%arg9 : memref<!tpu.dma_semaphore, #tpu.memory_space<semaphore_mem>>)
      %scan3A_59 = arith.constant 0 : i32
      %scan3A_60 = arith.constant 0 : i32
      %scan3A_61 = arith.constant 7 : i32
      %scan3A_62 = arith.addi %scan3A_60, %scan3A_61 : i32
      %scan3A_63 = arith.constant 1 : i32
      %scan3A_64 = scf.for %scan3A_74 = %scan3A_60 to %scan3A_62 step %scan3A_63 iter_args(%scan3A_75 = %scan3A_59) -> (i32)  : i32 {
        %mul3A_76 = arith.constant 2 : i32
        %mul3A_77 = arith.muli %mul3A_76, %scan3A_74 : i32
        %add3A_78 = arith.constant 1 : i32
        %add3A_79 = arith.addi %mul3A_77, %add3A_78 : i32
        %mul3A_80 = arith.constant 16 : i32
        %mul3A_81 = arith.muli %add3A_79, %mul3A_80 : i32
        %mul3A_82 = arith.constant 8 : i32
        %mul3A_83 = arith.muli %scan3A_47, %mul3A_82 : i32
        %add3A_84 = arith.addi %mul3A_32, %mul3A_83 : i32
        %dma_start3A_85 = arith.constant 0 : i32
        %dma_start3A_86 = tpu.memref_slice %arg2[%add3A, %mul3A_81, %add3A_84, %dma_start3A_85] : memref<8x224x96x224xf32, #tpu.memory_space<hbm>> -> memref<1x16x8x224xf32, #tpu.memory_space<hbm>>
        %dma_start3A_87 = tpu.memref_squeeze %dma_start3A_86 : memref<1x16x8x224xf32, #tpu.memory_space<hbm>> -> memref<16x8x224xf32, #tpu.memory_space<hbm>>
        %dma_start3A_88 = arith.constant 0 : i32
        %dma_start3A_89 = tpu.memref_slice %arg2[%add3A, %mul3A_81, %add3A_84, %dma_start3A_88] : memref<8x224x96x224xf32, #tpu.memory_space<hbm>> -> memref<1x16x8x224xf32, #tpu.memory_space<hbm>>
        %dma_start3A_90 = tpu.memref_squeeze %dma_start3A_89 : memref<1x16x8x224xf32, #tpu.memory_space<hbm>> -> memref<16x8x224xf32, #tpu.memory_space<hbm>>
        tpu.enqueue_dma source(%dma_start3A_90 : memref<16x8x224xf32, #tpu.memory_space<hbm>>) target(%arg7 : memref<16x8x224xf32, #tpu.memory_space<vmem>>) target_semaphore(%arg10 : memref<!tpu.dma_semaphore, #tpu.memory_space<semaphore_mem>>)
        %dma_wait3A = arith.constant 0 : i32
        %dma_wait3A_91 = arith.constant 0 : i32
        %dma_wait3A_92 = arith.constant 0 : i32
        %dma_wait3A_93 = arith.constant 0 : i32
        %dma_wait3A_94 = tpu.memref_slice %arg2[%dma_wait3A, %dma_wait3A_91, %dma_wait3A_92, %dma_wait3A_93] : memref<8x224x96x224xf32, #tpu.memory_space<hbm>> -> memref<1x16x8x224xf32, #tpu.memory_space<hbm>>
        %dma_wait3A_95 = tpu.memref_squeeze %dma_wait3A_94 : memref<1x16x8x224xf32, #tpu.memory_space<hbm>> -> memref<16x8x224xf32, #tpu.memory_space<hbm>>
        %dma_wait3A_96 = arith.constant 0 : i32
        %dma_wait3A_97 = arith.constant 0 : i32
        %dma_wait3A_98 = arith.constant 0 : i32
        %dma_wait3A_99 = tpu.memref_slice %arg2[%dma_wait3A, %dma_wait3A_96, %dma_wait3A_97, %dma_wait3A_98] : memref<8x224x96x224xf32, #tpu.memory_space<hbm>> -> memref<1x16x8x224xf32, #tpu.memory_space<hbm>>
        %dma_wait3A_100 = tpu.memref_squeeze %dma_wait3A_99 : memref<1x16x8x224xf32, #tpu.memory_space<hbm>> -> memref<16x8x224xf32, #tpu.memory_space<hbm>>
        tpu.wait_dma2 semaphore(%arg9 : memref<!tpu.dma_semaphore, #tpu.memory_space<semaphore_mem>>) src(%dma_wait3A_100 : memref<16x8x224xf32, #tpu.memory_space<hbm>>) dst(%arg6 : memref<16x8x224xf32, #tpu.memory_space<vmem>>)
        %parallel_loop3A_101 = arith.constant 0 : i32
        %parallel_loop3A_102 = arith.constant 128 : i32
        %parallel_loop3A_103 = arith.constant 1 : i32
        scf.for %parallel_loop3A_122 = %parallel_loop3A_101 to %parallel_loop3A_102 step %parallel_loop3A_103  : i32 {
          %parallel_loop3A_123 = arith.constant 4 : i32
          %parallel_loop3A_124 = arith.shrsi %parallel_loop3A_122, %parallel_loop3A_123 : i32
          %parallel_loop3A_125 = arith.constant 15 : i32
          %parallel_loop3A_126 = arith.andi %parallel_loop3A_122, %parallel_loop3A_125 : i32
          %parallel_loop3A_127 = arith.constant 4128 : i32
          %parallel_loop3A_128 = arith.muli %parallel_loop3A_124, %parallel_loop3A_127 : i32
          %parallel_loop3A_129 = vector.broadcast %parallel_loop3A_128 : i32 to vector<16xi32>
          %parallel_loop3A_130 = arith.addi %iota3A, %parallel_loop3A_129 : vector<16xi32>
          %parallel_loop3A_131 = arith.index_cast %parallel_loop3A_126 : i32 to index
          %parallel_loop3A_132 = arith.index_cast %parallel_loop3A_124 : i32 to index
          %parallel_loop3A_133 = arith.constant 0 : index
          %parallel_loop3A_134 = tpu.vector_load %arg6[%parallel_loop3A_131, %parallel_loop3A_132, %parallel_loop3A_133] {strides = array<i32>} : memref<16x8x224xf32, #tpu.memory_space<vmem>>, vector<16xf32>,
          %parallel_loop3A_135 = arith.constant 2.570000e+02 : f32
          %parallel_loop3A_136 = vector.broadcast %parallel_loop3A_135 : f32 to vector<16xf32>
          %parallel_loop3A_137 = arith.mulf %parallel_loop3A_134, %parallel_loop3A_136 : vector<16xf32>
          %parallel_loop3A_138 = arith.fptosi %parallel_loop3A_137 : vector<16xf32> to vector<16xi32>
          %parallel_loop3A_139 = arith.constant 4 : i32
          %parallel_loop3A_140 = vector.broadcast %parallel_loop3A_139 : i32 to vector<16xi32>
          %parallel_loop3A_141 = arith.shli %parallel_loop3A_138, %parallel_loop3A_140 : vector<16xi32>
          %parallel_loop3A_142 = arith.addi %parallel_loop3A_141, %parallel_loop3A_130 : vector<16xi32>
          tpu.vector_store_idx %arg4[%parallel_loop3A_142], %broadcast_in_dim3A_35 {add = true} : memref<33024xf32, #tpu.memory_space<vmem>>[vector<16xi32>], vector<16xf32>,
          %parallel_loop3A_143 = arith.index_cast %parallel_loop3A_126 : i32 to index
          %parallel_loop3A_144 = arith.index_cast %parallel_loop3A_124 : i32 to index
          %parallel_loop3A_145 = arith.constant 16 : index
          %parallel_loop3A_146 = tpu.vector_load %arg6[%parallel_loop3A_143, %parallel_loop3A_144, %parallel_loop3A_145] {strides = array<i32>} : memref<16x8x224xf32, #tpu.memory_space<vmem>>, vector<16xf32>,
          %parallel_loop3A_147 = arith.constant 2.570000e+02 : f32
          %parallel_loop3A_148 = vector.broadcast %parallel_loop3A_147 : f32 to vector<16xf32>
          %parallel_loop3A_149 = arith.mulf %parallel_loop3A_146, %parallel_loop3A_148 : vector<16xf32>
          %parallel_loop3A_150 = arith.fptosi %parallel_loop3A_149 : vector<16xf32> to vector<16xi32>
          %parallel_loop3A_151 = arith.constant 4 : i32
          %parallel_loop3A_152 = vector.broadcast %parallel_loop3A_151 : i32 to vector<16xi32>
          %parallel_loop3A_153 = arith.shli %parallel_loop3A_150, %parallel_loop3A_152 : vector<16xi32>
          %parallel_loop3A_154 = arith.addi %parallel_loop3A_153, %parallel_loop3A_130 : vector<16xi32>
          tpu.vector_store_idx %arg4[%parallel_loop3A_154], %broadcast_in_dim3A_35 {add = true} : memref<33024xf32, #tpu.memory_space<vmem>>[vector<16xi32>], vector<16xf32>,
          %parallel_loop3A_155 = arith.index_cast %parallel_loop3A_126 : i32 to index
          %parallel_loop3A_156 = arith.index_cast %parallel_loop3A_124 : i32 to index
          %parallel_loop3A_157 = arith.constant 32 : index
          %parallel_loop3A_158 = tpu.vector_load %arg6[%parallel_loop3A_155, %parallel_loop3A_156, %parallel_loop3A_157] {strides = array<i32>} : memref<16x8x224xf32, #tpu.memory_space<vmem>>, vector<16xf32>,
          %parallel_loop3A_159 = arith.constant 2.570000e+02 : f32
          %parallel_loop3A_160 = vector.broadcast %parallel_loop3A_159 : f32 to vector<16xf32>
          %parallel_loop3A_161 = arith.mulf %parallel_loop3A_158, %parallel_loop3A_160 : vector<16xf32>
          %parallel_loop3A_162 = arith.fptosi %parallel_loop3A_161 : vector<16xf32> to vector<16xi32>
          %parallel_loop3A_163 = arith.constant 4 : i32
          %parallel_loop3A_164 = vector.broadcast %parallel_loop3A_163 : i32 to vector<16xi32>
          %parallel_loop3A_165 = arith.shli %parallel_loop3A_162, %parallel_loop3A_164 : vector<16xi32>
          %parallel_loop3A_166 = arith.addi %parallel_loop3A_165, %parallel_loop3A_130 : vector<16xi32>
          tpu.vector_store_idx %arg4[%parallel_loop3A_166], %broadcast_in_dim3A_35 {add = true} : memref<33024xf32, #tpu.memory_space<vmem>>[vector<16xi32>], vector<16xf32>,
          %parallel_loop3A_167 = arith.index_cast %parallel_loop3A_126 : i32 to index
          %parallel_loop3A_168 = arith.index_cast %parallel_loop3A_124 : i32 to index
          %parallel_loop3A_169 = arith.constant 48 : index
          %parallel_loop3A_170 = tpu.vector_load %arg6[%parallel_loop3A_167, %parallel_loop3A_168, %parallel_loop3A_169] {strides = array<i32>} : memref<16x8x224xf32, #tpu.memory_space<vmem>>, vector<16xf32>,
          %parallel_loop3A_171 = arith.constant 2.570000e+02 : f32
          %parallel_loop3A_172 = vector.broadcast %parallel_loop3A_171 : f32 to vector<16xf32>
          %parallel_loop3A_173 = arith.mulf %parallel_loop3A_170, %parallel_loop3A_172 : vector<16xf32>
          %parallel_loop3A_174 = arith.fptosi %parallel_loop3A_173 : vector<16xf32> to vector<16xi32>
          %parallel_loop3A_175 = arith.constant 4 : i32
          %parallel_loop3A_176 = vector.broadcast %parallel_loop3A_175 : i32 to vector<16xi32>
          %parallel_loop3A_177 = arith.shli %parallel_loop3A_174, %parallel_loop3A_176 : vector<16xi32>
          %parallel_loop3A_178 = arith.addi %parallel_loop3A_177, %parallel_loop3A_130 : vector<16xi32>
          tpu.vector_store_idx %arg4[%parallel_loop3A_178], %broadcast_in_dim3A_35 {add = true} : memref<33024xf32, #tpu.memory_space<vmem>>[vector<16xi32>], vector<16xf32>,
          %parallel_loop3A_179 = arith.index_cast %parallel_loop3A_126 : i32 to index
          %parallel_loop3A_180 = arith.index_cast %parallel_loop3A_124 : i32 to index
          %parallel_loop3A_181 = arith.constant 64 : index
          %parallel_loop3A_182 = tpu.vector_load %arg6[%parallel_loop3A_179, %parallel_loop3A_180, %parallel_loop3A_181] {strides = array<i32>} : memref<16x8x224xf32, #tpu.memory_space<vmem>>, vector<16xf32>,
          %parallel_loop3A_183 = arith.constant 2.570000e+02 : f32
          %parallel_loop3A_184 = vector.broadcast %parallel_loop3A_183 : f32 to vector<16xf32>
          %parallel_loop3A_185 = arith.mulf %parallel_loop3A_182, %parallel_loop3A_184 : vector<16xf32>
          %parallel_loop3A_186 = arith.fptosi %parallel_loop3A_185 : vector<16xf32> to vector<16xi32>
          %parallel_loop3A_187 = arith.constant 4 : i32
          %parallel_loop3A_188 = vector.broadcast %parallel_loop3A_187 : i32 to vector<16xi32>
          %parallel_loop3A_189 = arith.shli %parallel_loop3A_186, %parallel_loop3A_188 : vector<16xi32>
          %parallel_loop3A_190 = arith.addi %parallel_loop3A_189, %parallel_loop3A_130 : vector<16xi32>
          tpu.vector_store_idx %arg4[%parallel_loop3A_190], %broadcast_in_dim3A_35 {add = true} : memref<33024xf32, #tpu.memory_space<vmem>>[vector<16xi32>], vector<16xf32>,
          %parallel_loop3A_191 = arith.index_cast %parallel_loop3A_126 : i32 to index
          %parallel_loop3A_192 = arith.index_cast %parallel_loop3A_124 : i32 to index
          %parallel_loop3A_193 = arith.constant 80 : index
          %parallel_loop3A_194 = tpu.vector_load %arg6[%parallel_loop3A_191, %parallel_loop3A_192, %parallel_loop3A_193] {strides = array<i32>} : memref<16x8x224xf32, #tpu.memory_space<vmem>>, vector<16xf32>,
          %parallel_loop3A_195 = arith.constant 2.570000e+02 : f32
          %parallel_loop3A_196 = vector.broadcast %parallel_loop3A_195 : f32 to vector<16xf32>
          %parallel_loop3A_197 = arith.mulf %parallel_loop3A_194, %parallel_loop3A_196 : vector<16xf32>
          %parallel_loop3A_198 = arith.fptosi %parallel_loop3A_197 : vector<16xf32> to vector<16xi32>
          %parallel_loop3A_199 = arith.constant 4 : i32
          %parallel_loop3A_200 = vector.broadcast %parallel_loop3A_199 : i32 to vector<16xi32>
          %parallel_loop3A_201 = arith.shli %parallel_loop3A_198, %parallel_loop3A_200 : vector<16xi32>
          %parallel_loop3A_202 = arith.addi %parallel_loop3A_201, %parallel_loop3A_130 : vector<16xi32>
          tpu.vector_store_idx %arg4[%parallel_loop3A_202], %broadcast_in_dim3A_35 {add = true} : memref<33024xf32, #tpu.memory_space<vmem>>[vector<16xi32>], vector<16xf32>,
          %parallel_loop3A_203 = arith.index_cast %parallel_loop3A_126 : i32 to index
          %parallel_loop3A_204 = arith.index_cast %parallel_loop3A_124 : i32 to index
          %parallel_loop3A_205 = arith.constant 96 : index
          %parallel_loop3A_206 = tpu.vector_load %arg6[%parallel_loop3A_203, %parallel_loop3A_204, %parallel_loop3A_205] {strides = array<i32>} : memref<16x8x224xf32, #tpu.memory_space<vmem>>, vector<16xf32>,
          %parallel_loop3A_207 = arith.constant 2.570000e+02 : f32
          %parallel_loop3A_208 = vector.broadcast %parallel_loop3A_207 : f32 to vector<16xf32>
          %parallel_loop3A_209 = arith.mulf %parallel_loop3A_206, %parallel_loop3A_208 : vector<16xf32>
          %parallel_loop3A_210 = arith.fptosi %parallel_loop3A_209 : vector<16xf32> to vector<16xi32>
          %parallel_loop3A_211 = arith.constant 4 : i32
          %parallel_loop3A_212 = vector.broadcast %parallel_loop3A_211 : i32 to vector<16xi32>
          %parallel_loop3A_213 = arith.shli %parallel_loop3A_210, %parallel_loop3A_212 : vector<16xi32>
          %parallel_loop3A_214 = arith.addi %parallel_loop3A_213, %parallel_loop3A_130 : vector<16xi32>
          tpu.vector_store_idx %arg4[%parallel_loop3A_214], %broadcast_in_dim3A_35 {add = true} : memref<33024xf32, #tpu.memory_space<vmem>>[vector<16xi32>], vector<16xf32>,
          %parallel_loop3A_215 = arith.index_cast %parallel_loop3A_126 : i32 to index
          %parallel_loop3A_216 = arith.index_cast %parallel_loop3A_124 : i32 to index
          %parallel_loop3A_217 = arith.constant 112 : index
          %parallel_loop3A_218 = tpu.vector_load %arg6[%parallel_loop3A_215, %parallel_loop3A_216, %parallel_loop3A_217] {strides = array<i32>} : memref<16x8x224xf32, #tpu.memory_space<vmem>>, vector<16xf32>,
          %parallel_loop3A_219 = arith.constant 2.570000e+02 : f32
          %parallel_loop3A_220 = vector.broadcast %parallel_loop3A_219 : f32 to vector<16xf32>
          %parallel_loop3A_221 = arith.mulf %parallel_loop3A_218, %parallel_loop3A_220 : vector<16xf32>
          %parallel_loop3A_222 = arith.fptosi %parallel_loop3A_221 : vector<16xf32> to vector<16xi32>
          %parallel_loop3A_223 = arith.constant 4 : i32
          %parallel_loop3A_224 = vector.broadcast %parallel_loop3A_223 : i32 to vector<16xi32>
          %parallel_loop3A_225 = arith.shli %parallel_loop3A_222, %parallel_loop3A_224 : vector<16xi32>
          %parallel_loop3A_226 = arith.addi %parallel_loop3A_225, %parallel_loop3A_130 : vector<16xi32>
          tpu.vector_store_idx %arg4[%parallel_loop3A_226], %broadcast_in_dim3A_35 {add = true} : memref<33024xf32, #tpu.memory_space<vmem>>[vector<16xi32>], vector<16xf32>,
          %parallel_loop3A_227 = arith.index_cast %parallel_loop3A_126 : i32 to index
          %parallel_loop3A_228 = arith.index_cast %parallel_loop3A_124 : i32 to index
          %parallel_loop3A_229 = arith.constant 128 : index
          %parallel_loop3A_230 = tpu.vector_load %arg6[%parallel_loop3A_227, %parallel_loop3A_228, %parallel_loop3A_229] {strides = array<i32>} : memref<16x8x224xf32, #tpu.memory_space<vmem>>, vector<16xf32>,
          %parallel_loop3A_231 = arith.constant 2.570000e+02 : f32
          %parallel_loop3A_232 = vector.broadcast %parallel_loop3A_231 : f32 to vector<16xf32>
          %parallel_loop3A_233 = arith.mulf %parallel_loop3A_230, %parallel_loop3A_232 : vector<16xf32>
          %parallel_loop3A_234 = arith.fptosi %parallel_loop3A_233 : vector<16xf32> to vector<16xi32>
          %parallel_loop3A_235 = arith.constant 4 : i32
          %parallel_loop3A_236 = vector.broadcast %parallel_loop3A_235 : i32 to vector<16xi32>
          %parallel_loop3A_237 = arith.shli %parallel_loop3A_234, %parallel_loop3A_236 : vector<16xi32>
          %parallel_loop3A_238 = arith.addi %parallel_loop3A_237, %parallel_loop3A_130 : vector<16xi32>
          tpu.vector_store_idx %arg4[%parallel_loop3A_238], %broadcast_in_dim3A_35 {add = true} : memref<33024xf32, #tpu.memory_space<vmem>>[vector<16xi32>], vector<16xf32>,
          %parallel_loop3A_239 = arith.index_cast %parallel_loop3A_126 : i32 to index
          %parallel_loop3A_240 = arith.index_cast %parallel_loop3A_124 : i32 to index
          %parallel_loop3A_241 = arith.constant 144 : index
          %parallel_loop3A_242 = tpu.vector_load %arg6[%parallel_loop3A_239, %parallel_loop3A_240, %parallel_loop3A_241] {strides = array<i32>} : memref<16x8x224xf32, #tpu.memory_space<vmem>>, vector<16xf32>,
          %parallel_loop3A_243 = arith.constant 2.570000e+02 : f32
          %parallel_loop3A_244 = vector.broadcast %parallel_loop3A_243 : f32 to vector<16xf32>
          %parallel_loop3A_245 = arith.mulf %parallel_loop3A_242, %parallel_loop3A_244 : vector<16xf32>
          %parallel_loop3A_246 = arith.fptosi %parallel_loop3A_245 : vector<16xf32> to vector<16xi32>
          %parallel_loop3A_247 = arith.constant 4 : i32
          %parallel_loop3A_248 = vector.broadcast %parallel_loop3A_247 : i32 to vector<16xi32>
          %parallel_loop3A_249 = arith.shli %parallel_loop3A_246, %parallel_loop3A_248 : vector<16xi32>
          %parallel_loop3A_250 = arith.addi %parallel_loop3A_249, %parallel_loop3A_130 : vector<16xi32>
          tpu.vector_store_idx %arg4[%parallel_loop3A_250], %broadcast_in_dim3A_35 {add = true} : memref<33024xf32, #tpu.memory_space<vmem>>[vector<16xi32>], vector<16xf32>,
          %parallel_loop3A_251 = arith.index_cast %parallel_loop3A_126 : i32 to index
          %parallel_loop3A_252 = arith.index_cast %parallel_loop3A_124 : i32 to index
          %parallel_loop3A_253 = arith.constant 160 : index
          %parallel_loop3A_254 = tpu.vector_load %arg6[%parallel_loop3A_251, %parallel_loop3A_252, %parallel_loop3A_253] {strides = array<i32>} : memref<16x8x224xf32, #tpu.memory_space<vmem>>, vector<16xf32>,
          %parallel_loop3A_255 = arith.constant 2.570000e+02 : f32
          %parallel_loop3A_256 = vector.broadcast %parallel_loop3A_255 : f32 to vector<16xf32>
          %parallel_loop3A_257 = arith.mulf %parallel_loop3A_254, %parallel_loop3A_256 : vector<16xf32>
          %parallel_loop3A_258 = arith.fptosi %parallel_loop3A_257 : vector<16xf32> to vector<16xi32>
          %parallel_loop3A_259 = arith.constant 4 : i32
          %parallel_loop3A_260 = vector.broadcast %parallel_loop3A_259 : i32 to vector<16xi32>
          %parallel_loop3A_261 = arith.shli %parallel_loop3A_258, %parallel_loop3A_260 : vector<16xi32>
          %parallel_loop3A_262 = arith.addi %parallel_loop3A_261, %parallel_loop3A_130 : vector<16xi32>
          tpu.vector_store_idx %arg4[%parallel_loop3A_262], %broadcast_in_dim3A_35 {add = true} : memref<33024xf32, #tpu.memory_space<vmem>>[vector<16xi32>], vector<16xf32>,
          %parallel_loop3A_263 = arith.index_cast %parallel_loop3A_126 : i32 to index
          %parallel_loop3A_264 = arith.index_cast %parallel_loop3A_124 : i32 to index
          %parallel_loop3A_265 = arith.constant 176 : index
          %parallel_loop3A_266 = tpu.vector_load %arg6[%parallel_loop3A_263, %parallel_loop3A_264, %parallel_loop3A_265] {strides = array<i32>} : memref<16x8x224xf32, #tpu.memory_space<vmem>>, vector<16xf32>,
          %parallel_loop3A_267 = arith.constant 2.570000e+02 : f32
          %parallel_loop3A_268 = vector.broadcast %parallel_loop3A_267 : f32 to vector<16xf32>
          %parallel_loop3A_269 = arith.mulf %parallel_loop3A_266, %parallel_loop3A_268 : vector<16xf32>
          %parallel_loop3A_270 = arith.fptosi %parallel_loop3A_269 : vector<16xf32> to vector<16xi32>
          %parallel_loop3A_271 = arith.constant 4 : i32
          %parallel_loop3A_272 = vector.broadcast %parallel_loop3A_271 : i32 to vector<16xi32>
          %parallel_loop3A_273 = arith.shli %parallel_loop3A_270, %parallel_loop3A_272 : vector<16xi32>
          %parallel_loop3A_274 = arith.addi %parallel_loop3A_273, %parallel_loop3A_130 : vector<16xi32>
          tpu.vector_store_idx %arg4[%parallel_loop3A_274], %broadcast_in_dim3A_35 {add = true} : memref<33024xf32, #tpu.memory_space<vmem>>[vector<16xi32>], vector<16xf32>,
          %parallel_loop3A_275 = arith.index_cast %parallel_loop3A_126 : i32 to index
          %parallel_loop3A_276 = arith.index_cast %parallel_loop3A_124 : i32 to index
          %parallel_loop3A_277 = arith.constant 192 : index
          %parallel_loop3A_278 = tpu.vector_load %arg6[%parallel_loop3A_275, %parallel_loop3A_276, %parallel_loop3A_277] {strides = array<i32>} : memref<16x8x224xf32, #tpu.memory_space<vmem>>, vector<16xf32>,
          %parallel_loop3A_279 = arith.constant 2.570000e+02 : f32
          %parallel_loop3A_280 = vector.broadcast %parallel_loop3A_279 : f32 to vector<16xf32>
          %parallel_loop3A_281 = arith.mulf %parallel_loop3A_278, %parallel_loop3A_280 : vector<16xf32>
          %parallel_loop3A_282 = arith.fptosi %parallel_loop3A_281 : vector<16xf32> to vector<16xi32>
          %parallel_loop3A_283 = arith.constant 4 : i32
          %parallel_loop3A_284 = vector.broadcast %parallel_loop3A_283 : i32 to vector<16xi32>
          %parallel_loop3A_285 = arith.shli %parallel_loop3A_282, %parallel_loop3A_284 : vector<16xi32>
          %parallel_loop3A_286 = arith.addi %parallel_loop3A_285, %parallel_loop3A_130 : vector<16xi32>
          tpu.vector_store_idx %arg4[%parallel_loop3A_286], %broadcast_in_dim3A_35 {add = true} : memref<33024xf32, #tpu.memory_space<vmem>>[vector<16xi32>], vector<16xf32>,
          %parallel_loop3A_287 = arith.index_cast %parallel_loop3A_126 : i32 to index
          %parallel_loop3A_288 = arith.index_cast %parallel_loop3A_124 : i32 to index
          %parallel_loop3A_289 = arith.constant 208 : index
          %parallel_loop3A_290 = tpu.vector_load %arg6[%parallel_loop3A_287, %parallel_loop3A_288, %parallel_loop3A_289] {strides = array<i32>} : memref<16x8x224xf32, #tpu.memory_space<vmem>>, vector<16xf32>,
          %parallel_loop3A_291 = arith.constant 2.570000e+02 : f32
          %parallel_loop3A_292 = vector.broadcast %parallel_loop3A_291 : f32 to vector<16xf32>
          %parallel_loop3A_293 = arith.mulf %parallel_loop3A_290, %parallel_loop3A_292 : vector<16xf32>
          %parallel_loop3A_294 = arith.fptosi %parallel_loop3A_293 : vector<16xf32> to vector<16xi32>
          %parallel_loop3A_295 = arith.constant 4 : i32
          %parallel_loop3A_296 = vector.broadcast %parallel_loop3A_295 : i32 to vector<16xi32>
          %parallel_loop3A_297 = arith.shli %parallel_loop3A_294, %parallel_loop3A_296 : vector<16xi32>
          %parallel_loop3A_298 = arith.addi %parallel_loop3A_297, %parallel_loop3A_130 : vector<16xi32>
          tpu.vector_store_idx %arg4[%parallel_loop3A_298], %broadcast_in_dim3A_35 {add = true} : memref<33024xf32, #tpu.memory_space<vmem>>[vector<16xi32>], vector<16xf32>,
        } {sc.loop_unroll_factor = 1 : i64, sc.parallel_access}
        %lt3A_104 = arith.constant 6 : i32
        %lt3A_105 = arith.cmpi slt, %scan3A_74, %lt3A_104 : i32
        %convert_element_type3A = arith.extui %lt3A_105 : i1 to i32
        %cond3A = arith.constant 0 : i32
        %cond3A_106 = arith.cmpi ne, %convert_element_type3A, %cond3A : i32
        scf.if %cond3A_106 {
          %mul3A_122 = arith.constant 2 : i32
          %mul3A_123 = arith.muli %mul3A_122, %scan3A_74 : i32
          %add3A_124 = arith.constant 2 : i32
          %add3A_125 = arith.addi %mul3A_123, %add3A_124 : i32
          %mul3A_126 = arith.constant 16 : i32
          %mul3A_127 = arith.muli %add3A_125, %mul3A_126 : i32
          %mul3A_128 = arith.constant 8 : i32
          %mul3A_129 = arith.muli %scan3A_47, %mul3A_128 : i32
          %add3A_130 = arith.addi %mul3A_32, %mul3A_129 : i32
          %dma_start3A_131 = arith.constant 0 : i32
          %dma_start3A_132 = tpu.memref_slice %arg2[%add3A, %mul3A_127, %add3A_130, %dma_start3A_131] : memref<8x224x96x224xf32, #tpu.memory_space<hbm>> -> memref<1x16x8x224xf32, #tpu.memory_space<hbm>>
          %dma_start3A_133 = tpu.memref_squeeze %dma_start3A_132 : memref<1x16x8x224xf32, #tpu.memory_space<hbm>> -> memref<16x8x224xf32, #tpu.memory_space<hbm>>
          %dma_start3A_134 = arith.constant 0 : i32
          %dma_start3A_135 = tpu.memref_slice %arg2[%add3A, %mul3A_127, %add3A_130, %dma_start3A_134] : memref<8x224x96x224xf32, #tpu.memory_space<hbm>> -> memref<1x16x8x224xf32, #tpu.memory_space<hbm>>
          %dma_start3A_136 = tpu.memref_squeeze %dma_start3A_135 : memref<1x16x8x224xf32, #tpu.memory_space<hbm>> -> memref<16x8x224xf32, #tpu.memory_space<hbm>>
          tpu.enqueue_dma source(%dma_start3A_136 : memref<16x8x224xf32, #tpu.memory_space<hbm>>) target(%arg6 : memref<16x8x224xf32, #tpu.memory_space<vmem>>) target_semaphore(%arg9 : memref<!tpu.dma_semaphore, #tpu.memory_space<semaphore_mem>>)
        } else {
        }
        %dma_wait3A_107 = arith.constant 0 : i32
        %dma_wait3A_108 = arith.constant 0 : i32
        %dma_wait3A_109 = arith.constant 0 : i32
        %dma_wait3A_110 = arith.constant 0 : i32
        %dma_wait3A_111 = tpu.memref_slice %arg2[%dma_wait3A_107, %dma_wait3A_108, %dma_wait3A_109, %dma_wait3A_110] : memref<8x224x96x224xf32, #tpu.memory_space<hbm>> -> memref<1x16x8x224xf32, #tpu.memory_space<hbm>>
        %dma_wait3A_112 = tpu.memref_squeeze %dma_wait3A_111 : memref<1x16x8x224xf32, #tpu.memory_space<hbm>> -> memref<16x8x224xf32, #tpu.memory_space<hbm>>
        %dma_wait3A_113 = arith.constant 0 : i32
        %dma_wait3A_114 = arith.constant 0 : i32
        %dma_wait3A_115 = arith.constant 0 : i32
        %dma_wait3A_116 = tpu.memref_slice %arg2[%dma_wait3A_107, %dma_wait3A_113, %dma_wait3A_114, %dma_wait3A_115] : memref<8x224x96x224xf32, #tpu.memory_space<hbm>> -> memref<1x16x8x224xf32, #tpu.memory_space<hbm>>
        %dma_wait3A_117 = tpu.memref_squeeze %dma_wait3A_116 : memref<1x16x8x224xf32, #tpu.memory_space<hbm>> -> memref<16x8x224xf32, #tpu.memory_space<hbm>>
        tpu.wait_dma2 semaphore(%arg10 : memref<!tpu.dma_semaphore, #tpu.memory_space<semaphore_mem>>) src(%dma_wait3A_117 : memref<16x8x224xf32, #tpu.memory_space<hbm>>) dst(%arg7 : memref<16x8x224xf32, #tpu.memory_space<vmem>>)
        %parallel_loop3A_118 = arith.constant 0 : i32
        %parallel_loop3A_119 = arith.constant 128 : i32
        %parallel_loop3A_120 = arith.constant 1 : i32
        scf.for %parallel_loop3A_122 = %parallel_loop3A_118 to %parallel_loop3A_119 step %parallel_loop3A_120  : i32 {
          %parallel_loop3A_123 = arith.constant 4 : i32
          %parallel_loop3A_124 = arith.shrsi %parallel_loop3A_122, %parallel_loop3A_123 : i32
          %parallel_loop3A_125 = arith.constant 15 : i32
          %parallel_loop3A_126 = arith.andi %parallel_loop3A_122, %parallel_loop3A_125 : i32
          %parallel_loop3A_127 = arith.constant 4128 : i32
          %parallel_loop3A_128 = arith.muli %parallel_loop3A_124, %parallel_loop3A_127 : i32
          %parallel_loop3A_129 = vector.broadcast %parallel_loop3A_128 : i32 to vector<16xi32>
          %parallel_loop3A_130 = arith.addi %iota3A, %parallel_loop3A_129 : vector<16xi32>
          %parallel_loop3A_131 = arith.index_cast %parallel_loop3A_126 : i32 to index
          %parallel_loop3A_132 = arith.index_cast %parallel_loop3A_124 : i32 to index
          %parallel_loop3A_133 = arith.constant 0 : index
          %parallel_loop3A_134 = tpu.vector_load %arg7[%parallel_loop3A_131, %parallel_loop3A_132, %parallel_loop3A_133] {strides = array<i32>} : memref<16x8x224xf32, #tpu.memory_space<vmem>>, vector<16xf32>,
          %parallel_loop3A_135 = arith.constant 2.570000e+02 : f32
          %parallel_loop3A_136 = vector.broadcast %parallel_loop3A_135 : f32 to vector<16xf32>
          %parallel_loop3A_137 = arith.mulf %parallel_loop3A_134, %parallel_loop3A_136 : vector<16xf32>
          %parallel_loop3A_138 = arith.fptosi %parallel_loop3A_137 : vector<16xf32> to vector<16xi32>
          %parallel_loop3A_139 = arith.constant 4 : i32
          %parallel_loop3A_140 = vector.broadcast %parallel_loop3A_139 : i32 to vector<16xi32>
          %parallel_loop3A_141 = arith.shli %parallel_loop3A_138, %parallel_loop3A_140 : vector<16xi32>
          %parallel_loop3A_142 = arith.addi %parallel_loop3A_141, %parallel_loop3A_130 : vector<16xi32>
          tpu.vector_store_idx %arg4[%parallel_loop3A_142], %broadcast_in_dim3A_35 {add = true} : memref<33024xf32, #tpu.memory_space<vmem>>[vector<16xi32>], vector<16xf32>,
          %parallel_loop3A_143 = arith.index_cast %parallel_loop3A_126 : i32 to index
          %parallel_loop3A_144 = arith.index_cast %parallel_loop3A_124 : i32 to index
          %parallel_loop3A_145 = arith.constant 16 : index
          %parallel_loop3A_146 = tpu.vector_load %arg7[%parallel_loop3A_143, %parallel_loop3A_144, %parallel_loop3A_145] {strides = array<i32>} : memref<16x8x224xf32, #tpu.memory_space<vmem>>, vector<16xf32>,
          %parallel_loop3A_147 = arith.constant 2.570000e+02 : f32
          %parallel_loop3A_148 = vector.broadcast %parallel_loop3A_147 : f32 to vector<16xf32>
          %parallel_loop3A_149 = arith.mulf %parallel_loop3A_146, %parallel_loop3A_148 : vector<16xf32>
          %parallel_loop3A_150 = arith.fptosi %parallel_loop3A_149 : vector<16xf32> to vector<16xi32>
          %parallel_loop3A_151 = arith.constant 4 : i32
          %parallel_loop3A_152 = vector.broadcast %parallel_loop3A_151 : i32 to vector<16xi32>
          %parallel_loop3A_153 = arith.shli %parallel_loop3A_150, %parallel_loop3A_152 : vector<16xi32>
          %parallel_loop3A_154 = arith.addi %parallel_loop3A_153, %parallel_loop3A_130 : vector<16xi32>
          tpu.vector_store_idx %arg4[%parallel_loop3A_154], %broadcast_in_dim3A_35 {add = true} : memref<33024xf32, #tpu.memory_space<vmem>>[vector<16xi32>], vector<16xf32>,
          %parallel_loop3A_155 = arith.index_cast %parallel_loop3A_126 : i32 to index
          %parallel_loop3A_156 = arith.index_cast %parallel_loop3A_124 : i32 to index
          %parallel_loop3A_157 = arith.constant 32 : index
          %parallel_loop3A_158 = tpu.vector_load %arg7[%parallel_loop3A_155, %parallel_loop3A_156, %parallel_loop3A_157] {strides = array<i32>} : memref<16x8x224xf32, #tpu.memory_space<vmem>>, vector<16xf32>,
          %parallel_loop3A_159 = arith.constant 2.570000e+02 : f32
          %parallel_loop3A_160 = vector.broadcast %parallel_loop3A_159 : f32 to vector<16xf32>
          %parallel_loop3A_161 = arith.mulf %parallel_loop3A_158, %parallel_loop3A_160 : vector<16xf32>
          %parallel_loop3A_162 = arith.fptosi %parallel_loop3A_161 : vector<16xf32> to vector<16xi32>
          %parallel_loop3A_163 = arith.constant 4 : i32
          %parallel_loop3A_164 = vector.broadcast %parallel_loop3A_163 : i32 to vector<16xi32>
          %parallel_loop3A_165 = arith.shli %parallel_loop3A_162, %parallel_loop3A_164 : vector<16xi32>
          %parallel_loop3A_166 = arith.addi %parallel_loop3A_165, %parallel_loop3A_130 : vector<16xi32>
          tpu.vector_store_idx %arg4[%parallel_loop3A_166], %broadcast_in_dim3A_35 {add = true} : memref<33024xf32, #tpu.memory_space<vmem>>[vector<16xi32>], vector<16xf32>,
          %parallel_loop3A_167 = arith.index_cast %parallel_loop3A_126 : i32 to index
          %parallel_loop3A_168 = arith.index_cast %parallel_loop3A_124 : i32 to index
          %parallel_loop3A_169 = arith.constant 48 : index
          %parallel_loop3A_170 = tpu.vector_load %arg7[%parallel_loop3A_167, %parallel_loop3A_168, %parallel_loop3A_169] {strides = array<i32>} : memref<16x8x224xf32, #tpu.memory_space<vmem>>, vector<16xf32>,
          %parallel_loop3A_171 = arith.constant 2.570000e+02 : f32
          %parallel_loop3A_172 = vector.broadcast %parallel_loop3A_171 : f32 to vector<16xf32>
          %parallel_loop3A_173 = arith.mulf %parallel_loop3A_170, %parallel_loop3A_172 : vector<16xf32>
          %parallel_loop3A_174 = arith.fptosi %parallel_loop3A_173 : vector<16xf32> to vector<16xi32>
          %parallel_loop3A_175 = arith.constant 4 : i32
          %parallel_loop3A_176 = vector.broadcast %parallel_loop3A_175 : i32 to vector<16xi32>
          %parallel_loop3A_177 = arith.shli %parallel_loop3A_174, %parallel_loop3A_176 : vector<16xi32>
          %parallel_loop3A_178 = arith.addi %parallel_loop3A_177, %parallel_loop3A_130 : vector<16xi32>
          tpu.vector_store_idx %arg4[%parallel_loop3A_178], %broadcast_in_dim3A_35 {add = true} : memref<33024xf32, #tpu.memory_space<vmem>>[vector<16xi32>], vector<16xf32>,
          %parallel_loop3A_179 = arith.index_cast %parallel_loop3A_126 : i32 to index
          %parallel_loop3A_180 = arith.index_cast %parallel_loop3A_124 : i32 to index
          %parallel_loop3A_181 = arith.constant 64 : index
          %parallel_loop3A_182 = tpu.vector_load %arg7[%parallel_loop3A_179, %parallel_loop3A_180, %parallel_loop3A_181] {strides = array<i32>} : memref<16x8x224xf32, #tpu.memory_space<vmem>>, vector<16xf32>,
          %parallel_loop3A_183 = arith.constant 2.570000e+02 : f32
          %parallel_loop3A_184 = vector.broadcast %parallel_loop3A_183 : f32 to vector<16xf32>
          %parallel_loop3A_185 = arith.mulf %parallel_loop3A_182, %parallel_loop3A_184 : vector<16xf32>
          %parallel_loop3A_186 = arith.fptosi %parallel_loop3A_185 : vector<16xf32> to vector<16xi32>
          %parallel_loop3A_187 = arith.constant 4 : i32
          %parallel_loop3A_188 = vector.broadcast %parallel_loop3A_187 : i32 to vector<16xi32>
          %parallel_loop3A_189 = arith.shli %parallel_loop3A_186, %parallel_loop3A_188 : vector<16xi32>
          %parallel_loop3A_190 = arith.addi %parallel_loop3A_189, %parallel_loop3A_130 : vector<16xi32>
          tpu.vector_store_idx %arg4[%parallel_loop3A_190], %broadcast_in_dim3A_35 {add = true} : memref<33024xf32, #tpu.memory_space<vmem>>[vector<16xi32>], vector<16xf32>,
          %parallel_loop3A_191 = arith.index_cast %parallel_loop3A_126 : i32 to index
          %parallel_loop3A_192 = arith.index_cast %parallel_loop3A_124 : i32 to index
          %parallel_loop3A_193 = arith.constant 80 : index
          %parallel_loop3A_194 = tpu.vector_load %arg7[%parallel_loop3A_191, %parallel_loop3A_192, %parallel_loop3A_193] {strides = array<i32>} : memref<16x8x224xf32, #tpu.memory_space<vmem>>, vector<16xf32>,
          %parallel_loop3A_195 = arith.constant 2.570000e+02 : f32
          %parallel_loop3A_196 = vector.broadcast %parallel_loop3A_195 : f32 to vector<16xf32>
          %parallel_loop3A_197 = arith.mulf %parallel_loop3A_194, %parallel_loop3A_196 : vector<16xf32>
          %parallel_loop3A_198 = arith.fptosi %parallel_loop3A_197 : vector<16xf32> to vector<16xi32>
          %parallel_loop3A_199 = arith.constant 4 : i32
          %parallel_loop3A_200 = vector.broadcast %parallel_loop3A_199 : i32 to vector<16xi32>
          %parallel_loop3A_201 = arith.shli %parallel_loop3A_198, %parallel_loop3A_200 : vector<16xi32>
          %parallel_loop3A_202 = arith.addi %parallel_loop3A_201, %parallel_loop3A_130 : vector<16xi32>
          tpu.vector_store_idx %arg4[%parallel_loop3A_202], %broadcast_in_dim3A_35 {add = true} : memref<33024xf32, #tpu.memory_space<vmem>>[vector<16xi32>], vector<16xf32>,
          %parallel_loop3A_203 = arith.index_cast %parallel_loop3A_126 : i32 to index
          %parallel_loop3A_204 = arith.index_cast %parallel_loop3A_124 : i32 to index
          %parallel_loop3A_205 = arith.constant 96 : index
          %parallel_loop3A_206 = tpu.vector_load %arg7[%parallel_loop3A_203, %parallel_loop3A_204, %parallel_loop3A_205] {strides = array<i32>} : memref<16x8x224xf32, #tpu.memory_space<vmem>>, vector<16xf32>,
          %parallel_loop3A_207 = arith.constant 2.570000e+02 : f32
          %parallel_loop3A_208 = vector.broadcast %parallel_loop3A_207 : f32 to vector<16xf32>
          %parallel_loop3A_209 = arith.mulf %parallel_loop3A_206, %parallel_loop3A_208 : vector<16xf32>
          %parallel_loop3A_210 = arith.fptosi %parallel_loop3A_209 : vector<16xf32> to vector<16xi32>
          %parallel_loop3A_211 = arith.constant 4 : i32
          %parallel_loop3A_212 = vector.broadcast %parallel_loop3A_211 : i32 to vector<16xi32>
          %parallel_loop3A_213 = arith.shli %parallel_loop3A_210, %parallel_loop3A_212 : vector<16xi32>
          %parallel_loop3A_214 = arith.addi %parallel_loop3A_213, %parallel_loop3A_130 : vector<16xi32>
          tpu.vector_store_idx %arg4[%parallel_loop3A_214], %broadcast_in_dim3A_35 {add = true} : memref<33024xf32, #tpu.memory_space<vmem>>[vector<16xi32>], vector<16xf32>,
          %parallel_loop3A_215 = arith.index_cast %parallel_loop3A_126 : i32 to index
          %parallel_loop3A_216 = arith.index_cast %parallel_loop3A_124 : i32 to index
          %parallel_loop3A_217 = arith.constant 112 : index
          %parallel_loop3A_218 = tpu.vector_load %arg7[%parallel_loop3A_215, %parallel_loop3A_216, %parallel_loop3A_217] {strides = array<i32>} : memref<16x8x224xf32, #tpu.memory_space<vmem>>, vector<16xf32>,
          %parallel_loop3A_219 = arith.constant 2.570000e+02 : f32
          %parallel_loop3A_220 = vector.broadcast %parallel_loop3A_219 : f32 to vector<16xf32>
          %parallel_loop3A_221 = arith.mulf %parallel_loop3A_218, %parallel_loop3A_220 : vector<16xf32>
          %parallel_loop3A_222 = arith.fptosi %parallel_loop3A_221 : vector<16xf32> to vector<16xi32>
          %parallel_loop3A_223 = arith.constant 4 : i32
          %parallel_loop3A_224 = vector.broadcast %parallel_loop3A_223 : i32 to vector<16xi32>
          %parallel_loop3A_225 = arith.shli %parallel_loop3A_222, %parallel_loop3A_224 : vector<16xi32>
          %parallel_loop3A_226 = arith.addi %parallel_loop3A_225, %parallel_loop3A_130 : vector<16xi32>
          tpu.vector_store_idx %arg4[%parallel_loop3A_226], %broadcast_in_dim3A_35 {add = true} : memref<33024xf32, #tpu.memory_space<vmem>>[vector<16xi32>], vector<16xf32>,
          %parallel_loop3A_227 = arith.index_cast %parallel_loop3A_126 : i32 to index
          %parallel_loop3A_228 = arith.index_cast %parallel_loop3A_124 : i32 to index
          %parallel_loop3A_229 = arith.constant 128 : index
          %parallel_loop3A_230 = tpu.vector_load %arg7[%parallel_loop3A_227, %parallel_loop3A_228, %parallel_loop3A_229] {strides = array<i32>} : memref<16x8x224xf32, #tpu.memory_space<vmem>>, vector<16xf32>,
          %parallel_loop3A_231 = arith.constant 2.570000e+02 : f32
          %parallel_loop3A_232 = vector.broadcast %parallel_loop3A_231 : f32 to vector<16xf32>
          %parallel_loop3A_233 = arith.mulf %parallel_loop3A_230, %parallel_loop3A_232 : vector<16xf32>
          %parallel_loop3A_234 = arith.fptosi %parallel_loop3A_233 : vector<16xf32> to vector<16xi32>
          %parallel_loop3A_235 = arith.constant 4 : i32
          %parallel_loop3A_236 = vector.broadcast %parallel_loop3A_235 : i32 to vector<16xi32>
          %parallel_loop3A_237 = arith.shli %parallel_loop3A_234, %parallel_loop3A_236 : vector<16xi32>
          %parallel_loop3A_238 = arith.addi %parallel_loop3A_237, %parallel_loop3A_130 : vector<16xi32>
          tpu.vector_store_idx %arg4[%parallel_loop3A_238], %broadcast_in_dim3A_35 {add = true} : memref<33024xf32, #tpu.memory_space<vmem>>[vector<16xi32>], vector<16xf32>,
          %parallel_loop3A_239 = arith.index_cast %parallel_loop3A_126 : i32 to index
          %parallel_loop3A_240 = arith.index_cast %parallel_loop3A_124 : i32 to index
          %parallel_loop3A_241 = arith.constant 144 : index
          %parallel_loop3A_242 = tpu.vector_load %arg7[%parallel_loop3A_239, %parallel_loop3A_240, %parallel_loop3A_241] {strides = array<i32>} : memref<16x8x224xf32, #tpu.memory_space<vmem>>, vector<16xf32>,
          %parallel_loop3A_243 = arith.constant 2.570000e+02 : f32
          %parallel_loop3A_244 = vector.broadcast %parallel_loop3A_243 : f32 to vector<16xf32>
          %parallel_loop3A_245 = arith.mulf %parallel_loop3A_242, %parallel_loop3A_244 : vector<16xf32>
          %parallel_loop3A_246 = arith.fptosi %parallel_loop3A_245 : vector<16xf32> to vector<16xi32>
          %parallel_loop3A_247 = arith.constant 4 : i32
          %parallel_loop3A_248 = vector.broadcast %parallel_loop3A_247 : i32 to vector<16xi32>
          %parallel_loop3A_249 = arith.shli %parallel_loop3A_246, %parallel_loop3A_248 : vector<16xi32>
          %parallel_loop3A_250 = arith.addi %parallel_loop3A_249, %parallel_loop3A_130 : vector<16xi32>
          tpu.vector_store_idx %arg4[%parallel_loop3A_250], %broadcast_in_dim3A_35 {add = true} : memref<33024xf32, #tpu.memory_space<vmem>>[vector<16xi32>], vector<16xf32>,
          %parallel_loop3A_251 = arith.index_cast %parallel_loop3A_126 : i32 to index
          %parallel_loop3A_252 = arith.index_cast %parallel_loop3A_124 : i32 to index
          %parallel_loop3A_253 = arith.constant 160 : index
          %parallel_loop3A_254 = tpu.vector_load %arg7[%parallel_loop3A_251, %parallel_loop3A_252, %parallel_loop3A_253] {strides = array<i32>} : memref<16x8x224xf32, #tpu.memory_space<vmem>>, vector<16xf32>,
          %parallel_loop3A_255 = arith.constant 2.570000e+02 : f32
          %parallel_loop3A_256 = vector.broadcast %parallel_loop3A_255 : f32 to vector<16xf32>
          %parallel_loop3A_257 = arith.mulf %parallel_loop3A_254, %parallel_loop3A_256 : vector<16xf32>
          %parallel_loop3A_258 = arith.fptosi %parallel_loop3A_257 : vector<16xf32> to vector<16xi32>
          %parallel_loop3A_259 = arith.constant 4 : i32
          %parallel_loop3A_260 = vector.broadcast %parallel_loop3A_259 : i32 to vector<16xi32>
          %parallel_loop3A_261 = arith.shli %parallel_loop3A_258, %parallel_loop3A_260 : vector<16xi32>
          %parallel_loop3A_262 = arith.addi %parallel_loop3A_261, %parallel_loop3A_130 : vector<16xi32>
          tpu.vector_store_idx %arg4[%parallel_loop3A_262], %broadcast_in_dim3A_35 {add = true} : memref<33024xf32, #tpu.memory_space<vmem>>[vector<16xi32>], vector<16xf32>,
          %parallel_loop3A_263 = arith.index_cast %parallel_loop3A_126 : i32 to index
          %parallel_loop3A_264 = arith.index_cast %parallel_loop3A_124 : i32 to index
          %parallel_loop3A_265 = arith.constant 176 : index
          %parallel_loop3A_266 = tpu.vector_load %arg7[%parallel_loop3A_263, %parallel_loop3A_264, %parallel_loop3A_265] {strides = array<i32>} : memref<16x8x224xf32, #tpu.memory_space<vmem>>, vector<16xf32>,
          %parallel_loop3A_267 = arith.constant 2.570000e+02 : f32
          %parallel_loop3A_268 = vector.broadcast %parallel_loop3A_267 : f32 to vector<16xf32>
          %parallel_loop3A_269 = arith.mulf %parallel_loop3A_266, %parallel_loop3A_268 : vector<16xf32>
          %parallel_loop3A_270 = arith.fptosi %parallel_loop3A_269 : vector<16xf32> to vector<16xi32>
          %parallel_loop3A_271 = arith.constant 4 : i32
          %parallel_loop3A_272 = vector.broadcast %parallel_loop3A_271 : i32 to vector<16xi32>
          %parallel_loop3A_273 = arith.shli %parallel_loop3A_270, %parallel_loop3A_272 : vector<16xi32>
          %parallel_loop3A_274 = arith.addi %parallel_loop3A_273, %parallel_loop3A_130 : vector<16xi32>
          tpu.vector_store_idx %arg4[%parallel_loop3A_274], %broadcast_in_dim3A_35 {add = true} : memref<33024xf32, #tpu.memory_space<vmem>>[vector<16xi32>], vector<16xf32>,
          %parallel_loop3A_275 = arith.index_cast %parallel_loop3A_126 : i32 to index
          %parallel_loop3A_276 = arith.index_cast %parallel_loop3A_124 : i32 to index
          %parallel_loop3A_277 = arith.constant 192 : index
          %parallel_loop3A_278 = tpu.vector_load %arg7[%parallel_loop3A_275, %parallel_loop3A_276, %parallel_loop3A_277] {strides = array<i32>} : memref<16x8x224xf32, #tpu.memory_space<vmem>>, vector<16xf32>,
          %parallel_loop3A_279 = arith.constant 2.570000e+02 : f32
          %parallel_loop3A_280 = vector.broadcast %parallel_loop3A_279 : f32 to vector<16xf32>
          %parallel_loop3A_281 = arith.mulf %parallel_loop3A_278, %parallel_loop3A_280 : vector<16xf32>
          %parallel_loop3A_282 = arith.fptosi %parallel_loop3A_281 : vector<16xf32> to vector<16xi32>
          %parallel_loop3A_283 = arith.constant 4 : i32
          %parallel_loop3A_284 = vector.broadcast %parallel_loop3A_283 : i32 to vector<16xi32>
          %parallel_loop3A_285 = arith.shli %parallel_loop3A_282, %parallel_loop3A_284 : vector<16xi32>
          %parallel_loop3A_286 = arith.addi %parallel_loop3A_285, %parallel_loop3A_130 : vector<16xi32>
          tpu.vector_store_idx %arg4[%parallel_loop3A_286], %broadcast_in_dim3A_35 {add = true} : memref<33024xf32, #tpu.memory_space<vmem>>[vector<16xi32>], vector<16xf32>,
          %parallel_loop3A_287 = arith.index_cast %parallel_loop3A_126 : i32 to index
          %parallel_loop3A_288 = arith.index_cast %parallel_loop3A_124 : i32 to index
          %parallel_loop3A_289 = arith.constant 208 : index
          %parallel_loop3A_290 = tpu.vector_load %arg7[%parallel_loop3A_287, %parallel_loop3A_288, %parallel_loop3A_289] {strides = array<i32>} : memref<16x8x224xf32, #tpu.memory_space<vmem>>, vector<16xf32>,
          %parallel_loop3A_291 = arith.constant 2.570000e+02 : f32
          %parallel_loop3A_292 = vector.broadcast %parallel_loop3A_291 : f32 to vector<16xf32>
          %parallel_loop3A_293 = arith.mulf %parallel_loop3A_290, %parallel_loop3A_292 : vector<16xf32>
          %parallel_loop3A_294 = arith.fptosi %parallel_loop3A_293 : vector<16xf32> to vector<16xi32>
          %parallel_loop3A_295 = arith.constant 4 : i32
          %parallel_loop3A_296 = vector.broadcast %parallel_loop3A_295 : i32 to vector<16xi32>
          %parallel_loop3A_297 = arith.shli %parallel_loop3A_294, %parallel_loop3A_296 : vector<16xi32>
          %parallel_loop3A_298 = arith.addi %parallel_loop3A_297, %parallel_loop3A_130 : vector<16xi32>
          tpu.vector_store_idx %arg4[%parallel_loop3A_298], %broadcast_in_dim3A_35 {add = true} : memref<33024xf32, #tpu.memory_space<vmem>>[vector<16xi32>], vector<16xf32>,
        } {sc.loop_unroll_factor = 1 : i64, sc.parallel_access}
        %scan3A_121 = arith.constant 0 : i32
        scf.yield %scan3A_121 : i32
      }
      %scan3A_65 = arith.constant 7 : i32
      %scan3A_66 = arith.constant 0 : i32
      %scan3A_67 = arith.constant 0 : i32
      %scan3A_68 = arith.constant 8 : i32
      %scan3A_69 = arith.addi %scan3A_67, %scan3A_68 : i32
      %scan3A_70 = arith.constant 1 : i32
      %scan3A_71 = scf.for %scan3A_74 = %scan3A_67 to %scan3A_69 step %scan3A_70 iter_args(%scan3A_75 = %scan3A_66) -> (i32)  : i32 {
        %mul3A_76 = arith.constant 4128 : i32
        %mul3A_77 = arith.muli %scan3A_74, %mul3A_76 : i32
        %mul3A_78 = arith.constant 8 : i32
        %mul3A_79 = arith.muli %scan3A_47, %mul3A_78 : i32
        %add3A_80 = arith.addi %mul3A_79, %scan3A_74 : i32
        %get3A = arith.index_cast %mul3A_77 : i32 to index
        %get3A_81 = tpu.vector_load %arg4[%get3A] {strides = array<i32>} : memref<33024xf32, #tpu.memory_space<vmem>>, vector<16xf32>,
        %swap3A = arith.index_cast %mul3A_77 : i32 to index
        %swap3A_82 = tpu.vector_load %arg4[%swap3A] {strides = array<i32>} : memref<33024xf32, #tpu.memory_space<vmem>>, vector<16xf32>,
        tpu.vector_store %arg4[%swap3A], %broadcast_in_dim3A_33 {strides = array<i32>} : memref<33024xf32, #tpu.memory_space<vmem>>, vector<16xf32>,
        %reduce_sum3A = arith.constant true
        %reduce_sum3A_83 = vector.broadcast %reduce_sum3A : i1 to vector<16xi1>
        %reduce_sum3A_84 = tpu.scan <sum>, %get3A_81 masked %reduce_sum3A_83 : vector<16xf32>, vector<16xi1> -> vector<16xf32>
        %reduce_sum3A_85 = vector.extract %reduce_sum3A_84[15] : f32 from vector<16xf32>
        %sub3A_86 = arith.constant 5.017600e+04 : f32
        %sub3A_87 = arith.subf %sub3A_86, %reduce_sum3A_85 : f32
        %max3A = arith.constant 1.000000e-07 : f32
        %max3A_88 = arith.maximumf %sub3A_87, %max3A : f32
        %broadcast_in_dim3A_89 = vector.broadcast %max3A_88 : f32 to vector<16xf32>
        %div3A_90 = arith.constant 1.000000e+00 : f32
        %div3A_91 = vector.broadcast %div3A_90 : f32 to vector<16xf32>
        %div3A_92 = arith.divf %div3A_91, %broadcast_in_dim3A_89 : vector<16xf32>
        %parallel_loop3A_93 = arith.constant 0 : i32
        %parallel_loop3A_94 = arith.constant 16 : i32
        %parallel_loop3A_95 = arith.constant 1 : i32
        scf.for %parallel_loop3A_97 = %parallel_loop3A_93 to %parallel_loop3A_94 step %parallel_loop3A_95  : i32 {
          %parallel_loop3A_98 = arith.constant 272 : i32
          %parallel_loop3A_99 = arith.muli %parallel_loop3A_97, %parallel_loop3A_98 : i32
          %parallel_loop3A_100 = arith.constant 256 : i32
          %parallel_loop3A_101 = arith.muli %parallel_loop3A_97, %parallel_loop3A_100 : i32
          %parallel_loop3A_102 = arith.addi %mul3A_77, %parallel_loop3A_101 : i32
          %parallel_loop3A_103 = arith.constant 16 : i32
          %parallel_loop3A_104 = arith.addi %parallel_loop3A_102, %parallel_loop3A_103 : i32
          %parallel_loop3A_105 = arith.index_cast %parallel_loop3A_104 : i32 to index
          %parallel_loop3A_106 = tpu.vector_load %arg4[%parallel_loop3A_105] {strides = array<i32>} : memref<33024xf32, #tpu.memory_space<vmem>>, vector<16xf32>,
          %parallel_loop3A_107 = arith.constant 0 : i32
          %parallel_loop3A_108 = vector.broadcast %parallel_loop3A_107 : i32 to vector<16xi32>
          %parallel_loop3A_109 = arith.addi %mul3A_38, %parallel_loop3A_108 : vector<16xi32>
          %parallel_loop3A_110 = tpu.memref_slice %arg5[%parallel_loop3A_99] : memref<4352xf32, #tpu.memory_space<vmem>> -> memref<272xf32, #tpu.memory_space<vmem>>
          tpu.vector_store_idx %parallel_loop3A_110[%parallel_loop3A_109], %parallel_loop3A_106 : memref<272xf32, #tpu.memory_space<vmem>>[vector<16xi32>], vector<16xf32>,
          %parallel_loop3A_111 = arith.index_cast %parallel_loop3A_104 : i32 to index
          %parallel_loop3A_112 = tpu.vector_load %arg4[%parallel_loop3A_111] {strides = array<i32>} : memref<33024xf32, #tpu.memory_space<vmem>>, vector<16xf32>,
          tpu.vector_store %arg4[%parallel_loop3A_111], %broadcast_in_dim3A_33 {strides = array<i32>} : memref<33024xf32, #tpu.memory_space<vmem>>, vector<16xf32>,
          %parallel_loop3A_113 = arith.constant 256 : i32
          %parallel_loop3A_114 = arith.muli %parallel_loop3A_97, %parallel_loop3A_113 : i32
          %parallel_loop3A_115 = arith.addi %mul3A_77, %parallel_loop3A_114 : i32
          %parallel_loop3A_116 = arith.constant 32 : i32
          %parallel_loop3A_117 = arith.addi %parallel_loop3A_115, %parallel_loop3A_116 : i32
          %parallel_loop3A_118 = arith.index_cast %parallel_loop3A_117 : i32 to index
          %parallel_loop3A_119 = tpu.vector_load %arg4[%parallel_loop3A_118] {strides = array<i32>} : memref<33024xf32, #tpu.memory_space<vmem>>, vector<16xf32>,
          %parallel_loop3A_120 = arith.constant 1 : i32
          %parallel_loop3A_121 = vector.broadcast %parallel_loop3A_120 : i32 to vector<16xi32>
          %parallel_loop3A_122 = arith.addi %mul3A_38, %parallel_loop3A_121 : vector<16xi32>
          %parallel_loop3A_123 = tpu.memref_slice %arg5[%parallel_loop3A_99] : memref<4352xf32, #tpu.memory_space<vmem>> -> memref<272xf32, #tpu.memory_space<vmem>>
          tpu.vector_store_idx %parallel_loop3A_123[%parallel_loop3A_122], %parallel_loop3A_119 : memref<272xf32, #tpu.memory_space<vmem>>[vector<16xi32>], vector<16xf32>,
          %parallel_loop3A_124 = arith.index_cast %parallel_loop3A_117 : i32 to index
          %parallel_loop3A_125 = tpu.vector_load %arg4[%parallel_loop3A_124] {strides = array<i32>} : memref<33024xf32, #tpu.memory_space<vmem>>, vector<16xf32>,
          tpu.vector_store %arg4[%parallel_loop3A_124], %broadcast_in_dim3A_33 {strides = array<i32>} : memref<33024xf32, #tpu.memory_space<vmem>>, vector<16xf32>,
          %parallel_loop3A_126 = arith.constant 256 : i32
          %parallel_loop3A_127 = arith.muli %parallel_loop3A_97, %parallel_loop3A_126 : i32
          %parallel_loop3A_128 = arith.addi %mul3A_77, %parallel_loop3A_127 : i32
          %parallel_loop3A_129 = arith.constant 48 : i32
          %parallel_loop3A_130 = arith.addi %parallel_loop3A_128, %parallel_loop3A_129 : i32
          %parallel_loop3A_131 = arith.index_cast %parallel_loop3A_130 : i32 to index
          %parallel_loop3A_132 = tpu.vector_load %arg4[%parallel_loop3A_131] {strides = array<i32>} : memref<33024xf32, #tpu.memory_space<vmem>>, vector<16xf32>,
          %parallel_loop3A_133 = arith.constant 2 : i32
          %parallel_loop3A_134 = vector.broadcast %parallel_loop3A_133 : i32 to vector<16xi32>
          %parallel_loop3A_135 = arith.addi %mul3A_38, %parallel_loop3A_134 : vector<16xi32>
          %parallel_loop3A_136 = tpu.memref_slice %arg5[%parallel_loop3A_99] : memref<4352xf32, #tpu.memory_space<vmem>> -> memref<272xf32, #tpu.memory_space<vmem>>
          tpu.vector_store_idx %parallel_loop3A_136[%parallel_loop3A_135], %parallel_loop3A_132 : memref<272xf32, #tpu.memory_space<vmem>>[vector<16xi32>], vector<16xf32>,
          %parallel_loop3A_137 = arith.index_cast %parallel_loop3A_130 : i32 to index
          %parallel_loop3A_138 = tpu.vector_load %arg4[%parallel_loop3A_137] {strides = array<i32>} : memref<33024xf32, #tpu.memory_space<vmem>>, vector<16xf32>,
          tpu.vector_store %arg4[%parallel_loop3A_137], %broadcast_in_dim3A_33 {strides = array<i32>} : memref<33024xf32, #tpu.memory_space<vmem>>, vector<16xf32>,
          %parallel_loop3A_139 = arith.constant 256 : i32
          %parallel_loop3A_140 = arith.muli %parallel_loop3A_97, %parallel_loop3A_139 : i32
          %parallel_loop3A_141 = arith.addi %mul3A_77, %parallel_loop3A_140 : i32
          %parallel_loop3A_142 = arith.constant 64 : i32
          %parallel_loop3A_143 = arith.addi %parallel_loop3A_141, %parallel_loop3A_142 : i32
          %parallel_loop3A_144 = arith.index_cast %parallel_loop3A_143 : i32 to index
          %parallel_loop3A_145 = tpu.vector_load %arg4[%parallel_loop3A_144] {strides = array<i32>} : memref<33024xf32, #tpu.memory_space<vmem>>, vector<16xf32>,
          %parallel_loop3A_146 = arith.constant 3 : i32
          %parallel_loop3A_147 = vector.broadcast %parallel_loop3A_146 : i32 to vector<16xi32>
          %parallel_loop3A_148 = arith.addi %mul3A_38, %parallel_loop3A_147 : vector<16xi32>
          %parallel_loop3A_149 = tpu.memref_slice %arg5[%parallel_loop3A_99] : memref<4352xf32, #tpu.memory_space<vmem>> -> memref<272xf32, #tpu.memory_space<vmem>>
          tpu.vector_store_idx %parallel_loop3A_149[%parallel_loop3A_148], %parallel_loop3A_145 : memref<272xf32, #tpu.memory_space<vmem>>[vector<16xi32>], vector<16xf32>,
          %parallel_loop3A_150 = arith.index_cast %parallel_loop3A_143 : i32 to index
          %parallel_loop3A_151 = tpu.vector_load %arg4[%parallel_loop3A_150] {strides = array<i32>} : memref<33024xf32, #tpu.memory_space<vmem>>, vector<16xf32>,
          tpu.vector_store %arg4[%parallel_loop3A_150], %broadcast_in_dim3A_33 {strides = array<i32>} : memref<33024xf32, #tpu.memory_space<vmem>>, vector<16xf32>,
          %parallel_loop3A_152 = arith.constant 256 : i32
          %parallel_loop3A_153 = arith.muli %parallel_loop3A_97, %parallel_loop3A_152 : i32
          %parallel_loop3A_154 = arith.addi %mul3A_77, %parallel_loop3A_153 : i32
          %parallel_loop3A_155 = arith.constant 80 : i32
          %parallel_loop3A_156 = arith.addi %parallel_loop3A_154, %parallel_loop3A_155 : i32
          %parallel_loop3A_157 = arith.index_cast %parallel_loop3A_156 : i32 to index
          %parallel_loop3A_158 = tpu.vector_load %arg4[%parallel_loop3A_157] {strides = array<i32>} : memref<33024xf32, #tpu.memory_space<vmem>>, vector<16xf32>,
          %parallel_loop3A_159 = arith.constant 4 : i32
          %parallel_loop3A_160 = vector.broadcast %parallel_loop3A_159 : i32 to vector<16xi32>
          %parallel_loop3A_161 = arith.addi %mul3A_38, %parallel_loop3A_160 : vector<16xi32>
          %parallel_loop3A_162 = tpu.memref_slice %arg5[%parallel_loop3A_99] : memref<4352xf32, #tpu.memory_space<vmem>> -> memref<272xf32, #tpu.memory_space<vmem>>
          tpu.vector_store_idx %parallel_loop3A_162[%parallel_loop3A_161], %parallel_loop3A_158 : memref<272xf32, #tpu.memory_space<vmem>>[vector<16xi32>], vector<16xf32>,
          %parallel_loop3A_163 = arith.index_cast %parallel_loop3A_156 : i32 to index
          %parallel_loop3A_164 = tpu.vector_load %arg4[%parallel_loop3A_163] {strides = array<i32>} : memref<33024xf32, #tpu.memory_space<vmem>>, vector<16xf32>,
          tpu.vector_store %arg4[%parallel_loop3A_163], %broadcast_in_dim3A_33 {strides = array<i32>} : memref<33024xf32, #tpu.memory_space<vmem>>, vector<16xf32>,
          %parallel_loop3A_165 = arith.constant 256 : i32
          %parallel_loop3A_166 = arith.muli %parallel_loop3A_97, %parallel_loop3A_165 : i32
          %parallel_loop3A_167 = arith.addi %mul3A_77, %parallel_loop3A_166 : i32
          %parallel_loop3A_168 = arith.constant 96 : i32
          %parallel_loop3A_169 = arith.addi %parallel_loop3A_167, %parallel_loop3A_168 : i32
          %parallel_loop3A_170 = arith.index_cast %parallel_loop3A_169 : i32 to index
          %parallel_loop3A_171 = tpu.vector_load %arg4[%parallel_loop3A_170] {strides = array<i32>} : memref<33024xf32, #tpu.memory_space<vmem>>, vector<16xf32>,
          %parallel_loop3A_172 = arith.constant 5 : i32
          %parallel_loop3A_173 = vector.broadcast %parallel_loop3A_172 : i32 to vector<16xi32>
          %parallel_loop3A_174 = arith.addi %mul3A_38, %parallel_loop3A_173 : vector<16xi32>
          %parallel_loop3A_175 = tpu.memref_slice %arg5[%parallel_loop3A_99] : memref<4352xf32, #tpu.memory_space<vmem>> -> memref<272xf32, #tpu.memory_space<vmem>>
          tpu.vector_store_idx %parallel_loop3A_175[%parallel_loop3A_174], %parallel_loop3A_171 : memref<272xf32, #tpu.memory_space<vmem>>[vector<16xi32>], vector<16xf32>,
          %parallel_loop3A_176 = arith.index_cast %parallel_loop3A_169 : i32 to index
          %parallel_loop3A_177 = tpu.vector_load %arg4[%parallel_loop3A_176] {strides = array<i32>} : memref<33024xf32, #tpu.memory_space<vmem>>, vector<16xf32>,
          tpu.vector_store %arg4[%parallel_loop3A_176], %broadcast_in_dim3A_33 {strides = array<i32>} : memref<33024xf32, #tpu.memory_space<vmem>>, vector<16xf32>,
          %parallel_loop3A_178 = arith.constant 256 : i32
          %parallel_loop3A_179 = arith.muli %parallel_loop3A_97, %parallel_loop3A_178 : i32
          %parallel_loop3A_180 = arith.addi %mul3A_77, %parallel_loop3A_179 : i32
          %parallel_loop3A_181 = arith.constant 112 : i32
          %parallel_loop3A_182 = arith.addi %parallel_loop3A_180, %parallel_loop3A_181 : i32
          %parallel_loop3A_183 = arith.index_cast %parallel_loop3A_182 : i32 to index
          %parallel_loop3A_184 = tpu.vector_load %arg4[%parallel_loop3A_183] {strides = array<i32>} : memref<33024xf32, #tpu.memory_space<vmem>>, vector<16xf32>,
          %parallel_loop3A_185 = arith.constant 6 : i32
          %parallel_loop3A_186 = vector.broadcast %parallel_loop3A_185 : i32 to vector<16xi32>
          %parallel_loop3A_187 = arith.addi %mul3A_38, %parallel_loop3A_186 : vector<16xi32>
          %parallel_loop3A_188 = tpu.memref_slice %arg5[%parallel_loop3A_99] : memref<4352xf32, #tpu.memory_space<vmem>> -> memref<272xf32, #tpu.memory_space<vmem>>
          tpu.vector_store_idx %parallel_loop3A_188[%parallel_loop3A_187], %parallel_loop3A_184 : memref<272xf32, #tpu.memory_space<vmem>>[vector<16xi32>], vector<16xf32>,
          %parallel_loop3A_189 = arith.index_cast %parallel_loop3A_182 : i32 to index
          %parallel_loop3A_190 = tpu.vector_load %arg4[%parallel_loop3A_189] {strides = array<i32>} : memref<33024xf32, #tpu.memory_space<vmem>>, vector<16xf32>,
          tpu.vector_store %arg4[%parallel_loop3A_189], %broadcast_in_dim3A_33 {strides = array<i32>} : memref<33024xf32, #tpu.memory_space<vmem>>, vector<16xf32>,
          %parallel_loop3A_191 = arith.constant 256 : i32
          %parallel_loop3A_192 = arith.muli %parallel_loop3A_97, %parallel_loop3A_191 : i32
          %parallel_loop3A_193 = arith.addi %mul3A_77, %parallel_loop3A_192 : i32
          %parallel_loop3A_194 = arith.constant 128 : i32
          %parallel_loop3A_195 = arith.addi %parallel_loop3A_193, %parallel_loop3A_194 : i32
          %parallel_loop3A_196 = arith.index_cast %parallel_loop3A_195 : i32 to index
          %parallel_loop3A_197 = tpu.vector_load %arg4[%parallel_loop3A_196] {strides = array<i32>} : memref<33024xf32, #tpu.memory_space<vmem>>, vector<16xf32>,
          %parallel_loop3A_198 = arith.constant 7 : i32
          %parallel_loop3A_199 = vector.broadcast %parallel_loop3A_198 : i32 to vector<16xi32>
          %parallel_loop3A_200 = arith.addi %mul3A_38, %parallel_loop3A_199 : vector<16xi32>
          %parallel_loop3A_201 = tpu.memref_slice %arg5[%parallel_loop3A_99] : memref<4352xf32, #tpu.memory_space<vmem>> -> memref<272xf32, #tpu.memory_space<vmem>>
          tpu.vector_store_idx %parallel_loop3A_201[%parallel_loop3A_200], %parallel_loop3A_197 : memref<272xf32, #tpu.memory_space<vmem>>[vector<16xi32>], vector<16xf32>,
          %parallel_loop3A_202 = arith.index_cast %parallel_loop3A_195 : i32 to index
          %parallel_loop3A_203 = tpu.vector_load %arg4[%parallel_loop3A_202] {strides = array<i32>} : memref<33024xf32, #tpu.memory_space<vmem>>, vector<16xf32>,
          tpu.vector_store %arg4[%parallel_loop3A_202], %broadcast_in_dim3A_33 {strides = array<i32>} : memref<33024xf32, #tpu.memory_space<vmem>>, vector<16xf32>,
          %parallel_loop3A_204 = arith.constant 256 : i32
          %parallel_loop3A_205 = arith.muli %parallel_loop3A_97, %parallel_loop3A_204 : i32
          %parallel_loop3A_206 = arith.addi %mul3A_77, %parallel_loop3A_205 : i32
          %parallel_loop3A_207 = arith.constant 144 : i32
          %parallel_loop3A_208 = arith.addi %parallel_loop3A_206, %parallel_loop3A_207 : i32
          %parallel_loop3A_209 = arith.index_cast %parallel_loop3A_208 : i32 to index
          %parallel_loop3A_210 = tpu.vector_load %arg4[%parallel_loop3A_209] {strides = array<i32>} : memref<33024xf32, #tpu.memory_space<vmem>>, vector<16xf32>,
          %parallel_loop3A_211 = arith.constant 8 : i32
          %parallel_loop3A_212 = vector.broadcast %parallel_loop3A_211 : i32 to vector<16xi32>
          %parallel_loop3A_213 = arith.addi %mul3A_38, %parallel_loop3A_212 : vector<16xi32>
          %parallel_loop3A_214 = tpu.memref_slice %arg5[%parallel_loop3A_99] : memref<4352xf32, #tpu.memory_space<vmem>> -> memref<272xf32, #tpu.memory_space<vmem>>
          tpu.vector_store_idx %parallel_loop3A_214[%parallel_loop3A_213], %parallel_loop3A_210 : memref<272xf32, #tpu.memory_space<vmem>>[vector<16xi32>], vector<16xf32>,
          %parallel_loop3A_215 = arith.index_cast %parallel_loop3A_208 : i32 to index
          %parallel_loop3A_216 = tpu.vector_load %arg4[%parallel_loop3A_215] {strides = array<i32>} : memref<33024xf32, #tpu.memory_space<vmem>>, vector<16xf32>,
          tpu.vector_store %arg4[%parallel_loop3A_215], %broadcast_in_dim3A_33 {strides = array<i32>} : memref<33024xf32, #tpu.memory_space<vmem>>, vector<16xf32>,
          %parallel_loop3A_217 = arith.constant 256 : i32
          %parallel_loop3A_218 = arith.muli %parallel_loop3A_97, %parallel_loop3A_217 : i32
          %parallel_loop3A_219 = arith.addi %mul3A_77, %parallel_loop3A_218 : i32
          %parallel_loop3A_220 = arith.constant 160 : i32
          %parallel_loop3A_221 = arith.addi %parallel_loop3A_219, %parallel_loop3A_220 : i32
          %parallel_loop3A_222 = arith.index_cast %parallel_loop3A_221 : i32 to index
          %parallel_loop3A_223 = tpu.vector_load %arg4[%parallel_loop3A_222] {strides = array<i32>} : memref<33024xf32, #tpu.memory_space<vmem>>, vector<16xf32>,
          %parallel_loop3A_224 = arith.constant 9 : i32
          %parallel_loop3A_225 = vector.broadcast %parallel_loop3A_224 : i32 to vector<16xi32>
          %parallel_loop3A_226 = arith.addi %mul3A_38, %parallel_loop3A_225 : vector<16xi32>
          %parallel_loop3A_227 = tpu.memref_slice %arg5[%parallel_loop3A_99] : memref<4352xf32, #tpu.memory_space<vmem>> -> memref<272xf32, #tpu.memory_space<vmem>>
          tpu.vector_store_idx %parallel_loop3A_227[%parallel_loop3A_226], %parallel_loop3A_223 : memref<272xf32, #tpu.memory_space<vmem>>[vector<16xi32>], vector<16xf32>,
          %parallel_loop3A_228 = arith.index_cast %parallel_loop3A_221 : i32 to index
          %parallel_loop3A_229 = tpu.vector_load %arg4[%parallel_loop3A_228] {strides = array<i32>} : memref<33024xf32, #tpu.memory_space<vmem>>, vector<16xf32>,
          tpu.vector_store %arg4[%parallel_loop3A_228], %broadcast_in_dim3A_33 {strides = array<i32>} : memref<33024xf32, #tpu.memory_space<vmem>>, vector<16xf32>,
          %parallel_loop3A_230 = arith.constant 256 : i32
          %parallel_loop3A_231 = arith.muli %parallel_loop3A_97, %parallel_loop3A_230 : i32
          %parallel_loop3A_232 = arith.addi %mul3A_77, %parallel_loop3A_231 : i32
          %parallel_loop3A_233 = arith.constant 176 : i32
          %parallel_loop3A_234 = arith.addi %parallel_loop3A_232, %parallel_loop3A_233 : i32
          %parallel_loop3A_235 = arith.index_cast %parallel_loop3A_234 : i32 to index
          %parallel_loop3A_236 = tpu.vector_load %arg4[%parallel_loop3A_235] {strides = array<i32>} : memref<33024xf32, #tpu.memory_space<vmem>>, vector<16xf32>,
          %parallel_loop3A_237 = arith.constant 10 : i32
          %parallel_loop3A_238 = vector.broadcast %parallel_loop3A_237 : i32 to vector<16xi32>
          %parallel_loop3A_239 = arith.addi %mul3A_38, %parallel_loop3A_238 : vector<16xi32>
          %parallel_loop3A_240 = tpu.memref_slice %arg5[%parallel_loop3A_99] : memref<4352xf32, #tpu.memory_space<vmem>> -> memref<272xf32, #tpu.memory_space<vmem>>
          tpu.vector_store_idx %parallel_loop3A_240[%parallel_loop3A_239], %parallel_loop3A_236 : memref<272xf32, #tpu.memory_space<vmem>>[vector<16xi32>], vector<16xf32>,
          %parallel_loop3A_241 = arith.index_cast %parallel_loop3A_234 : i32 to index
          %parallel_loop3A_242 = tpu.vector_load %arg4[%parallel_loop3A_241] {strides = array<i32>} : memref<33024xf32, #tpu.memory_space<vmem>>, vector<16xf32>,
          tpu.vector_store %arg4[%parallel_loop3A_241], %broadcast_in_dim3A_33 {strides = array<i32>} : memref<33024xf32, #tpu.memory_space<vmem>>, vector<16xf32>,
          %parallel_loop3A_243 = arith.constant 256 : i32
          %parallel_loop3A_244 = arith.muli %parallel_loop3A_97, %parallel_loop3A_243 : i32
          %parallel_loop3A_245 = arith.addi %mul3A_77, %parallel_loop3A_244 : i32
          %parallel_loop3A_246 = arith.constant 192 : i32
          %parallel_loop3A_247 = arith.addi %parallel_loop3A_245, %parallel_loop3A_246 : i32
          %parallel_loop3A_248 = arith.index_cast %parallel_loop3A_247 : i32 to index
          %parallel_loop3A_249 = tpu.vector_load %arg4[%parallel_loop3A_248] {strides = array<i32>} : memref<33024xf32, #tpu.memory_space<vmem>>, vector<16xf32>,
          %parallel_loop3A_250 = arith.constant 11 : i32
          %parallel_loop3A_251 = vector.broadcast %parallel_loop3A_250 : i32 to vector<16xi32>
          %parallel_loop3A_252 = arith.addi %mul3A_38, %parallel_loop3A_251 : vector<16xi32>
          %parallel_loop3A_253 = tpu.memref_slice %arg5[%parallel_loop3A_99] : memref<4352xf32, #tpu.memory_space<vmem>> -> memref<272xf32, #tpu.memory_space<vmem>>
          tpu.vector_store_idx %parallel_loop3A_253[%parallel_loop3A_252], %parallel_loop3A_249 : memref<272xf32, #tpu.memory_space<vmem>>[vector<16xi32>], vector<16xf32>,
          %parallel_loop3A_254 = arith.index_cast %parallel_loop3A_247 : i32 to index
          %parallel_loop3A_255 = tpu.vector_load %arg4[%parallel_loop3A_254] {strides = array<i32>} : memref<33024xf32, #tpu.memory_space<vmem>>, vector<16xf32>,
          tpu.vector_store %arg4[%parallel_loop3A_254], %broadcast_in_dim3A_33 {strides = array<i32>} : memref<33024xf32, #tpu.memory_space<vmem>>, vector<16xf32>,
          %parallel_loop3A_256 = arith.constant 256 : i32
          %parallel_loop3A_257 = arith.muli %parallel_loop3A_97, %parallel_loop3A_256 : i32
          %parallel_loop3A_258 = arith.addi %mul3A_77, %parallel_loop3A_257 : i32
          %parallel_loop3A_259 = arith.constant 208 : i32
          %parallel_loop3A_260 = arith.addi %parallel_loop3A_258, %parallel_loop3A_259 : i32
          %parallel_loop3A_261 = arith.index_cast %parallel_loop3A_260 : i32 to index
          %parallel_loop3A_262 = tpu.vector_load %arg4[%parallel_loop3A_261] {strides = array<i32>} : memref<33024xf32, #tpu.memory_space<vmem>>, vector<16xf32>,
          %parallel_loop3A_263 = arith.constant 12 : i32
          %parallel_loop3A_264 = vector.broadcast %parallel_loop3A_263 : i32 to vector<16xi32>
          %parallel_loop3A_265 = arith.addi %mul3A_38, %parallel_loop3A_264 : vector<16xi32>
          %parallel_loop3A_266 = tpu.memref_slice %arg5[%parallel_loop3A_99] : memref<4352xf32, #tpu.memory_space<vmem>> -> memref<272xf32, #tpu.memory_space<vmem>>
          tpu.vector_store_idx %parallel_loop3A_266[%parallel_loop3A_265], %parallel_loop3A_262 : memref<272xf32, #tpu.memory_space<vmem>>[vector<16xi32>], vector<16xf32>,
          %parallel_loop3A_267 = arith.index_cast %parallel_loop3A_260 : i32 to index
          %parallel_loop3A_268 = tpu.vector_load %arg4[%parallel_loop3A_267] {strides = array<i32>} : memref<33024xf32, #tpu.memory_space<vmem>>, vector<16xf32>,
          tpu.vector_store %arg4[%parallel_loop3A_267], %broadcast_in_dim3A_33 {strides = array<i32>} : memref<33024xf32, #tpu.memory_space<vmem>>, vector<16xf32>,
          %parallel_loop3A_269 = arith.constant 256 : i32
          %parallel_loop3A_270 = arith.muli %parallel_loop3A_97, %parallel_loop3A_269 : i32
          %parallel_loop3A_271 = arith.addi %mul3A_77, %parallel_loop3A_270 : i32
          %parallel_loop3A_272 = arith.constant 224 : i32
          %parallel_loop3A_273 = arith.addi %parallel_loop3A_271, %parallel_loop3A_272 : i32
          %parallel_loop3A_274 = arith.index_cast %parallel_loop3A_273 : i32 to index
          %parallel_loop3A_275 = tpu.vector_load %arg4[%parallel_loop3A_274] {strides = array<i32>} : memref<33024xf32, #tpu.memory_space<vmem>>, vector<16xf32>,
          %parallel_loop3A_276 = arith.constant 13 : i32
          %parallel_loop3A_277 = vector.broadcast %parallel_loop3A_276 : i32 to vector<16xi32>
          %parallel_loop3A_278 = arith.addi %mul3A_38, %parallel_loop3A_277 : vector<16xi32>
          %parallel_loop3A_279 = tpu.memref_slice %arg5[%parallel_loop3A_99] : memref<4352xf32, #tpu.memory_space<vmem>> -> memref<272xf32, #tpu.memory_space<vmem>>
          tpu.vector_store_idx %parallel_loop3A_279[%parallel_loop3A_278], %parallel_loop3A_275 : memref<272xf32, #tpu.memory_space<vmem>>[vector<16xi32>], vector<16xf32>,
          %parallel_loop3A_280 = arith.index_cast %parallel_loop3A_273 : i32 to index
          %parallel_loop3A_281 = tpu.vector_load %arg4[%parallel_loop3A_280] {strides = array<i32>} : memref<33024xf32, #tpu.memory_space<vmem>>, vector<16xf32>,
          tpu.vector_store %arg4[%parallel_loop3A_280], %broadcast_in_dim3A_33 {strides = array<i32>} : memref<33024xf32, #tpu.memory_space<vmem>>, vector<16xf32>,
          %parallel_loop3A_282 = arith.constant 256 : i32
          %parallel_loop3A_283 = arith.muli %parallel_loop3A_97, %parallel_loop3A_282 : i32
          %parallel_loop3A_284 = arith.addi %mul3A_77, %parallel_loop3A_283 : i32
          %parallel_loop3A_285 = arith.constant 240 : i32
          %parallel_loop3A_286 = arith.addi %parallel_loop3A_284, %parallel_loop3A_285 : i32
          %parallel_loop3A_287 = arith.index_cast %parallel_loop3A_286 : i32 to index
          %parallel_loop3A_288 = tpu.vector_load %arg4[%parallel_loop3A_287] {strides = array<i32>} : memref<33024xf32, #tpu.memory_space<vmem>>, vector<16xf32>,
          %parallel_loop3A_289 = arith.constant 14 : i32
          %parallel_loop3A_290 = vector.broadcast %parallel_loop3A_289 : i32 to vector<16xi32>
          %parallel_loop3A_291 = arith.addi %mul3A_38, %parallel_loop3A_290 : vector<16xi32>
          %parallel_loop3A_292 = tpu.memref_slice %arg5[%parallel_loop3A_99] : memref<4352xf32, #tpu.memory_space<vmem>> -> memref<272xf32, #tpu.memory_space<vmem>>
          tpu.vector_store_idx %parallel_loop3A_292[%parallel_loop3A_291], %parallel_loop3A_288 : memref<272xf32, #tpu.memory_space<vmem>>[vector<16xi32>], vector<16xf32>,
          %parallel_loop3A_293 = arith.index_cast %parallel_loop3A_286 : i32 to index
          %parallel_loop3A_294 = tpu.vector_load %arg4[%parallel_loop3A_293] {strides = array<i32>} : memref<33024xf32, #tpu.memory_space<vmem>>, vector<16xf32>,
          tpu.vector_store %arg4[%parallel_loop3A_293], %broadcast_in_dim3A_33 {strides = array<i32>} : memref<33024xf32, #tpu.memory_space<vmem>>, vector<16xf32>,
          %parallel_loop3A_295 = arith.constant 256 : i32
          %parallel_loop3A_296 = arith.muli %parallel_loop3A_97, %parallel_loop3A_295 : i32
          %parallel_loop3A_297 = arith.addi %mul3A_77, %parallel_loop3A_296 : i32
          %parallel_loop3A_298 = arith.constant 256 : i32
          %parallel_loop3A_299 = arith.addi %parallel_loop3A_297, %parallel_loop3A_298 : i32
          %parallel_loop3A_300 = arith.index_cast %parallel_loop3A_299 : i32 to index
          %parallel_loop3A_301 = tpu.vector_load %arg4[%parallel_loop3A_300] {strides = array<i32>} : memref<33024xf32, #tpu.memory_space<vmem>>, vector<16xf32>,
          %parallel_loop3A_302 = arith.constant 15 : i32
          %parallel_loop3A_303 = vector.broadcast %parallel_loop3A_302 : i32 to vector<16xi32>
          %parallel_loop3A_304 = arith.addi %mul3A_38, %parallel_loop3A_303 : vector<16xi32>
          %parallel_loop3A_305 = tpu.memref_slice %arg5[%parallel_loop3A_99] : memref<4352xf32, #tpu.memory_space<vmem>> -> memref<272xf32, #tpu.memory_space<vmem>>
          tpu.vector_store_idx %parallel_loop3A_305[%parallel_loop3A_304], %parallel_loop3A_301 : memref<272xf32, #tpu.memory_space<vmem>>[vector<16xi32>], vector<16xf32>,
          %parallel_loop3A_306 = arith.index_cast %parallel_loop3A_299 : i32 to index
          %parallel_loop3A_307 = tpu.vector_load %arg4[%parallel_loop3A_306] {strides = array<i32>} : memref<33024xf32, #tpu.memory_space<vmem>>, vector<16xf32>,
          tpu.vector_store %arg4[%parallel_loop3A_306], %broadcast_in_dim3A_33 {strides = array<i32>} : memref<33024xf32, #tpu.memory_space<vmem>>, vector<16xf32>,
          %parallel_loop3A_308 = arith.index_cast %parallel_loop3A_99 : i32 to index
          %parallel_loop3A_309 = tpu.vector_load %arg5[%parallel_loop3A_308] {strides = array<i32>} : memref<4352xf32, #tpu.memory_space<vmem>>, vector<16xf32>,
          %parallel_loop3A_310 = arith.constant 17 : i32
          %parallel_loop3A_311 = arith.addi %parallel_loop3A_99, %parallel_loop3A_310 : i32
          %parallel_loop3A_312 = arith.index_cast %parallel_loop3A_311 : i32 to index
          %parallel_loop3A_313 = tpu.vector_load %arg5[%parallel_loop3A_312] {strides = array<i32>} : memref<4352xf32, #tpu.memory_space<vmem>>, vector<16xf32>,
          %parallel_loop3A_314 = arith.addf %parallel_loop3A_309, %parallel_loop3A_313 : vector<16xf32>
          %parallel_loop3A_315 = arith.constant 34 : i32
          %parallel_loop3A_316 = arith.addi %parallel_loop3A_99, %parallel_loop3A_315 : i32
          %parallel_loop3A_317 = arith.index_cast %parallel_loop3A_316 : i32 to index
          %parallel_loop3A_318 = tpu.vector_load %arg5[%parallel_loop3A_317] {strides = array<i32>} : memref<4352xf32, #tpu.memory_space<vmem>>, vector<16xf32>,
          %parallel_loop3A_319 = arith.addf %parallel_loop3A_314, %parallel_loop3A_318 : vector<16xf32>
          %parallel_loop3A_320 = arith.constant 51 : i32
          %parallel_loop3A_321 = arith.addi %parallel_loop3A_99, %parallel_loop3A_320 : i32
          %parallel_loop3A_322 = arith.index_cast %parallel_loop3A_321 : i32 to index
          %parallel_loop3A_323 = tpu.vector_load %arg5[%parallel_loop3A_322] {strides = array<i32>} : memref<4352xf32, #tpu.memory_space<vmem>>, vector<16xf32>,
          %parallel_loop3A_324 = arith.addf %parallel_loop3A_319, %parallel_loop3A_323 : vector<16xf32>
          %parallel_loop3A_325 = arith.constant 68 : i32
          %parallel_loop3A_326 = arith.addi %parallel_loop3A_99, %parallel_loop3A_325 : i32
          %parallel_loop3A_327 = arith.index_cast %parallel_loop3A_326 : i32 to index
          %parallel_loop3A_328 = tpu.vector_load %arg5[%parallel_loop3A_327] {strides = array<i32>} : memref<4352xf32, #tpu.memory_space<vmem>>, vector<16xf32>,
          %parallel_loop3A_329 = arith.addf %parallel_loop3A_324, %parallel_loop3A_328 : vector<16xf32>
          %parallel_loop3A_330 = arith.constant 85 : i32
          %parallel_loop3A_331 = arith.addi %parallel_loop3A_99, %parallel_loop3A_330 : i32
          %parallel_loop3A_332 = arith.index_cast %parallel_loop3A_331 : i32 to index
          %parallel_loop3A_333 = tpu.vector_load %arg5[%parallel_loop3A_332] {strides = array<i32>} : memref<4352xf32, #tpu.memory_space<vmem>>, vector<16xf32>,
          %parallel_loop3A_334 = arith.addf %parallel_loop3A_329, %parallel_loop3A_333 : vector<16xf32>
          %parallel_loop3A_335 = arith.constant 102 : i32
          %parallel_loop3A_336 = arith.addi %parallel_loop3A_99, %parallel_loop3A_335 : i32
          %parallel_loop3A_337 = arith.index_cast %parallel_loop3A_336 : i32 to index
          %parallel_loop3A_338 = tpu.vector_load %arg5[%parallel_loop3A_337] {strides = array<i32>} : memref<4352xf32, #tpu.memory_space<vmem>>, vector<16xf32>,
          %parallel_loop3A_339 = arith.addf %parallel_loop3A_334, %parallel_loop3A_338 : vector<16xf32>
          %parallel_loop3A_340 = arith.constant 119 : i32
          %parallel_loop3A_341 = arith.addi %parallel_loop3A_99, %parallel_loop3A_340 : i32
          %parallel_loop3A_342 = arith.index_cast %parallel_loop3A_341 : i32 to index
          %parallel_loop3A_343 = tpu.vector_load %arg5[%parallel_loop3A_342] {strides = array<i32>} : memref<4352xf32, #tpu.memory_space<vmem>>, vector<16xf32>,
          %parallel_loop3A_344 = arith.addf %parallel_loop3A_339, %parallel_loop3A_343 : vector<16xf32>
          %parallel_loop3A_345 = arith.constant 136 : i32
          %parallel_loop3A_346 = arith.addi %parallel_loop3A_99, %parallel_loop3A_345 : i32
          %parallel_loop3A_347 = arith.index_cast %parallel_loop3A_346 : i32 to index
          %parallel_loop3A_348 = tpu.vector_load %arg5[%parallel_loop3A_347] {strides = array<i32>} : memref<4352xf32, #tpu.memory_space<vmem>>, vector<16xf32>,
          %parallel_loop3A_349 = arith.addf %parallel_loop3A_344, %parallel_loop3A_348 : vector<16xf32>
          %parallel_loop3A_350 = arith.constant 153 : i32
          %parallel_loop3A_351 = arith.addi %parallel_loop3A_99, %parallel_loop3A_350 : i32
          %parallel_loop3A_352 = arith.index_cast %parallel_loop3A_351 : i32 to index
          %parallel_loop3A_353 = tpu.vector_load %arg5[%parallel_loop3A_352] {strides = array<i32>} : memref<4352xf32, #tpu.memory_space<vmem>>, vector<16xf32>,
          %parallel_loop3A_354 = arith.addf %parallel_loop3A_349, %parallel_loop3A_353 : vector<16xf32>
          %parallel_loop3A_355 = arith.constant 170 : i32
          %parallel_loop3A_356 = arith.addi %parallel_loop3A_99, %parallel_loop3A_355 : i32
          %parallel_loop3A_357 = arith.index_cast %parallel_loop3A_356 : i32 to index
          %parallel_loop3A_358 = tpu.vector_load %arg5[%parallel_loop3A_357] {strides = array<i32>} : memref<4352xf32, #tpu.memory_space<vmem>>, vector<16xf32>,
          %parallel_loop3A_359 = arith.addf %parallel_loop3A_354, %parallel_loop3A_358 : vector<16xf32>
          %parallel_loop3A_360 = arith.constant 187 : i32
          %parallel_loop3A_361 = arith.addi %parallel_loop3A_99, %parallel_loop3A_360 : i32
          %parallel_loop3A_362 = arith.index_cast %parallel_loop3A_361 : i32 to index
          %parallel_loop3A_363 = tpu.vector_load %arg5[%parallel_loop3A_362] {strides = array<i32>} : memref<4352xf32, #tpu.memory_space<vmem>>, vector<16xf32>,
          %parallel_loop3A_364 = arith.addf %parallel_loop3A_359, %parallel_loop3A_363 : vector<16xf32>
          %parallel_loop3A_365 = arith.constant 204 : i32
          %parallel_loop3A_366 = arith.addi %parallel_loop3A_99, %parallel_loop3A_365 : i32
          %parallel_loop3A_367 = arith.index_cast %parallel_loop3A_366 : i32 to index
          %parallel_loop3A_368 = tpu.vector_load %arg5[%parallel_loop3A_367] {strides = array<i32>} : memref<4352xf32, #tpu.memory_space<vmem>>, vector<16xf32>,
          %parallel_loop3A_369 = arith.addf %parallel_loop3A_364, %parallel_loop3A_368 : vector<16xf32>
          %parallel_loop3A_370 = arith.constant 221 : i32
          %parallel_loop3A_371 = arith.addi %parallel_loop3A_99, %parallel_loop3A_370 : i32
          %parallel_loop3A_372 = arith.index_cast %parallel_loop3A_371 : i32 to index
          %parallel_loop3A_373 = tpu.vector_load %arg5[%parallel_loop3A_372] {strides = array<i32>} : memref<4352xf32, #tpu.memory_space<vmem>>, vector<16xf32>,
          %parallel_loop3A_374 = arith.addf %parallel_loop3A_369, %parallel_loop3A_373 : vector<16xf32>
          %parallel_loop3A_375 = arith.constant 238 : i32
          %parallel_loop3A_376 = arith.addi %parallel_loop3A_99, %parallel_loop3A_375 : i32
          %parallel_loop3A_377 = arith.index_cast %parallel_loop3A_376 : i32 to index
          %parallel_loop3A_378 = tpu.vector_load %arg5[%parallel_loop3A_377] {strides = array<i32>} : memref<4352xf32, #tpu.memory_space<vmem>>, vector<16xf32>,
          %parallel_loop3A_379 = arith.addf %parallel_loop3A_374, %parallel_loop3A_378 : vector<16xf32>
          %parallel_loop3A_380 = arith.constant 255 : i32
          %parallel_loop3A_381 = arith.addi %parallel_loop3A_99, %parallel_loop3A_380 : i32
          %parallel_loop3A_382 = arith.index_cast %parallel_loop3A_381 : i32 to index
          %parallel_loop3A_383 = tpu.vector_load %arg5[%parallel_loop3A_382] {strides = array<i32>} : memref<4352xf32, #tpu.memory_space<vmem>>, vector<16xf32>,
          %parallel_loop3A_384 = arith.addf %parallel_loop3A_379, %parallel_loop3A_383 : vector<16xf32>
          %parallel_loop3A_385 = arith.mulf %parallel_loop3A_384, %div3A_92 : vector<16xf32>
          %parallel_loop3A_386 = arith.constant 16 : i32
          %parallel_loop3A_387 = arith.muli %parallel_loop3A_97, %parallel_loop3A_386 : i32
          %parallel_loop3A_388 = arith.index_cast %add3A_80 : i32 to index
          %parallel_loop3A_389 = arith.index_cast %parallel_loop3A_387 : i32 to index
          %parallel_loop3A_390 = tpu.vector_load %arg8[%parallel_loop3A_388, %parallel_loop3A_389] {strides = array<i32>} : memref<24x256xf32, #tpu.memory_space<vmem>>, vector<16xf32>,
          tpu.vector_store %arg8[%parallel_loop3A_388, %parallel_loop3A_389], %parallel_loop3A_385 {strides = array<i32>} : memref<24x256xf32, #tpu.memory_space<vmem>>, vector<16xf32>,
        } {sc.loop_unroll_factor = 1 : i64, sc.parallel_access}
        %scan3A_96 = arith.constant 0 : i32
        scf.yield %scan3A_96 : i32
      }
      %scan3A_72 = arith.constant 8 : i32
      %scan3A_73 = arith.constant 0 : i32
      scf.yield %scan3A_73 : i32
    }
    %scan3A_46 = arith.constant 3 : i32
    "tpu.region"() ({
      %run_scoped3A = tpu.sem_alloc : memref<!tpu.dma_semaphore, #tpu.memory_space<semaphore_mem>>
      %dma_start3A = arith.constant 0 : i32
      %dma_start3A_47 = tpu.memref_slice %arg3[%add3A, %mul3A_32, %dma_start3A] : memref<8x96x256xf32, #tpu.memory_space<hbm>> -> memref<1x24x256xf32, #tpu.memory_space<hbm>>
      %dma_start3A_48 = tpu.memref_squeeze %dma_start3A_47 : memref<1x24x256xf32, #tpu.memory_space<hbm>> -> memref<24x256xf32, #tpu.memory_space<hbm>>
      %dma_start3A_49 = arith.constant 0 : i32
      %dma_start3A_50 = tpu.memref_slice %arg3[%add3A, %mul3A_32, %dma_start3A_49] : memref<8x96x256xf32, #tpu.memory_space<hbm>> -> memref<1x24x256xf32, #tpu.memory_space<hbm>>
      %dma_start3A_51 = tpu.memref_squeeze %dma_start3A_50 : memref<1x24x256xf32, #tpu.memory_space<hbm>> -> memref<24x256xf32, #tpu.memory_space<hbm>>
      tpu.enqueue_dma source(%arg8 : memref<24x256xf32, #tpu.memory_space<vmem>>) target(%dma_start3A_51 : memref<24x256xf32, #tpu.memory_space<hbm>>) target_semaphore(%run_scoped3A : memref<!tpu.dma_semaphore, #tpu.memory_space<semaphore_mem>>)
      %dma_wait3A = arith.constant 0 : i32
      %dma_wait3A_52 = tpu.memref_slice %arg3[%add3A, %mul3A_32, %dma_wait3A] : memref<8x96x256xf32, #tpu.memory_space<hbm>> -> memref<1x24x256xf32, #tpu.memory_space<hbm>>
      %dma_wait3A_53 = tpu.memref_squeeze %dma_wait3A_52 : memref<1x24x256xf32, #tpu.memory_space<hbm>> -> memref<24x256xf32, #tpu.memory_space<hbm>>
      %dma_wait3A_54 = arith.constant 0 : i32
      %dma_wait3A_55 = tpu.memref_slice %arg3[%add3A, %mul3A_32, %dma_wait3A_54] : memref<8x96x256xf32, #tpu.memory_space<hbm>> -> memref<1x24x256xf32, #tpu.memory_space<hbm>>
      %dma_wait3A_56 = tpu.memref_squeeze %dma_wait3A_55 : memref<1x24x256xf32, #tpu.memory_space<hbm>> -> memref<24x256xf32, #tpu.memory_space<hbm>>
      tpu.wait_dma2 semaphore(%run_scoped3A : memref<!tpu.dma_semaphore, #tpu.memory_space<semaphore_mem>>) src(%arg8 : memref<24x256xf32, #tpu.memory_space<vmem>>) dst(%dma_wait3A_56 : memref<24x256xf32, #tpu.memory_space<hbm>>)
      tpu.yield
    }) : () -> ()
    return
  }
}

</mosaic_0001>

<sc_bundles>
// kernel: kernel.3.cloned.1.call-start
scs
__scs_entry_jumppad:
0x0: {  	(pc) =	sbr.rel $0x88, $3  }
0x1: {  	(tag) =	ssettag $0x0;
	lr =	simm.s32 $0x1  }
0x2: {  	[smem:$0x3FA0] =	sst lr;
	_ =	strace $0xD0000000  }
0x3: {  	_ = 	snop  }
0x4: {  	_ = 	snop  }
0x5: {  	_ = 	snop  }
0x6: {  	_ = 	snop  }
0x7: {  	_ = 	snop  }
__scs_overlays_trampoline_lowered:
0x8: {  	[smem:$0x3FAF] =	sst s0  }
0x9: {  	[smem:$0x3FB0] =	sst s1  }
0xa: {  	[smem:$0x3FB1] =	sst s2  }
0xb: {  	[smem:$0x3FB2] =	sst s3  }
0xc: {  	[smem:$0x3FB3] =	sst s4  }
0xd: {  	[smem:$0x3FB4] =	sst s5  }
0xe: {  	[smem:$0x3FB5] =	sst s6  }
0xf: {  	[smem:$0x3FB6] =	sst s7  }
0x10: {  	[smem:$0x3FB7] =	sst s8  }
0x11: {  	[smem:$0x3FB8] =	sst s9;
	s0 =	simm.s32 @!p0 $0x0  }
0x12: {  	s1 =	sld [smem:$0x3F9E];
	s0 =	simm.s32 @p0 $0x1  }
0x13: {  	[smem:$0x3FB9] =	sst s0;
	s0 =	simm.s32 @!p1 $0x0  }
0x14: {  	s2 =	sld [smem:$0x3F9D];
	s0 =	simm.s32 @p1 $0x1  }
0x15: {  	[smem:$0x3FBA] =	sst s0;
	s0 =	simm.s32 @!p2 $0x0  }
0x16: {  	s3 =	sld [smem:$0x3FDB];
	s0 =	simm.s32 @p2 $0x1  }
0x17: {  	s4 =	simm.s32 $0x1BF5;
	[smem:$0x3FBC] =	sst s0  }
0x18: {  	s0 =	sld [smem:$0x3F9F];
	_ =	swait.ge [sflag:s4], $0x0  }
0x19: {  	s7 =	sld [smem:$0x3FA0]  }
0x1a: {  	s8 =	sadd.s32 $0xFFFFE003, lr  }
0x1b: {  	s9 =	sadd.s32 $0xFFFFFEF7, lr;
	s5 =	simm.s32 $0xFFFFFFFF;
	p2 =	slt.u32 s8, $0xFFFFF086  }
0x1c: {  	p1 =	slt.u32 s9, $0xF7A;
	s5 =	simm.s32 @!p2 $0x0  }
0x1d: {  	s5 =	simm.s32 @p1 $0x1;
	p0 =	seq.s32 s7, s2  }
0x1e: {  	s7 =	smul.u32 @!p0 $0xF7A, s2;
	p2 =	seq.s32 @!p0 s5, $0x0  }
0x1f: {  	s9 =	smul.u32 $0xF7A, s1;
	s8 =	simm.s32 @!p0 $0x1BF5;
	p2 =	por !p2, p0  }
0x20: {  	[sflag:s8] =	ssyncset.s32 @!p0 $0xFFFFF086;
	s6 =	sadd.s32 @!p0 s3, s7;
	s7 =	simm.s32 @!p0 $0x108  }
0x21: {  	s3 =	sadd.s32 s3, s9;
	s6 =	sadd.s32 @!p0 $0x88, s6;
	s7 =	simm.s32 @p2 $0x1082  }
0x22: {  	[simem:s7], [sflag:s8] =	dma.local @!p0 [hbm:s6], $0xF7A  }
0x23: {  	s9 =	sor.u32 $0xD0000000, s2;
	s6 =	simm.s32 $0x108;
	_ =	swait.ge @!p0 [sflag:s8], $0x0  }
0x24: {  	s3 =	sadd.s32 $0x88, s3;
	s6 =	simm.s32 @!p1 $0x1082;
	[sflag:s4] =	ssyncset.s32 $0xFFFFF086  }
0x25: {  	[simem:s6], [sflag:s4] =	dma.local [hbm:s3], $0xF7A  }
0x26: {  	[smem:$0x3FA0] =	sst s1;
	(tag) =	ssettag s2;
	_ =	strace s9  }
0x27: {  	s1 =	sld [smem:$0x3FB0]  }
0x28: {  	s2 =	sld [smem:$0x3FB1]  }
0x29: {  	s4 =	sld [smem:$0x3FB3]  }
0x2a: {  	p0 =	seq.s32 s5, $0x0;
	s5 =	sld [smem:$0x3FB4]  }
0x2b: {  	s6 =	sld [smem:$0x3FB5]  }
0x2c: {  	s7 =	sld [smem:$0x3FB6]  }
0x2d: {  	s3 =	simm.s32 $0x108;
	s8 =	sld [smem:$0x3FB7]  }
0x2e: {  	s3 =	simm.s32 @!p0 $0x1082;
	s9 =	sld [smem:$0x3FB8]  }
0x2f: {  	lr =	sadd.s32 s0, s3;
	s0 =	sld [smem:$0x3FAF]  }
0x30: {  	s3 =	sld [smem:$0x3FB2]  }
0x31: {  	[smem:$0x3FBB] =	sst s10  }
0x32: {  	s10 =	sld [smem:$0x3FB9];
	_ =	sdelay $0x3  }
0x33: {  	p0 =	seq.s32 s10, $0x1;
	s10 =	sld [smem:$0x3FBB];
	_ =	sdelay $0x3  }
0x34: {  	[smem:$0x3FBB] =	sst s10  }
0x35: {  	s10 =	sld [smem:$0x3FBA];
	_ =	sdelay $0x3  }
0x36: {  	p1 =	seq.s32 s10, $0x1;
	s10 =	sld [smem:$0x3FBB];
	_ =	sdelay $0x3  }
0x37: {  	[smem:$0x3FBB] =	sst s10  }
0x38: {  	s10 =	sld [smem:$0x3FBC]  }
0x39: {  	_ = 	snop;
	(pc) =	sbr.ind lr, $3  }
0x3a: {  	_ = 	snop  }
0x3b: {  	_ = 	snop  }
0x3c: {  	p2 =	seq.s32 s10, $0x1;
	s10 =	sld [smem:$0x3FBB]  }
0x3d: {  	_ =	shalt  }
0x3e: {  	_ =	shalt  }
0x3f: {  	_ =	shalt  }
0x40: {  	_ =	shalt  }
0x41: {  	_ =	shalt  }
0x42: {  	_ =	shalt  }
0x43: {  	_ =	shalt  }
0x44: {  	_ =	shalt  }
0x45: {  	_ =	shalt  }
0x46: {  	_ =	shalt  }
0x47: {  	_ =	shalt  }
0x48: {  	_ =	shalt  }
0x49: {  	_ =	shalt  }
0x4a: {  	_ =	shalt  }
0x4b: {  	_ =	shalt  }
0x4c: {  	_ =	shalt  }
0x4d: {  	_ =	shalt  }
0x4e: {  	_ =	shalt  }
0x4f: {  	_ =	shalt  }
0x50: {  	_ =	shalt  }
0x51: {  	_ =	shalt  }
0x52: {  	_ =	shalt  }
0x53: {  	_ =	shalt  }
0x54: {  	_ =	shalt  }
0x55: {  	_ =	shalt  }
0x56: {  	_ =	shalt  }
0x57: {  	_ =	shalt  }
0x58: {  	_ =	shalt  }
0x59: {  	_ =	shalt  }
0x5a: {  	_ =	shalt  }
0x5b: {  	_ =	shalt  }
0x5c: {  	_ =	shalt  }
0x5d: {  	_ =	shalt  }
0x5e: {  	_ =	shalt  }
0x5f: {  	_ =	shalt  }
0x60: {  	_ =	shalt  }
0x61: {  	_ =	shalt  }
0x62: {  	_ =	shalt  }
0x63: {  	_ =	shalt  }
0x64: {  	_ =	shalt  }
0x65: {  	_ =	shalt  }
0x66: {  	_ =	shalt  }
0x67: {  	_ =	shalt  }
0x68: {  	_ =	shalt  }
0x69: {  	_ =	shalt  }
0x6a: {  	_ =	shalt  }
0x6b: {  	_ =	shalt  }
0x6c: {  	_ =	shalt  }
0x6d: {  	_ =	shalt  }
0x6e: {  	_ =	shalt  }
0x6f: {  	_ =	shalt  }
0x70: {  	_ =	shalt  }
0x71: {  	_ =	shalt  }
0x72: {  	_ =	shalt  }
0x73: {  	_ =	shalt  }
0x74: {  	_ =	shalt  }
0x75: {  	_ =	shalt  }
0x76: {  	_ =	shalt  }
0x77: {  	_ =	shalt  }
0x78: {  	_ =	shalt  }
0x79: {  	_ =	shalt  }
0x7a: {  	_ =	shalt  }
0x7b: {  	_ =	shalt  }
0x7c: {  	_ =	shalt  }
0x7d: {  	_ =	shalt  }
0x7e: {  	_ =	shalt  }
0x7f: {  	_ =	shalt  }
0x80: {  	_ =	shalt  }
0x81: {  	_ =	shalt  }
0x82: {  	_ =	shalt  }
0x83: {  	_ =	shalt  }
0x84: {  	_ =	shalt  }
0x85: {  	_ =	shalt  }
0x86: {  	_ =	shalt  }
0x87: {  	_ =	shalt  }
.Lfunc_end0:
.L_simem_size_0:
called_computation_lowered:
.L_overlay_start_0:
0x88: {  	s2 =	sld [smem:$0x3FD9]  }
0x89: {  	s3 =	sld [smem:$0x3FFE];
	_ =	sdelay $0x1  }
0x8a: {  	s1 =	srdreg.scid  }
0x8b: {  	s0 =	sand.u32 $0x1, s1  }
0x8c: {  	s18 =	sshll.u32 s0, $0xA;
	s2 =	sadd.s32 s3, s2  }
0x8d: {  	s2 =	sadd.s32 s2, s18  }
0x8e: {  	[smem:$0x3FC7] =	sst s2  }
0x8f: {  	_ = 	snop  }
0x90: {  	s2 =	sld [smem:$0x3FC9]  }
0x91: {  	s19 =	sld [smem:$0x3FD0];
	(tm) =	ssettm $0x1  }
0x92: {  	s4 =	sld [smem:$0x3FFB];
	_ =	sdelay $0x3  }
0x93: {  	_ =	strace s4  }
0x94: {  	s4 =	sld [smem:$0x3FFC];
	_ =	sdelay $0x3  }
0x95: {  	_ =	strace s4  }
0x96: {  	s4 =	sld [smem:$0x3FFD];
	_ =	sdelay $0x3  }
0x97: {  	_ =	strace s4  }
0x98: {  	_ =	strace $0x8FFFFFFF  }
0x99: {  	s20 =	sld [smem:$0x3FDB];
	_ =	sdelay $0x1  }
0x9a: {  	s5 =	simm.s32 $_scs_section_size  }
0x9b: {  	s6 =	simm.s32 $_size__tile_overlayer_lowered;
	s7 =	simm.s32 $_tile_overlayer_lowered  }
0x9c: {  	s23 =	simm.s32 $0x1BFF;
	s22 =	sshll.u32 s7, $0x1;
	s4 =	sadd.s32 s5, s20  }
0x9d: {  	s8 =	simm.s32 $0x0;
	s21 =	sshll.u32 s6, $0x1;
	s6 =	sadd.s32 s22, s4  }
0x9e: {  	[timem:s8], [sflag:s23] =	dma.local [hbm:s6], s21  }
0x9f: {  	_ =	swait.ge [sflag:s23], s21  }
0xa0: {  	s5 =	ssub.s32 $0x0, s21;
	[sflag:s23] =	ssyncset.done $0x0  }
0xa1: {  	[sflag:s23] =	ssyncadd.s32 s5;
	_ =	sdelay $0x1  }
0xa2: {  	s24 =	simm.s32 $0x1B8B  }
0xa3: {  	_ =	swait.ge [sflag:s24], $0x1  }
0xa4: {  	[sflag:s24] =	ssyncset.done $0x0  }
0xa5: {  	s25 =	simm.s32 $0x1B8E;
	[sflag:s24] =	ssyncadd.s32 $0xFFFFFFFF  }
0xa6: {  	s26 =	simm.s32 $execute0_lowered;
	[smem:$0x3FD2] =	sst s25  }
0xa7: {  	s5 =	sshll.u32 s26, $0x1;
	_ =	strace $0x80000046;
	[dreg:$0x1] =	wrdreg $0xFFFFFFFF  }
0xa8: {  	s28 =	simm.s32 $_size_execute0_lowered;
	s4 =	sadd.s32 s4, s5;
	[dreg:$0x0] =	wrdreg $0x0  }
0xa9: {  	s5 =	sshll.u32 s28, $0x1;
	[dreg:$0x2] =	wrdreg s4  }
0xaa: {  	[dreg:$0x3] =	wrdreg s5  }
0xab: {  	[dreg:$0x4] =	wrdreg $0xC0  }
0xac: {  	_ =	task [dreg:s8], $0x5FFFF  }
0xad: {  	[dreg:$0x1] =	wrdreg $0xFFFFFFFF  }
0xae: {  	[dreg:$0x0] =	wrdreg $0x60  }
0xaf: {  	[dreg:$0x2] =	wrdreg s2  }
0xb0: {  	[dreg:$0x3] =	wrdreg s19  }
0xb1: {  	[dreg:$0x4] =	wrdreg $0x9  }
0xb2: {  	_ =	task.clear_ibuf [dreg:s8], $0x5FFFF;
	_ =	strace $0x90000046  }
0xb3: {  	s29 =	simm.s32 $0x9;
	_ =	strace $0x80000048  }
0xb4: {  	_ =	swait.ge [sflag:s29], $0x1  }
0xb5: {  	[sflag:s29] =	ssyncadd.s32 $0xFFFFFFFF  }
0xb6: {  	_ =	strace $0x90000048  }
0xb7: {  	_ =	sfence  }
0xb8: {  	s30 =	sld [smem:$0x0];
	_ =	sdelay $0x2  }
0xb9: {  	s31 =	sshll.u32 s1, $0xD;
	s1 =	sshrl.u32 s1, $0x2  }
0xba: {  	s3 =	sand.u32 $0x4000, s31;
	s1 =	sadd.s32 s1, s30  }
0xbb: {  	s0 =	sor.u32 s3, s0;
	s1 =	sshll.u32 s1, $0x11  }
0xbc: {  	s0 =	sor.u32 s1, s0  }
0xbd: {  	s0 =	sadd.s32 $0x8F2B, s0  }
0xbe: {  	[sflag:s0] =	ssyncadd.remote.s32 $0x1  }
0xbf: {  	_ =	sfence.sel $0xFFFF  }
0xc0: {  	[dreg:$0x0] =	wrdreg $0xFFFFFFFF;
	(pc) =	sbr.abs _section_cstart, $3  }
0xc1: {  	[dreg:$0x1] =	wrdreg $0xFFFFFFFF  }
0xc2: {  	_ =	task.clear_ibuf [dreg:s8], $0x2FFFF;
	_ =	strace $0x9FFFFFFF  }
0xc3: {  	(tm) =	ssettm $0x7FFFFFFF  }
tec
execute0_lowered:
.L_overlay_start_1:
0x0: {  	(tag) =	ssettag $0x1  }
0x1: {  	s0 =	srdreg.scid  }
0x2: {  	s10 =	rddreg [dreg:$0x0];
	s1 =	stileid.u32  }
0x3: {  	s5 =	rddreg [dreg:$0x1];
	s11 =	simm.s32 $0x800;
	s0 =	sand.u32 $0x1, s0  }
0x4: {  	s3 =	sshrl.u32 s1, $0x2;
	s4 =	sand.u32 $0x3, s1;
	s2 =	sshll.u32 s0, $0x2  }
0x5: {  	s12 =	simm.s32 $0x6000;
	s1 =	smul.u32 $0x1800, s4;
	s2 =	sor.u32 s3, s2  }
0x6: {  	v0 =	vlaneseq.u32;
	s4 =	simm.s32 $0x0;
	s0 =	ssub.s32 $0x2, s0;
	s3 =	smul.u32 $0x6000, s2  }
0x7: {  	v1 =	vmul.u32 $0x11, v0;
	[smem:$0x7FF] =	sst s4;
	s26 =	sshrl.u32 s0, $0x1;
	s6 =	smul.u32 $0x540000, s2  }
0x8: {  	v2 =	vimm.f32 $0.0e+00;
	v3 =	vimm.f32 $1.000000000e+00;
	_ =	strace $0x80000047;
	[dreg:$0x3] =	wrdreg s1;
	s0 =	ssub.s32 s0, s26  }
0x9: {  	s13 =	simm.s32 $0x11200;
	v4 =	vadd.s32 $0x1, v1;
	v5 =	vadd.s32 $0x2, v1;
	v6 =	vadd.s32 $0x3, v1;
	s0 =	smax.u32 s0, $0x1;
	[dreg:$0x4] =	wrdreg s6  }
0xa: {  	v7 =	vadd.s32 $0x4, v1;
	v8 =	vadd.s32 $0x5, v1;
	v9 =	vadd.s32 $0x6, v1;
	s3 =	sadd.s32 s1, s3;
	s28 =	sadd.s32 $0x60000, s6;
	[dreg:$0x8] =	wrdreg s0  }
0xb: {  	v10 =	vadd.s32 $0x7, v1;
	v11 =	vadd.s32 $0x8, v1;
	v14 =	vadd.s32 $0xB, v1;
	s30 =	sadd.s32 $0xC0000, s6;
	[dreg:$0x5] =	wrdreg s28;
	s29 =	sshrl.u32 s3, $0x3  }
0xc: {  	s14 =	simm.s32 $0x1;
	v12 =	vadd.s32 $0x9, v1;
	v13 =	vadd.s32 $0xA, v1;
	v15 =	vadd.s32 $0xC, v1;
	[dreg:$0x6] =	wrdreg s30;
	s31 =	sadd.s32 s5, s29  }
0xd: {  	s15 =	simm.s32 $0x2;
	v16 =	vadd.s32 $0xD, v1;
	v17 =	vadd.s32 $0xE, v1;
	v18 =	vadd.s32 $0xF, v1;
	s2 =	simm.s32 $0x0;
	[dreg:$0x7] =	wrdreg s31  }
.LBB2_1:
0xe: {  	[dreg:$0x9] =	wrdreg s2;
	s0 =	simm.s32 $0x40;
	s2 =	simm.s32 $0x0  }
.LBB2_2:
0xf: {  	p0 =	sne.s32 s0, $0x203C0;
	[tilespmem:s2+$0x0] =	vst v2;
	s2 =	smov.u32 s0;
	s0 =	sadd.s32 $0x40, s0  }
.Ltmp0:
0x10: {  	(pc) =	sbr.rel @p0 .LBB2_2-.Ltmp0, $2  }
0x11: {  	_ =	sdelay $0x2  }
0x12: {  	s2 =	sshra.s32 s2, $0x2  }
0x13: {  	[tilespmem:s2+$0x0] =	vst v2;
	s0 =	simm.s32 $0x0  }
.LBB2_4:
0x14: {  	[dreg:$0xa] =	wrdreg s0  }
0x15: {  	s20 =	sshll.u32 s0, $0xB;
	s28 =	rddreg [dreg:$0x3]  }
0x16: {  	s1 =	rddreg [dreg:$0x4];
	s0 =	sadd.s32 s28, s20  }
0x17: {  	s29 =	simm.s32 $0x9200;
	s30 =	rddreg [dreg:$0x5];
	s2 =	sor.u32 s1, s0  }
0x18: {  	s31 =	rddreg [dreg:$0x6];
	s23 =	simm.s32 $0x0;
	s2 =	sshrl.u32 s2, $0x3  }
0x19: {  	s21 =	sadd.s32 s0, s30;
	s22 =	sadd.s32 s0, s31;
	s2 =	sadd.s32 s10, s2  }
0x1a: {  	[tilespmem:s29], [sflag:$0x1] =	stream.strided.gather [hbm4b:s2+s11], $0x8000, s12, s11, $0x38;
	[tilespmem:$0x1AA00] =	vst v63  }
.LBB2_5:
0x1b: {  	s24 =	smul.u32 $0xC0000, s23;
	_ =	sdelay $0x1  }
0x1c: {  	s0 =	sadd.s32 s24, s21  }
0x1d: {  	s0 =	sshrl.u32 s0, $0x3  }
0x1e: {  	s0 =	sadd.s32 s10, s0  }
0x1f: {  	[tilespmem:s13], [sflag:$0x2] =	stream.strided.gather [hbm4b:s0+s11], $0x8000, s12, s11, $0x38;
	[tilespmem:$0x1AA00] =	vst v63  }
0x20: {  	s5 =	simm.s32 $0x0;
	s2 =	simm.s32 $0x0;
	_ =	swait.ge [sflag:s14], $0x8000  }
0x21: {  	s2 =	sand.u32 $0x3FFFFF80, s2;
	s0 =	sand.u32 $0x7800, s5;
	[sflag:s14] =	ssyncset.done $0x0  }
0x22: {  	s25 =	sadd.s32 s2, s0;
	[sflag:s14] =	ssyncadd.s32 $0xFFFF8000  }
0x23: {  	v19 =	vld [tilespmem:s25+$0x9200];
	_ =	sdelay $0x4  }
0x24: {  	v19 =	vmul.f32 $2.570000000e+02, v19;
	_ =	sdelay $0x1  }
0x25: {  	s6 =	simm.s32 $0x0;
	v19 =	vtrunc.f32 v19  }
0x26: {  	s0 =	smul.u32 $0x1020, s6;
	v20 =	vcvt.f32.s32 v19;
	_ =	sdelay $0x1  }
0x27: {  	v19 =	vor.u32 s0, v0;
	v20 =	vshll.u32 v20, $0x4  }
0x28: {  	v20 =	vadd.s32 v19, v20;
	_ =	sdelay $0x4  }
0x29: {  	[tilespmem:v20+s4+$0x0] =	vst.idx.add.f32.msk $0xffff, v3  }
0x2a: {  	v20 =	vld [tilespmem:s25+$0x9210];
	_ =	sdelay $0x4  }
0x2b: {  	v20 =	vmul.f32 $2.570000000e+02, v20;
	_ =	sdelay $0x1  }
0x2c: {  	s7 =	simm.s32 $0x8;
	s8 =	simm.s32 $0x800;
	v20 =	vtrunc.f32 v20  }
0x2d: {  	s2 =	sand.u32 $0x7800, s8;
	s0 =	sand.u32 $0x3FFFFF80, s7;
	v20 =	vcvt.f32.s32 v20  }
0x2e: {  	s26 =	sadd.s32 s0, s2  }
0x2f: {  	v21 =	vld [tilespmem:s26+$0x9200];
	v20 =	vshll.u32 v20, $0x4  }
0x30: {  	v20 =	vadd.s32 v19, v20;
	_ =	sdelay $0x3  }
0x31: {  	v21 =	vmul.f32 $2.570000000e+02, v21  }
0x32: {  	[tilespmem:v20+s4+$0x0] =	vst.idx.add.f32.msk $0xffff, v3  }
0x33: {  	v20 =	vtrunc.f32 v21;
	v21 =	vld [tilespmem:s25+$0x9220]  }
0x34: {  	s9 =	simm.s32 $0x0  }
0x35: {  	s0 =	smul.u32 $0x1020, s9;
	v22 =	vcvt.f32.s32 v20;
	_ =	sdelay $0x1  }
0x36: {  	v20 =	vor.u32 s0, v0;
	v22 =	vshll.u32 v22, $0x4  }
0x37: {  	v22 =	vadd.s32 v20, v22;
	v21 =	vmul.f32 $2.570000000e+02, v21;
	_ =	sdelay $0x1  }
0x38: {  	v21 =	vtrunc.f32 v21  }
0x39: {  	v21 =	vcvt.f32.s32 v21;
	_ =	sdelay $0x1  }
0x3a: {  	[tilespmem:v22+s4+$0x0] =	vst.idx.add.f32.msk $0xffff, v3;
	v21 =	vshll.u32 v21, $0x4  }
0x3b: {  	v22 =	vld [tilespmem:s26+$0x9210];
	v21 =	vadd.s32 v19, v21;
	_ =	sdelay $0x4  }
0x3c: {  	v22 =	vmul.f32 $2.570000000e+02, v22;
	[tilespmem:v21+s4+$0x0] =	vst.idx.add.f32.msk $0xffff, v3  }
0x3d: {  	v21 =	vld [tilespmem:s25+$0x9230]  }
0x3e: {  	v22 =	vtrunc.f32 v22  }
0x3f: {  	v22 =	vcvt.f32.s32 v22  }
0x40: {  	s16 =	simm.s32 $0x10;
	s17 =	simm.s32 $0x1000  }
0x41: {  	s2 =	sand.u32 $0x7800, s17;
	s0 =	sand.u32 $0x3FFFFF80, s16;
	v22 =	vshll.u32 v22, $0x4  }
0x42: {  	s28 =	sadd.s32 s0, s2;
	v22 =	vadd.s32 v20, v22;
	v21 =	vmul.f32 $2.570000000e+02, v21  }
0x43: {  	v23 =	vld [tilespmem:s28+$0x9200]  }
0x44: {  	v21 =	vtrunc.f32 v21  }
0x45: {  	v21 =	vcvt.f32.s32 v21;
	_ =	sdelay $0x1  }
0x46: {  	[tilespmem:v22+s4+$0x0] =	vst.idx.add.f32.msk $0xffff, v3;
	v21 =	vshll.u32 v21, $0x4  }
0x47: {  	v23 =	vmul.f32 $2.570000000e+02, v23;
	v22 =	vld [tilespmem:s26+$0x9220];
	v24 =	vadd.s32 v19, v21;
	_ =	sdelay $0x1  }
0x48: {  	s18 =	simm.s32 $0x0;
	v21 =	vtrunc.f32 v23  }
0x49: {  	s0 =	smul.u32 $0x1020, s18;
	v23 =	vcvt.f32.s32 v21;
	_ =	sdelay $0x1  }
0x4a: {  	v21 =	vor.u32 s0, v0;
	v22 =	vmul.f32 $2.570000000e+02, v22;
	v23 =	vshll.u32 v23, $0x4;
	[tilespmem:v24+s4+$0x0] =	vst.idx.add.f32.msk $0xffff, v3  }
0x4b: {  	v23 =	vadd.s32 v21, v23;
	v24 =	vld [tilespmem:s25+$0x9240]  }
0x4c: {  	v22 =	vtrunc.f32 v22  }
0x4d: {  	v22 =	vcvt.f32.s32 v22;
	_ =	sdelay $0x1  }
0x4e: {  	v22 =	vshll.u32 v22, $0x4  }
0x4f: {  	v22 =	vadd.s32 v20, v22;
	[tilespmem:v23+s4+$0x0] =	vst.idx.add.f32.msk $0xffff, v3;
	v23 =	vmul.f32 $2.570000000e+02, v24  }
0x50: {  	v24 =	vld [tilespmem:s28+$0x9210]  }
0x51: {  	v23 =	vtrunc.f32 v23  }
0x52: {  	v23 =	vcvt.f32.s32 v23;
	_ =	sdelay $0x1  }
0x53: {  	[tilespmem:v22+s4+$0x0] =	vst.idx.add.f32.msk $0xffff, v3;
	v22 =	vshll.u32 v23, $0x4  }
0x54: {  	v23 =	vld [tilespmem:s26+$0x9230];
	v24 =	vmul.f32 $2.570000000e+02, v24;
	v22 =	vadd.s32 v19, v22;
	_ =	sdelay $0x1  }
0x55: {  	v24 =	vtrunc.f32 v24  }
0x56: {  	v24 =	vcvt.f32.s32 v24;
	_ =	sdelay $0x1  }
0x57: {  	s19 =	simm.s32 $0x18;
	s1 =	simm.s32 $0x1800;
	v23 =	vmul.f32 $2.570000000e+02, v23;
	[tilespmem:v22+s4+$0x0] =	vst.idx.add.f32.msk $0xffff, v3;
	v22 =	vshll.u32 v24, $0x4  }
0x58: {  	s2 =	sand.u32 $0x7800, s1;
	s0 =	sand.u32 $0x3FFFFF80, s19;
	v24 =	vld [tilespmem:s25+$0x9250];
	v22 =	vadd.s32 v21, v22  }
0x59: {  	s29 =	sadd.s32 s0, s2;
	v23 =	vtrunc.f32 v23  }
0x5a: {  	v25 =	vld [tilespmem:s29+$0x9200];
	v23 =	vcvt.f32.s32 v23;
	_ =	sdelay $0x1  }
0x5b: {  	v23 =	vshll.u32 v23, $0x4  }
0x5c: {  	v23 =	vadd.s32 v20, v23;
	v24 =	vmul.f32 $2.570000000e+02, v24;
	[tilespmem:v22+s4+$0x0] =	vst.idx.add.f32.msk $0xffff, v3  }
0x5d: {  	v22 =	vld [tilespmem:s28+$0x9220]  }
0x5e: {  	v25 =	vmul.f32 $2.570000000e+02, v25;
	v24 =	vtrunc.f32 v24  }
0x5f: {  	v24 =	vcvt.f32.s32 v24  }
0x60: {  	s2 =	simm.s32 $0x0;
	v25 =	vtrunc.f32 v25  }
0x61: {  	s0 =	smul.u32 $0x1020, s2;
	[tilespmem:v23+s4+$0x0] =	vst.idx.add.f32.msk $0xffff, v3;
	v23 =	vcvt.f32.s32 v25;
	v24 =	vshll.u32 v24, $0x4  }
0x62: {  	v25 =	vld [tilespmem:s26+$0x9240];
	v24 =	vadd.s32 v19, v24;
	v26 =	vmul.f32 $2.570000000e+02, v22  }
0x63: {  	v22 =	vor.u32 s0, v0;
	v23 =	vshll.u32 v23, $0x4  }
0x64: {  	v23 =	vadd.s32 v22, v23;
	v26 =	vtrunc.f32 v26  }
0x65: {  	v26 =	vcvt.f32.s32 v26;
	_ =	sdelay $0x1  }
0x66: {  	v25 =	vmul.f32 $2.570000000e+02, v25;
	[tilespmem:v24+s4+$0x0] =	vst.idx.add.f32.msk $0xffff, v3;
	v24 =	vshll.u32 v26, $0x4  }
0x67: {  	v24 =	vadd.s32 v21, v24;
	v26 =	vld [tilespmem:s25+$0x9260]  }
0x68: {  	v25 =	vtrunc.f32 v25;
	[tilespmem:v23+s4+$0x0] =	vst.idx.add.f32.msk $0xffff, v3  }
0x69: {  	v23 =	vcvt.f32.s32 v25;
	v25 =	vld [tilespmem:s29+$0x9210];
	_ =	sdelay $0x1  }
0x6a: {  	v23 =	vshll.u32 v23, $0x4  }
0x6b: {  	v23 =	vadd.s32 v20, v23;
	[tilespmem:v24+s4+$0x0] =	vst.idx.add.f32.msk $0xffff, v3;
	v24 =	vmul.f32 $2.570000000e+02, v26  }
0x6c: {  	v26 =	vld [tilespmem:s28+$0x9230]  }
0x6d: {  	v25 =	vmul.f32 $2.570000000e+02, v25;
	v24 =	vtrunc.f32 v24  }
0x6e: {  	v24 =	vcvt.f32.s32 v24  }
0x6f: {  	v25 =	vtrunc.f32 v25  }
0x70: {  	[tilespmem:v23+s4+$0x0] =	vst.idx.add.f32.msk $0xffff, v3;
	v23 =	vcvt.f32.s32 v25;
	v24 =	vshll.u32 v24, $0x4  }
0x71: {  	v25 =	vld [tilespmem:s26+$0x9250];
	v26 =	vmul.f32 $2.570000000e+02, v26;
	v24 =	vadd.s32 v19, v24  }
0x72: {  	s3 =	simm.s32 $0x20;
	s5 =	simm.s32 $0x2000;
	v23 =	vshll.u32 v23, $0x4  }
0x73: {  	s2 =	sand.u32 $0x7800, s5;
	s0 =	sand.u32 $0x3FFFFF80, s3;
	v23 =	vadd.s32 v22, v23;
	v26 =	vtrunc.f32 v26  }
0x74: {  	s30 =	sadd.s32 s0, s2;
	v26 =	vcvt.f32.s32 v26  }
0x75: {  	v27 =	vld [tilespmem:s30+$0x9200]  }
0x76: {  	v25 =	vmul.f32 $2.570000000e+02, v25;
	v26 =	vshll.u32 v26, $0x4;
	[tilespmem:v24+s4+$0x0] =	vst.idx.add.f32.msk $0xffff, v3  }
0x77: {  	v24 =	vadd.s32 v21, v26;
	v26 =	vld [tilespmem:s25+$0x9270]  }
0x78: {  	v25 =	vtrunc.f32 v25;
	[tilespmem:v23+s4+$0x0] =	vst.idx.add.f32.msk $0xffff, v3  }
0x79: {  	v23 =	vcvt.f32.s32 v25;
	v25 =	vld [tilespmem:s29+$0x9220]  }
0x7a: {  	v27 =	vmul.f32 $2.570000000e+02, v27  }
0x7b: {  	v23 =	vshll.u32 v23, $0x4  }
0x7c: {  	s6 =	simm.s32 $0x0;
	v28 =	vadd.s32 v20, v23;
	v23 =	vtrunc.f32 v27;
	[tilespmem:v24+s4+$0x0] =	vst.idx.add.f32.msk $0xffff, v3;
	v24 =	vmul.f32 $2.570000000e+02, v26  }
0x7d: {  	s0 =	smul.u32 $0x1020, s6;
	v26 =	vcvt.f32.s32 v23;
	v27 =	vld [tilespmem:s28+$0x9240]  }
0x7e: {  	v25 =	vmul.f32 $2.570000000e+02, v25;
	v24 =	vtrunc.f32 v24  }
0x7f: {  	v23 =	vor.u32 s0, v0;
	v26 =	vshll.u32 v26, $0x4;
	v24 =	vcvt.f32.s32 v24  }
0x80: {  	v26 =	vadd.s32 v23, v26;
	v25 =	vtrunc.f32 v25  }
0x81: {  	[tilespmem:v28+s4+$0x0] =	vst.idx.add.f32.msk $0xffff, v3;
	v25 =	vcvt.f32.s32 v25;
	v24 =	vshll.u32 v24, $0x4  }
0x82: {  	v28 =	vld [tilespmem:s26+$0x9260];
	v27 =	vmul.f32 $2.570000000e+02, v27;
	v24 =	vadd.s32 v19, v24  }
0x83: {  	v25 =	vshll.u32 v25, $0x4  }
0x84: {  	v25 =	vadd.s32 v22, v25;
	v27 =	vtrunc.f32 v27  }
0x85: {  	[tilespmem:v26+s4+$0x0] =	vst.idx.add.f32.msk $0xffff, v3;
	v26 =	vcvt.f32.s32 v27  }
0x86: {  	v27 =	vld [tilespmem:s30+$0x9210]  }
0x87: {  	v28 =	vmul.f32 $2.570000000e+02, v28;
	v26 =	vshll.u32 v26, $0x4;
	[tilespmem:v24+s4+$0x0] =	vst.idx.add.f32.msk $0xffff, v3  }
0x88: {  	v24 =	vadd.s32 v21, v26;
	v26 =	vld [tilespmem:s25+$0x9600]  }
0x89: {  	v28 =	vtrunc.f32 v28;
	[tilespmem:v25+s4+$0x0] =	vst.idx.add.f32.msk $0xffff, v3  }
0x8a: {  	v25 =	vcvt.f32.s32 v28;
	v28 =	vld [tilespmem:s29+$0x9230]  }
0x8b: {  	v27 =	vmul.f32 $2.570000000e+02, v27  }
0x8c: {  	v25 =	vshll.u32 v25, $0x4  }
0x8d: {  	s8 =	simm.s32 $0x2800;
	s7 =	simm.s32 $0x28;
	v25 =	vadd.s32 v20, v25;
	v27 =	vtrunc.f32 v27;
	[tilespmem:v24+s4+$0x0] =	vst.idx.add.f32.msk $0xffff, v3;
	v24 =	vmul.f32 $2.570000000e+02, v26  }
0x8e: {  	s2 =	sand.u32 $0x7800, s8;
	s0 =	sand.u32 $0x3FFFFF80, s7;
	v26 =	vcvt.f32.s32 v27;
	v27 =	vld [tilespmem:s28+$0x9250]  }
0x8f: {  	s31 =	sadd.s32 s0, s2;
	v28 =	vmul.f32 $2.570000000e+02, v28;
	v24 =	vtrunc.f32 v24  }
0x90: {  	v29 =	vld [tilespmem:s31+$0x9200];
	v26 =	vshll.u32 v26, $0x4;
	v24 =	vcvt.f32.s32 v24  }
0x91: {  	v26 =	vadd.s32 v23, v26;
	v28 =	vtrunc.f32 v28  }
0x92: {  	[tilespmem:v25+s4+$0x0] =	vst.idx.add.f32.msk $0xffff, v3;
	v25 =	vcvt.f32.s32 v28;
	v24 =	vshll.u32 v24, $0x4  }
0x93: {  	v28 =	vld [tilespmem:s26+$0x9270];
	v24 =	vadd.s32 v19, v24;
	v27 =	vmul.f32 $2.570000000e+02, v27  }
0x94: {  	v25 =	vshll.u32 v25, $0x4  }
0x95: {  	v29 =	vmul.f32 $2.570000000e+02, v29;
	v25 =	vadd.s32 v22, v25;
	v27 =	vtrunc.f32 v27  }
0x96: {  	[tilespmem:v26+s4+$0x0] =	vst.idx.add.f32.msk $0xffff, v3;
	v26 =	vcvt.f32.s32 v27  }
0x97: {  	s9 =	simm.s32 $0x0;
	v27 =	vtrunc.f32 v29;
	v29 =	vld [tilespmem:s30+$0x9220]  }
0x98: {  	s0 =	smul.u32 $0x1020, s9;
	v28 =	vmul.f32 $2.570000000e+02, v28;
	v27 =	vcvt.f32.s32 v27;
	[tilespmem:v24+s4+$0x0] =	vst.idx.add.f32.msk $0xffff, v3;
	v24 =	vshll.u32 v26, $0x4  }
0x99: {  	v26 =	vld [tilespmem:s25+$0x9610];
	v30 =	vadd.s32 v21, v24  }
0x9a: {  	v28 =	vtrunc.f32 v28;
	v24 =	vor.u32 s0, v0;
	v27 =	vshll.u32 v27, $0x4;
	[tilespmem:v25+s4+$0x0] =	vst.idx.add.f32.msk $0xffff, v3  }
0x9b: {  	v25 =	vcvt.f32.s32 v28;
	v27 =	vadd.s32 v24, v27;
	v28 =	vld [tilespmem:s29+$0x9240]  }
0x9c: {  	v29 =	vmul.f32 $2.570000000e+02, v29  }
0x9d: {  	v25 =	vshll.u32 v25, $0x4  }
0x9e: {  	v25 =	vadd.s32 v20, v25;
	v29 =	vtrunc.f32 v29;
	v26 =	vmul.f32 $2.570000000e+02, v26;
	[tilespmem:v30+s4+$0x0] =	vst.idx.add.f32.msk $0xffff, v3  }
0x9f: {  	v29 =	vcvt.f32.s32 v29;
	v30 =	vld [tilespmem:s28+$0x9260]  }
0xa0: {  	[tilespmem:v27+s4+$0x0] =	vst.idx.add.f32.msk $0xffff, v3;
	v27 =	vmul.f32 $2.570000000e+02, v28;
	v26 =	vtrunc.f32 v26  }
0xa1: {  	v28 =	vshll.u32 v29, $0x4;
	v26 =	vcvt.f32.s32 v26  }
0xa2: {  	v29 =	vld [tilespmem:s31+$0x9210];
	v28 =	vadd.s32 v23, v28;
	v27 =	vtrunc.f32 v27  }
0xa3: {  	[tilespmem:v25+s4+$0x0] =	vst.idx.add.f32.msk $0xffff, v3;
	v25 =	vcvt.f32.s32 v27;
	v26 =	vshll.u32 v26, $0x4  }
0xa4: {  	v27 =	vld [tilespmem:s26+$0x9600];
	v26 =	vadd.s32 v19, v26  }
0xa5: {  	v30 =	vmul.f32 $2.570000000e+02, v30;
	v25 =	vshll.u32 v25, $0x4  }
0xa6: {  	v25 =	vadd.s32 v22, v25  }
0xa7: {  	v29 =	vmul.f32 $2.570000000e+02, v29;
	v30 =	vtrunc.f32 v30;
	[tilespmem:v28+s4+$0x0] =	vst.idx.add.f32.msk $0xffff, v3  }
0xa8: {  	v28 =	vcvt.f32.s32 v30;
	v30 =	vld [tilespmem:s30+$0x9230]  }
0xa9: {  	v29 =	vtrunc.f32 v29;
	v27 =	vmul.f32 $2.570000000e+02, v27;
	[tilespmem:v26+s4+$0x0] =	vst.idx.add.f32.msk $0xffff, v3  }
0xaa: {  	v26 =	vcvt.f32.s32 v29;
	v28 =	vshll.u32 v28, $0x4;
	v29 =	vld [tilespmem:s25+$0x9620]  }
0xab: {  	s17 =	simm.s32 $0x3000;
	s16 =	simm.s32 $0x30;
	v28 =	vadd.s32 v21, v28;
	v27 =	vtrunc.f32 v27;
	[tilespmem:v25+s4+$0x0] =	vst.idx.add.f32.msk $0xffff, v3  }
0xac: {  	s2 =	sand.u32 $0x7800, s17;
	s0 =	sand.u32 $0x3FFFFF80, s16;
	v25 =	vshll.u32 v26, $0x4;
	v26 =	vcvt.f32.s32 v27;
	v27 =	vld [tilespmem:s29+$0x9250]  }
0xad: {  	s2 =	sadd.s32 s0, s2;
	v25 =	vadd.s32 v24, v25;
	v30 =	vmul.f32 $2.570000000e+02, v30  }
0xae: {  	v31 =	vld [tilespmem:s2+$0x9200];
	v26 =	vshll.u32 v26, $0x4  }
0xaf: {  	v26 =	vadd.s32 v20, v26;
	v30 =	vtrunc.f32 v30;
	v29 =	vmul.f32 $2.570000000e+02, v29  }
0xb0: {  	[tilespmem:v28+s4+$0x0] =	vst.idx.add.f32.msk $0xffff, v3;
	v28 =	vcvt.f32.s32 v30  }
0xb1: {  	v30 =	vld [tilespmem:s28+$0x9270];
	v27 =	vmul.f32 $2.570000000e+02, v27;
	v29 =	vtrunc.f32 v29  }
0xb2: {  	[tilespmem:v25+s4+$0x0] =	vst.idx.add.f32.msk $0xffff, v3;
	v25 =	vshll.u32 v28, $0x4;
	v28 =	vcvt.f32.s32 v29  }
0xb3: {  	v31 =	vmul.f32 $2.570000000e+02, v31;
	v29 =	vld [tilespmem:s31+$0x9220];
	v32 =	vadd.s32 v23, v25;
	v25 =	vtrunc.f32 v27  }
0xb4: {  	s18 =	simm.s32 $0x0;
	[tilespmem:v26+s4+$0x0] =	vst.idx.add.f32.msk $0xffff, v3;
	v25 =	vcvt.f32.s32 v25;
	v26 =	vshll.u32 v28, $0x4  }
0xb5: {  	s0 =	smul.u32 $0x1020, s18;
	v27 =	vld [tilespmem:s26+$0x9610];
	v28 =	vtrunc.f32 v31;
	v26 =	vadd.s32 v19, v26  }
0xb6: {  	v30 =	vmul.f32 $2.570000000e+02, v30;
	v28 =	vcvt.f32.s32 v28;
	v25 =	vshll.u32 v25, $0x4  }
0xb7: {  	v31 =	vadd.s32 v22, v25;
	v25 =	vor.u32 s0, v0  }
0xb8: {  	v29 =	vmul.f32 $2.570000000e+02, v29;
	v30 =	vtrunc.f32 v30;
	v28 =	vshll.u32 v28, $0x4;
	[tilespmem:v32+s4+$0x0] =	vst.idx.add.f32.msk $0xffff, v3  }
0xb9: {  	v30 =	vcvt.f32.s32 v30;
	v28 =	vadd.s32 v25, v28;
	v32 =	vld [tilespmem:s30+$0x9240]  }
0xba: {  	v29 =	vtrunc.f32 v29;
	v27 =	vmul.f32 $2.570000000e+02, v27;
	[tilespmem:v26+s4+$0x0] =	vst.idx.add.f32.msk $0xffff, v3  }
0xbb: {  	v26 =	vcvt.f32.s32 v29;
	v29 =	vshll.u32 v30, $0x4;
	v30 =	vld [tilespmem:s25+$0x9630]  }
0xbc: {  	v29 =	vadd.s32 v21, v29;
	v27 =	vtrunc.f32 v27  }
0xbd: {  	[tilespmem:v31+s4+$0x0] =	vst.idx.add.f32.msk $0xffff, v3;
	v26 =	vshll.u32 v26, $0x4;
	v27 =	vcvt.f32.s32 v27  }
0xbe: {  	v26 =	vadd.s32 v24, v26;
	[tilespmem:v28+s4+$0x0] =	vst.idx.add.f32.msk $0xffff, v3;
	v28 =	vmul.f32 $2.570000000e+02, v32  }
0xbf: {  	v31 =	vld [tilespmem:s29+$0x9260];
	v27 =	vshll.u32 v27, $0x4  }
0xc0: {  	v62 =	vld [tilespmem:s2+$0x9210];
	v27 =	vadd.s32 v20, v27;
	v28 =	vtrunc.f32 v28;
	v30 =	vmul.f32 $2.570000000e+02, v30  }
0xc1: {  	[tilespmem:v29+s4+$0x0] =	vst.idx.add.f32.msk $0xffff, v3;
	v28 =	vcvt.f32.s32 v28  }
0xc2: {  	v29 =	vld [tilespmem:s28+$0x9600];
	v30 =	vtrunc.f32 v30  }
0xc3: {  	[tilespmem:v26+s4+$0x0] =	vst.idx.add.f32.msk $0xffff, v3;
	v28 =	vshll.u32 v28, $0x4;
	v30 =	vcvt.f32.s32 v30  }
0xc4: {  	s19 =	simm.s32 $0x38;
	s3 =	simm.s32 $0x3800;
	v26 =	vmul.f32 $2.570000000e+02, v31;
	v31 =	vld [tilespmem:s31+$0x9230];
	v28 =	vadd.s32 v23, v28  }
0xc5: {  	s5 =	sand.u32 $0x7800, s3;
	s0 =	sand.u32 $0x3FFFFF80, s19;
	[tilespmem:v27+s4+$0x0] =	vst.idx.add.f32.msk $0xffff, v3;
	v27 =	vshll.u32 v30, $0x4  }
0xc6: {  	s0 =	sadd.s32 s0, s5;
	v27 =	vadd.s32 v19, v27  }
0xc7: {  	v34 =	vld [tilespmem:s0+$0x9200];
	v32 =	vmul.f32 $2.570000000e+02, v62;
	v26 =	vtrunc.f32 v26  }
0xc8: {  	v26 =	vcvt.f32.s32 v26;
	v33 =	vld [tilespmem:s26+$0x9620]  }
0xc9: {  	v30 =	vtrunc.f32 v32;
	v29 =	vmul.f32 $2.570000000e+02, v29;
	[tilespmem:v28+s4+$0x0] =	vst.idx.add.f32.msk $0xffff, v3  }
0xca: {  	v32 =	vcvt.f32.s32 v30;
	v26 =	vshll.u32 v26, $0x4;
	v35 =	vmul.f32 $2.570000000e+02, v31;
	v31 =	vld [tilespmem:s30+$0x9250]  }
0xcb: {  	v29 =	vtrunc.f32 v29;
	v30 =	vadd.s32 v22, v26;
	[tilespmem:v27+s4+$0x0] =	vst.idx.add.f32.msk $0xffff, v3  }
0xcc: {  	v28 =	vshll.u32 v32, $0x4;
	v26 =	vcvt.f32.s32 v29;
	v27 =	vld [tilespmem:s25+$0x9640]  }
0xcd: {  	v29 =	vtrunc.f32 v35;
	v63 =	vmul.f32 $2.570000000e+02, v33;
	v33 =	vadd.s32 v25, v28  }
0xce: {  	v32 =	vcvt.f32.s32 v29;
	v28 =	vshll.u32 v26, $0x4  }
0xcf: {  	s6 =	simm.s32 $0x7;
	s5 =	simm.s32 $0x8;
	v26 =	vmul.f32 $2.570000000e+02, v34;
	v29 =	vadd.s32 v21, v28;
	v28 =	vtrunc.f32 v63  }
.LBB2_6:
0xd0: {  	p0 =	sne.s32 s5, $0x7F;
	v32 =	vshll.u32 v32, $0x4;
	v31 =	vmul.f32 $2.570000000e+02, v31;
	[tilespmem:v30+s4+$0x0] =	vst.idx.add.f32.msk $0xffff, v3;
	v28 =	vcvt.f32.s32 v28  }
0xd1: {  	s7 =	sshrl.u32 s6, $0x4;
	s6 =	smov.u32 s5;
	v26 =	vtrunc.f32 v26;
	v30 =	vadd.s32 v24, v32;
	v32 =	vld [tilespmem:s29+$0x9270];
	v27 =	vmul.f32 $2.570000000e+02, v27  }
0xd2: {  	s7 =	smul.u32 $0x1020, s7;
	v26 =	vcvt.f32.s32 v26;
	[tilespmem:v33+s4+$0x0] =	vst.idx.add.f32.msk $0xffff, v3;
	v31 =	vtrunc.f32 v31;
	v28 =	vshll.u32 v28, $0x4  }
0xd3: {  	v33 =	vld [tilespmem:s2+$0x9220];
	v31 =	vcvt.f32.s32 v31;
	v28 =	vadd.s32 v20, v28;
	v27 =	vtrunc.f32 v27  }
0xd4: {  	v34 =	vor.u32 s7, v0;
	v26 =	vshll.u32 v26, $0x4;
	[tilespmem:v29+s4+$0x0] =	vst.idx.add.f32.msk $0xffff, v3;
	v27 =	vcvt.f32.s32 v27  }
0xd5: {  	v26 =	vadd.s32 v34, v26;
	v29 =	vshll.u32 v31, $0x4;
	v31 =	vld [tilespmem:s28+$0x9610]  }
0xd6: {  	[tilespmem:v30+s4+$0x0] =	vst.idx.add.f32.msk $0xffff, v3;
	v29 =	vadd.s32 v23, v29;
	v30 =	vmul.f32 $2.570000000e+02, v32;
	v27 =	vshll.u32 v27, $0x4  }
0xd7: {  	v32 =	vld [tilespmem:s31+$0x9240];
	v27 =	vadd.s32 v19, v27  }
0xd8: {  	v33 =	vmul.f32 $2.570000000e+02, v33;
	v30 =	vtrunc.f32 v30;
	[tilespmem:v28+s4+$0x0] =	vst.idx.add.f32.msk $0xffff, v3  }
0xd9: {  	v28 =	vcvt.f32.s32 v30;
	v30 =	vld [tilespmem:s26+$0x9630]  }
0xda: {  	[tilespmem:v26+s4+$0x0] =	vst.idx.add.f32.msk $0xffff, v3;
	v26 =	vtrunc.f32 v33;
	v31 =	vmul.f32 $2.570000000e+02, v31  }
0xdb: {  	v26 =	vcvt.f32.s32 v26;
	[tilespmem:v29+s4+$0x0] =	vst.idx.add.f32.msk $0xffff, v3;
	v28 =	vshll.u32 v28, $0x4  }
0xdc: {  	v29 =	vmul.f32 $2.570000000e+02, v32;
	v28 =	vadd.s32 v22, v28;
	v31 =	vtrunc.f32 v31;
	[tilespmem:v27+s4+$0x0] =	vst.idx.add.f32.msk $0xffff, v3  }
0xdd: {  	s3 =	sadd.s32 $0x800, s3;
	s7 =	sshll.u32 s5, $0x3;
	v26 =	vshll.u32 v26, $0x4;
	v27 =	vcvt.f32.s32 v31;
	v31 =	vld [tilespmem:s25+$0x9650];
	s25 =	smov.u32 s26  }
0xde: {  	s8 =	sand.u32 $0x7800, s3;
	s7 =	sand.u32 $0x3FFFFF80, s7;
	s26 =	smov.u32 s28;
	v26 =	vadd.s32 v25, v26;
	v29 =	vtrunc.f32 v29;
	v32 =	vld [tilespmem:s30+$0x9260];
	v30 =	vmul.f32 $2.570000000e+02, v30  }
0xdf: {  	s7 =	sadd.s32 s7, s8;
	s28 =	smov.u32 s29;
	s29 =	smov.u32 s30;
	v33 =	vld [tilespmem:s0+$0x9210];
	v29 =	vcvt.f32.s32 v29;
	v27 =	vshll.u32 v27, $0x4  }
0xe0: {  	s30 =	smov.u32 s31;
	s31 =	smov.u32 s2;
	s2 =	smov.u32 s0;
	v35 =	vld [tilespmem:s7+$0x9200];
	v27 =	vadd.s32 v21, v27;
	v30 =	vtrunc.f32 v30  }
0xe1: {  	s0 =	smov.u32 s7;
	v29 =	vshll.u32 v29, $0x4;
	[tilespmem:v28+s4+$0x0] =	vst.idx.add.f32.msk $0xffff, v3;
	v28 =	vcvt.f32.s32 v30  }
0xe2: {  	v29 =	vadd.s32 v24, v29;
	v30 =	vld [tilespmem:s28+$0x9600];
	v31 =	vmul.f32 $2.570000000e+02, v31  }
0xe3: {  	[tilespmem:v26+s4+$0x0] =	vst.idx.add.f32.msk $0xffff, v3;
	v26 =	vmul.f32 $2.570000000e+02, v32;
	v28 =	vshll.u32 v28, $0x4  }
0xe4: {  	v32 =	vmul.f32 $2.570000000e+02, v33;
	v33 =	vld [tilespmem:s31+$0x9230];
	v28 =	vadd.s32 v20, v28;
	v31 =	vtrunc.f32 v31  }
0xe5: {  	v26 =	vtrunc.f32 v26;
	[tilespmem:v27+s4+$0x0] =	vst.idx.add.f32.msk $0xffff, v3;
	v27 =	vcvt.f32.s32 v31  }
0xe6: {  	v26 =	vcvt.f32.s32 v26;
	v36 =	vld [tilespmem:s26+$0x9620]  }
0xe7: {  	v31 =	vtrunc.f32 v32;
	[tilespmem:v29+s4+$0x0] =	vst.idx.add.f32.msk $0xffff, v3;
	v29 =	vmul.f32 $2.570000000e+02, v30;
	v27 =	vshll.u32 v27, $0x4  }
0xe8: {  	v32 =	vcvt.f32.s32 v31;
	v31 =	vld [tilespmem:s30+$0x9250];
	v26 =	vshll.u32 v26, $0x4;
	v37 =	vadd.s32 v19, v27;
	v19 =	vmovc v20;
	v20 =	vmovc v21  }
.Ltmp1:
0xe9: {  	v21 =	vmovc v22;
	v38 =	vmul.f32 $2.570000000e+02, v33;
	v30 =	vadd.s32 v23, v26;
	v26 =	vtrunc.f32 v29;
	[tilespmem:v28+s4+$0x0] =	vst.idx.add.f32.msk $0xffff, v3;
	(pc) =	sbr.rel @p0 .LBB2_6-.Ltmp1, $4  }
0xea: {  	v22 =	vmovc v23;
	v28 =	vshll.u32 v32, $0x4;
	v23 =	vmovc v24;
	v24 =	vmov v25;
	v26 =	vcvt.f32.s32 v26;
	v27 =	vld [tilespmem:s25+$0x9640]  }
0xeb: {  	v25 =	vmovc v34;
	v33 =	vadd.s32 v34, v28;
	v28 =	vtrunc.f32 v38;
	v36 =	vmul.f32 $2.570000000e+02, v36  }
0xec: {  	v32 =	vcvt.f32.s32 v28;
	v28 =	vshll.u32 v26, $0x4  }
0xed: {  	s5 =	sadd.s32 $0x1, s5;
	v26 =	vmul.f32 $2.570000000e+02, v35;
	v29 =	vadd.s32 v21, v28;
	v28 =	vtrunc.f32 v36;
	[tilespmem:v37+s4+$0x0] =	vst.idx.add.f32.msk $0xffff, v3  }
0xee: {  	_ = 	snop  }
0xef: {  	s3 =	sshrl.u32 s6, $0x4;
	v26 =	vtrunc.f32 v26  }
0xf0: {  	s3 =	smul.u32 $0x1020, s3;
	v34 =	vcvt.f32.s32 v26;
	_ =	sdelay $0x1  }
0xf1: {  	v26 =	vor.u32 s3, v0;
	v34 =	vshll.u32 v34, $0x4  }
0xf2: {  	v34 =	vadd.s32 v26, v34;
	_ =	sdelay $0x4  }
0xf3: {  	[tilespmem:v34+s4+$0x0] =	vst.idx.add.f32.msk $0xffff, v3  }
0xf4: {  	v34 =	vld [tilespmem:s0+$0x9210];
	_ =	sdelay $0x4  }
0xf5: {  	v34 =	vmul.f32 $2.570000000e+02, v34;
	_ =	sdelay $0x1  }
0xf6: {  	v34 =	vtrunc.f32 v34  }
0xf7: {  	v34 =	vcvt.f32.s32 v34;
	_ =	sdelay $0x1  }
0xf8: {  	v34 =	vshll.u32 v34, $0x4  }
0xf9: {  	v34 =	vadd.s32 v26, v34;
	_ =	sdelay $0x2  }
0xfa: {  	[tilespmem:v33+s4+$0x0] =	vst.idx.add.f32.msk $0xffff, v3  }
0xfb: {  	v33 =	vld [tilespmem:s2+$0x9220]  }
0xfc: {  	[tilespmem:v34+s4+$0x0] =	vst.idx.add.f32.msk $0xffff, v3  }
0xfd: {  	v34 =	vld [tilespmem:s0+$0x9220];
	_ =	sdelay $0x2  }
0xfe: {  	v33 =	vmul.f32 $2.570000000e+02, v33;
	_ =	sdelay $0x1  }
0xff: {  	v33 =	vtrunc.f32 v33;
	v34 =	vmul.f32 $2.570000000e+02, v34  }
0x100: {  	v33 =	vcvt.f32.s32 v33  }
0x101: {  	v34 =	vtrunc.f32 v34  }
0x102: {  	v33 =	vshll.u32 v33, $0x4;
	v34 =	vcvt.f32.s32 v34  }
0x103: {  	v33 =	vadd.s32 v25, v33  }
0x104: {  	v34 =	vshll.u32 v34, $0x4  }
0x105: {  	v34 =	vadd.s32 v26, v34;
	_ =	sdelay $0x2  }
0x106: {  	[tilespmem:v33+s4+$0x0] =	vst.idx.add.f32.msk $0xffff, v3  }
0x107: {  	v33 =	vld [tilespmem:s2+$0x9230]  }
0x108: {  	[tilespmem:v34+s4+$0x0] =	vst.idx.add.f32.msk $0xffff, v3  }
0x109: {  	v34 =	vld [tilespmem:s0+$0x9230];
	_ =	sdelay $0x2  }
0x10a: {  	v33 =	vmul.f32 $2.570000000e+02, v33;
	_ =	sdelay $0x1  }
0x10b: {  	v33 =	vtrunc.f32 v33;
	v34 =	vmul.f32 $2.570000000e+02, v34  }
0x10c: {  	v32 =	vshll.u32 v32, $0x4;
	v33 =	vcvt.f32.s32 v33  }
0x10d: {  	v32 =	vadd.s32 v24, v32;
	v34 =	vtrunc.f32 v34  }
0x10e: {  	v33 =	vshll.u32 v33, $0x4;
	v34 =	vcvt.f32.s32 v34  }
0x10f: {  	v33 =	vadd.s32 v25, v33  }
0x110: {  	v34 =	vshll.u32 v34, $0x4  }
0x111: {  	v34 =	vadd.s32 v26, v34  }
0x112: {  	[tilespmem:v32+s4+$0x0] =	vst.idx.add.f32.msk $0xffff, v3  }
0x113: {  	v32 =	vld [tilespmem:s31+$0x9240]  }
0x114: {  	[tilespmem:v33+s4+$0x0] =	vst.idx.add.f32.msk $0xffff, v3  }
0x115: {  	v33 =	vld [tilespmem:s2+$0x9240]  }
0x116: {  	[tilespmem:v34+s4+$0x0] =	vst.idx.add.f32.msk $0xffff, v3  }
0x117: {  	v34 =	vld [tilespmem:s0+$0x9240]  }
0x118: {  	v32 =	vmul.f32 $2.570000000e+02, v32;
	_ =	sdelay $0x1  }
0x119: {  	v32 =	vtrunc.f32 v32;
	v33 =	vmul.f32 $2.570000000e+02, v33  }
0x11a: {  	v32 =	vcvt.f32.s32 v32  }
0x11b: {  	v33 =	vtrunc.f32 v33;
	v34 =	vmul.f32 $2.570000000e+02, v34  }
0x11c: {  	v32 =	vshll.u32 v32, $0x4;
	v33 =	vcvt.f32.s32 v33  }
0x11d: {  	v32 =	vadd.s32 v24, v32;
	v34 =	vtrunc.f32 v34  }
0x11e: {  	v33 =	vshll.u32 v33, $0x4;
	v34 =	vcvt.f32.s32 v34  }
0x11f: {  	v33 =	vadd.s32 v25, v33  }
0x120: {  	v34 =	vshll.u32 v34, $0x4  }
0x121: {  	v34 =	vadd.s32 v26, v34  }
0x122: {  	[tilespmem:v32+s4+$0x0] =	vst.idx.add.f32.msk $0xffff, v3  }
0x123: {  	v32 =	vld [tilespmem:s31+$0x9250]  }
0x124: {  	[tilespmem:v33+s4+$0x0] =	vst.idx.add.f32.msk $0xffff, v3  }
0x125: {  	v33 =	vld [tilespmem:s2+$0x9250]  }
0x126: {  	v31 =	vmul.f32 $2.570000000e+02, v31;
	[tilespmem:v34+s4+$0x0] =	vst.idx.add.f32.msk $0xffff, v3  }
0x127: {  	v34 =	vld [tilespmem:s0+$0x9250]  }
0x128: {  	v31 =	vtrunc.f32 v31;
	v32 =	vmul.f32 $2.570000000e+02, v32  }
0x129: {  	v31 =	vcvt.f32.s32 v31  }
0x12a: {  	v32 =	vtrunc.f32 v32;
	v33 =	vmul.f32 $2.570000000e+02, v33  }
0x12b: {  	v31 =	vshll.u32 v31, $0x4;
	v32 =	vcvt.f32.s32 v32  }
0x12c: {  	v31 =	vadd.s32 v23, v31;
	v33 =	vtrunc.f32 v33;
	v34 =	vmul.f32 $2.570000000e+02, v34  }
0x12d: {  	v32 =	vshll.u32 v32, $0x4;
	v33 =	vcvt.f32.s32 v33  }
0x12e: {  	v32 =	vadd.s32 v24, v32;
	v34 =	vtrunc.f32 v34  }
0x12f: {  	v33 =	vshll.u32 v33, $0x4;
	v34 =	vcvt.f32.s32 v34  }
0x130: {  	v33 =	vadd.s32 v25, v33  }
0x131: {  	[tilespmem:v31+s4+$0x0] =	vst.idx.add.f32.msk $0xffff, v3;
	v31 =	vshll.u32 v34, $0x4  }
0x132: {  	v57 =	vld [tilespmem:s30+$0x9260];
	v31 =	vadd.s32 v26, v31  }
0x133: {  	[tilespmem:v32+s4+$0x0] =	vst.idx.add.f32.msk $0xffff, v3  }
0x134: {  	v32 =	vld [tilespmem:s31+$0x9260]  }
0x135: {  	[tilespmem:v33+s4+$0x0] =	vst.idx.add.f32.msk $0xffff, v3  }
0x136: {  	v33 =	vld [tilespmem:s2+$0x9260]  }
0x137: {  	v34 =	vmul.f32 $2.570000000e+02, v57;
	[tilespmem:v31+s4+$0x0] =	vst.idx.add.f32.msk $0xffff, v3  }
0x138: {  	v31 =	vld [tilespmem:s0+$0x9260]  }
0x139: {  	v32 =	vmul.f32 $2.570000000e+02, v32;
	v34 =	vtrunc.f32 v34  }
0x13a: {  	v34 =	vcvt.f32.s32 v34  }
0x13b: {  	v32 =	vtrunc.f32 v32;
	v33 =	vmul.f32 $2.570000000e+02, v33  }
0x13c: {  	v32 =	vcvt.f32.s32 v32;
	v34 =	vshll.u32 v34, $0x4  }
0x13d: {  	v33 =	vtrunc.f32 v33;
	v34 =	vadd.s32 v23, v34;
	v31 =	vmul.f32 $2.570000000e+02, v31  }
0x13e: {  	v32 =	vshll.u32 v32, $0x4;
	v33 =	vcvt.f32.s32 v33  }
0x13f: {  	v32 =	vadd.s32 v24, v32;
	v31 =	vtrunc.f32 v31  }
0x140: {  	[tilespmem:v30+s4+$0x0] =	vst.idx.add.f32.msk $0xffff, v3;
	v30 =	vshll.u32 v33, $0x4;
	v31 =	vcvt.f32.s32 v31  }
0x141: {  	v58 =	vld [tilespmem:s29+$0x9270];
	v30 =	vadd.s32 v25, v30  }
0x142: {  	[tilespmem:v34+s4+$0x0] =	vst.idx.add.f32.msk $0xffff, v3;
	v31 =	vshll.u32 v31, $0x4  }
0x143: {  	v34 =	vld [tilespmem:s30+$0x9270];
	v31 =	vadd.s32 v26, v31  }
0x144: {  	[tilespmem:v32+s4+$0x0] =	vst.idx.add.f32.msk $0xffff, v3  }
0x145: {  	v32 =	vld [tilespmem:s31+$0x9270]  }
0x146: {  	v33 =	vmul.f32 $2.570000000e+02, v58;
	[tilespmem:v30+s4+$0x0] =	vst.idx.add.f32.msk $0xffff, v3  }
0x147: {  	v30 =	vld [tilespmem:s2+$0x9270]  }
0x148: {  	v33 =	vtrunc.f32 v33;
	v34 =	vmul.f32 $2.570000000e+02, v34;
	[tilespmem:v31+s4+$0x0] =	vst.idx.add.f32.msk $0xffff, v3  }
0x149: {  	v31 =	vcvt.f32.s32 v33;
	v59 =	vld [tilespmem:s0+$0x9270]  }
0x14a: {  	v32 =	vmul.f32 $2.570000000e+02, v32;
	v34 =	vtrunc.f32 v34  }
0x14b: {  	v34 =	vcvt.f32.s32 v34;
	v31 =	vshll.u32 v31, $0x4  }
0x14c: {  	v32 =	vtrunc.f32 v32;
	v30 =	vmul.f32 $2.570000000e+02, v30;
	v31 =	vadd.s32 v22, v31  }
0x14d: {  	v32 =	vcvt.f32.s32 v32;
	v34 =	vshll.u32 v34, $0x4  }
0x14e: {  	v30 =	vtrunc.f32 v30;
	v34 =	vadd.s32 v23, v34;
	v33 =	vmul.f32 $2.570000000e+02, v59  }
0x14f: {  	v32 =	vshll.u32 v32, $0x4;
	v30 =	vcvt.f32.s32 v30  }
0x150: {  	v32 =	vadd.s32 v24, v32;
	v33 =	vtrunc.f32 v33  }
0x151: {  	v30 =	vshll.u32 v30, $0x4;
	[tilespmem:v31+s4+$0x0] =	vst.idx.add.f32.msk $0xffff, v3;
	v31 =	vcvt.f32.s32 v33  }
0x152: {  	v30 =	vadd.s32 v25, v30;
	v60 =	vld [tilespmem:s29+$0x9600]  }
0x153: {  	[tilespmem:v34+s4+$0x0] =	vst.idx.add.f32.msk $0xffff, v3;
	v31 =	vshll.u32 v31, $0x4  }
0x154: {  	v34 =	vld [tilespmem:s30+$0x9600];
	v31 =	vadd.s32 v26, v31  }
0x155: {  	[tilespmem:v32+s4+$0x0] =	vst.idx.add.f32.msk $0xffff, v3  }
0x156: {  	v32 =	vld [tilespmem:s31+$0x9600]  }
0x157: {  	[tilespmem:v30+s4+$0x0] =	vst.idx.add.f32.msk $0xffff, v3;
	v33 =	vmul.f32 $2.570000000e+02, v60  }
0x158: {  	v30 =	vld [tilespmem:s2+$0x9600]  }
0x159: {  	v34 =	vmul.f32 $2.570000000e+02, v34;
	v33 =	vtrunc.f32 v33;
	[tilespmem:v31+s4+$0x0] =	vst.idx.add.f32.msk $0xffff, v3  }
0x15a: {  	v31 =	vcvt.f32.s32 v33;
	v61 =	vld [tilespmem:s0+$0x9600]  }
0x15b: {  	v32 =	vmul.f32 $2.570000000e+02, v32;
	v34 =	vtrunc.f32 v34  }
0x15c: {  	v34 =	vcvt.f32.s32 v34;
	v31 =	vshll.u32 v31, $0x4  }
0x15d: {  	v32 =	vtrunc.f32 v32;
	v30 =	vmul.f32 $2.570000000e+02, v30;
	v31 =	vadd.s32 v22, v31  }
0x15e: {  	v32 =	vcvt.f32.s32 v32;
	v34 =	vshll.u32 v34, $0x4  }
0x15f: {  	v30 =	vtrunc.f32 v30;
	v34 =	vadd.s32 v23, v34;
	v33 =	vmul.f32 $2.570000000e+02, v61  }
0x160: {  	[tilespmem:v29+s4+$0x0] =	vst.idx.add.f32.msk $0xffff, v3;
	v29 =	vshll.u32 v32, $0x4;
	v30 =	vcvt.f32.s32 v30  }
0x161: {  	v62 =	vld [tilespmem:s28+$0x9610];
	v29 =	vadd.s32 v24, v29;
	v33 =	vtrunc.f32 v33  }
0x162: {  	v30 =	vshll.u32 v30, $0x4;
	[tilespmem:v31+s4+$0x0] =	vst.idx.add.f32.msk $0xffff, v3;
	v31 =	vcvt.f32.s32 v33  }
0x163: {  	v30 =	vadd.s32 v25, v30;
	v63 =	vld [tilespmem:s29+$0x9610]  }
0x164: {  	[tilespmem:v34+s4+$0x0] =	vst.idx.add.f32.msk $0xffff, v3;
	v31 =	vshll.u32 v31, $0x4  }
0x165: {  	v34 =	vld [tilespmem:s30+$0x9610];
	v31 =	vadd.s32 v26, v31  }
0x166: {  	v32 =	vmul.f32 $2.570000000e+02, v62;
	[tilespmem:v29+s4+$0x0] =	vst.idx.add.f32.msk $0xffff, v3  }
0x167: {  	v29 =	vld [tilespmem:s31+$0x9610]  }
0x168: {  	v32 =	vtrunc.f32 v32;
	[tilespmem:v30+s4+$0x0] =	vst.idx.add.f32.msk $0xffff, v3;
	v33 =	vmul.f32 $2.570000000e+02, v63  }
0x169: {  	v30 =	vcvt.f32.s32 v32;
	v36 =	vld [tilespmem:s2+$0x9610]  }
0x16a: {  	v34 =	vmul.f32 $2.570000000e+02, v34;
	v33 =	vtrunc.f32 v33;
	[tilespmem:v31+s4+$0x0] =	vst.idx.add.f32.msk $0xffff, v3  }
0x16b: {  	v30 =	vshll.u32 v30, $0x4;
	v31 =	vcvt.f32.s32 v33;
	v37 =	vld [tilespmem:s0+$0x9610]  }
0x16c: {  	v29 =	vmul.f32 $2.570000000e+02, v29;
	v30 =	vadd.s32 v21, v30;
	v34 =	vtrunc.f32 v34  }
0x16d: {  	v34 =	vcvt.f32.s32 v34;
	v31 =	vshll.u32 v31, $0x4  }
0x16e: {  	v29 =	vtrunc.f32 v29;
	v32 =	vmul.f32 $2.570000000e+02, v36;
	v31 =	vadd.s32 v22, v31  }
0x16f: {  	v29 =	vcvt.f32.s32 v29;
	v34 =	vshll.u32 v34, $0x4  }
0x170: {  	v32 =	vtrunc.f32 v32;
	v34 =	vadd.s32 v23, v34;
	v33 =	vmul.f32 $2.570000000e+02, v37  }
0x171: {  	v29 =	vshll.u32 v29, $0x4;
	[tilespmem:v30+s4+$0x0] =	vst.idx.add.f32.msk $0xffff, v3;
	v30 =	vcvt.f32.s32 v32  }
0x172: {  	v29 =	vadd.s32 v24, v29;
	v38 =	vld [tilespmem:s28+$0x9620];
	v33 =	vtrunc.f32 v33  }
0x173: {  	v30 =	vshll.u32 v30, $0x4;
	[tilespmem:v31+s4+$0x0] =	vst.idx.add.f32.msk $0xffff, v3;
	v31 =	vcvt.f32.s32 v33  }
0x174: {  	v30 =	vadd.s32 v25, v30;
	v39 =	vld [tilespmem:s29+$0x9620]  }
0x175: {  	[tilespmem:v34+s4+$0x0] =	vst.idx.add.f32.msk $0xffff, v3;
	v31 =	vshll.u32 v31, $0x4  }
0x176: {  	v34 =	vld [tilespmem:s30+$0x9620];
	v31 =	vadd.s32 v26, v31  }
0x177: {  	[tilespmem:v29+s4+$0x0] =	vst.idx.add.f32.msk $0xffff, v3;
	v32 =	vmul.f32 $2.570000000e+02, v38  }
0x178: {  	v28 =	vcvt.f32.s32 v28;
	v29 =	vld [tilespmem:s31+$0x9620]  }
0x179: {  	v32 =	vtrunc.f32 v32;
	[tilespmem:v30+s4+$0x0] =	vst.idx.add.f32.msk $0xffff, v3;
	v33 =	vmul.f32 $2.570000000e+02, v39  }
0x17a: {  	v28 =	vshll.u32 v28, $0x4;
	v30 =	vcvt.f32.s32 v32;
	v40 =	vld [tilespmem:s2+$0x9620]  }
0x17b: {  	v28 =	vadd.s32 v20, v28;
	v34 =	vmul.f32 $2.570000000e+02, v34;
	v33 =	vtrunc.f32 v33;
	[tilespmem:v31+s4+$0x0] =	vst.idx.add.f32.msk $0xffff, v3  }
0x17c: {  	v30 =	vshll.u32 v30, $0x4;
	v31 =	vcvt.f32.s32 v33;
	v41 =	vld [tilespmem:s0+$0x9620]  }
0x17d: {  	v29 =	vmul.f32 $2.570000000e+02, v29;
	v30 =	vadd.s32 v21, v30;
	v34 =	vtrunc.f32 v34  }
0x17e: {  	v34 =	vcvt.f32.s32 v34;
	v31 =	vshll.u32 v31, $0x4  }
0x17f: {  	v29 =	vtrunc.f32 v29;
	v32 =	vmul.f32 $2.570000000e+02, v40;
	v31 =	vadd.s32 v22, v31  }
0x180: {  	[tilespmem:v28+s4+$0x0] =	vst.idx.add.f32.msk $0xffff, v3;
	v29 =	vcvt.f32.s32 v29;
	v28 =	vshll.u32 v34, $0x4  }
0x181: {  	v42 =	vld [tilespmem:s26+$0x9630];
	v32 =	vtrunc.f32 v32;
	v28 =	vadd.s32 v23, v28;
	v33 =	vmul.f32 $2.570000000e+02, v41  }
0x182: {  	v29 =	vshll.u32 v29, $0x4;
	[tilespmem:v30+s4+$0x0] =	vst.idx.add.f32.msk $0xffff, v3;
	v30 =	vcvt.f32.s32 v32  }
0x183: {  	v29 =	vadd.s32 v24, v29;
	v43 =	vld [tilespmem:s28+$0x9630];
	v33 =	vtrunc.f32 v33  }
0x184: {  	v30 =	vshll.u32 v30, $0x4;
	[tilespmem:v31+s4+$0x0] =	vst.idx.add.f32.msk $0xffff, v3;
	v31 =	vcvt.f32.s32 v33  }
0x185: {  	v30 =	vadd.s32 v25, v30;
	v44 =	vld [tilespmem:s29+$0x9630]  }
0x186: {  	v34 =	vmul.f32 $2.570000000e+02, v42;
	[tilespmem:v28+s4+$0x0] =	vst.idx.add.f32.msk $0xffff, v3;
	v28 =	vshll.u32 v31, $0x4  }
0x187: {  	v31 =	vld [tilespmem:s30+$0x9630];
	v28 =	vadd.s32 v26, v28  }
0x188: {  	[tilespmem:v29+s4+$0x0] =	vst.idx.add.f32.msk $0xffff, v3;
	v32 =	vmul.f32 $2.570000000e+02, v43;
	v34 =	vtrunc.f32 v34  }
0x189: {  	v45 =	vld [tilespmem:s31+$0x9630];
	v29 =	vcvt.f32.s32 v34  }
0x18a: {  	v32 =	vtrunc.f32 v32;
	[tilespmem:v30+s4+$0x0] =	vst.idx.add.f32.msk $0xffff, v3;
	v33 =	vmul.f32 $2.570000000e+02, v44  }
0x18b: {  	v30 =	vcvt.f32.s32 v32;
	v46 =	vld [tilespmem:s2+$0x9630];
	v29 =	vshll.u32 v29, $0x4  }
0x18c: {  	v29 =	vadd.s32 v20, v29;
	v33 =	vtrunc.f32 v33;
	v31 =	vmul.f32 $2.570000000e+02, v31;
	[tilespmem:v28+s4+$0x0] =	vst.idx.add.f32.msk $0xffff, v3  }
0x18d: {  	v28 =	vshll.u32 v30, $0x4;
	v30 =	vcvt.f32.s32 v33;
	v47 =	vld [tilespmem:s0+$0x9630]  }
0x18e: {  	v34 =	vmul.f32 $2.570000000e+02, v45;
	v28 =	vadd.s32 v21, v28;
	v31 =	vtrunc.f32 v31  }
0x18f: {  	v30 =	vshll.u32 v30, $0x4;
	v31 =	vcvt.f32.s32 v31  }
0x190: {  	v32 =	vmul.f32 $2.570000000e+02, v46;
	v34 =	vtrunc.f32 v34;
	v30 =	vadd.s32 v22, v30  }
0x191: {  	[tilespmem:v29+s4+$0x0] =	vst.idx.add.f32.msk $0xffff, v3;
	v29 =	vshll.u32 v31, $0x4;
	v31 =	vcvt.f32.s32 v34  }
0x192: {  	v32 =	vtrunc.f32 v32;
	v48 =	vld [tilespmem:s26+$0x9640];
	v29 =	vadd.s32 v23, v29;
	v33 =	vmul.f32 $2.570000000e+02, v47  }
0x193: {  	[tilespmem:v28+s4+$0x0] =	vst.idx.add.f32.msk $0xffff, v3;
	v28 =	vshll.u32 v31, $0x4;
	v31 =	vcvt.f32.s32 v32  }
0x194: {  	v49 =	vld [tilespmem:s28+$0x9640];
	v28 =	vadd.s32 v24, v28;
	v33 =	vtrunc.f32 v33  }
0x195: {  	v27 =	vmul.f32 $2.570000000e+02, v27;
	[tilespmem:v30+s4+$0x0] =	vst.idx.add.f32.msk $0xffff, v3;
	v30 =	vshll.u32 v31, $0x4;
	v31 =	vcvt.f32.s32 v33  }
0x196: {  	v50 =	vld [tilespmem:s29+$0x9640];
	v30 =	vadd.s32 v25, v30  }
0x197: {  	v27 =	vtrunc.f32 v27;
	v34 =	vmul.f32 $2.570000000e+02, v48;
	[tilespmem:v29+s4+$0x0] =	vst.idx.add.f32.msk $0xffff, v3;
	v29 =	vshll.u32 v31, $0x4  }
0x198: {  	v27 =	vcvt.f32.s32 v27;
	v31 =	vld [tilespmem:s30+$0x9640];
	v29 =	vadd.s32 v26, v29  }
0x199: {  	v34 =	vtrunc.f32 v34;
	v32 =	vmul.f32 $2.570000000e+02, v49;
	[tilespmem:v28+s4+$0x0] =	vst.idx.add.f32.msk $0xffff, v3  }
0x19a: {  	v27 =	vshll.u32 v27, $0x4;
	v28 =	vcvt.f32.s32 v34;
	v51 =	vld [tilespmem:s31+$0x9640]  }
0x19b: {  	v27 =	vadd.s32 v19, v27;
	v32 =	vtrunc.f32 v32;
	v33 =	vmul.f32 $2.570000000e+02, v50;
	[tilespmem:v30+s4+$0x0] =	vst.idx.add.f32.msk $0xffff, v3  }
0x19c: {  	v28 =	vshll.u32 v28, $0x4;
	v30 =	vcvt.f32.s32 v32;
	v52 =	vld [tilespmem:s2+$0x9640]  }
0x19d: {  	v28 =	vadd.s32 v20, v28;
	v33 =	vtrunc.f32 v33;
	v31 =	vmul.f32 $2.570000000e+02, v31;
	[tilespmem:v29+s4+$0x0] =	vst.idx.add.f32.msk $0xffff, v3  }
0x19e: {  	v29 =	vshll.u32 v30, $0x4;
	v30 =	vcvt.f32.s32 v33;
	v53 =	vld [tilespmem:s0+$0x9640]  }
0x19f: {  	v29 =	vadd.s32 v21, v29;
	v31 =	vtrunc.f32 v31;
	v34 =	vmul.f32 $2.570000000e+02, v51  }
0x1a0: {  	[tilespmem:v27+s4+$0x0] =	vst.idx.add.f32.msk $0xffff, v3;
	v27 =	vshll.u32 v30, $0x4;
	v30 =	vcvt.f32.s32 v31  }
0x1a1: {  	v31 =	vld [tilespmem:s25+$0x9650];
	v27 =	vadd.s32 v22, v27;
	v34 =	vtrunc.f32 v34;
	v32 =	vmul.f32 $2.570000000e+02, v52  }
0x1a2: {  	[tilespmem:v28+s4+$0x0] =	vst.idx.add.f32.msk $0xffff, v3;
	v28 =	vshll.u32 v30, $0x4;
	v30 =	vcvt.f32.s32 v34  }
0x1a3: {  	v54 =	vld [tilespmem:s26+$0x9650];
	v28 =	vadd.s32 v23, v28;
	v32 =	vtrunc.f32 v32;
	v33 =	vmul.f32 $2.570000000e+02, v53  }
0x1a4: {  	[tilespmem:v29+s4+$0x0] =	vst.idx.add.f32.msk $0xffff, v3;
	v29 =	vshll.u32 v30, $0x4;
	v30 =	vcvt.f32.s32 v32  }
0x1a5: {  	v55 =	vld [tilespmem:s28+$0x9650];
	v29 =	vadd.s32 v24, v29;
	v33 =	vtrunc.f32 v33  }
0x1a6: {  	[tilespmem:v27+s4+$0x0] =	vst.idx.add.f32.msk $0xffff, v3;
	v27 =	vshll.u32 v30, $0x4;
	v30 =	vcvt.f32.s32 v33  }
0x1a7: {  	v56 =	vld [tilespmem:s29+$0x9650];
	v27 =	vadd.s32 v25, v27  }
0x1a8: {  	[tilespmem:v28+s4+$0x0] =	vst.idx.add.f32.msk $0xffff, v3;
	v28 =	vshll.u32 v30, $0x4  }
0x1a9: {  	v30 =	vmul.f32 $2.570000000e+02, v31;
	v31 =	vld [tilespmem:s30+$0x9650];
	v28 =	vadd.s32 v26, v28  }
0x1aa: {  	v34 =	vmul.f32 $2.570000000e+02, v54;
	[tilespmem:v29+s4+$0x0] =	vst.idx.add.f32.msk $0xffff, v3  }
0x1ab: {  	v29 =	vtrunc.f32 v30;
	v30 =	vld [tilespmem:s31+$0x9650]  }
0x1ac: {  	v34 =	vtrunc.f32 v34;
	v32 =	vmul.f32 $2.570000000e+02, v55;
	[tilespmem:v27+s4+$0x0] =	vst.idx.add.f32.msk $0xffff, v3  }
0x1ad: {  	v27 =	vcvt.f32.s32 v29;
	v33 =	vmul.f32 $2.570000000e+02, v56;
	v57 =	vld [tilespmem:s2+$0x9650]  }
0x1ae: {  	v29 =	vcvt.f32.s32 v34;
	[tilespmem:v28+s4+$0x0] =	vst.idx.add.f32.msk $0xffff, v3  }
0x1af: {  	v32 =	vtrunc.f32 v32;
	v27 =	vshll.u32 v27, $0x4;
	v33 =	vtrunc.f32 v33;
	v58 =	vld [tilespmem:s0+$0x9650]  }
0x1b0: {  	v29 =	vshll.u32 v29, $0x4;
	v31 =	vmul.f32 $2.570000000e+02, v31;
	v28 =	vcvt.f32.s32 v32  }
0x1b1: {  	v19 =	vadd.s32 v19, v27;
	v20 =	vadd.s32 v20, v29;
	v27 =	vcvt.f32.s32 v33  }
0x1b2: {  	v29 =	vtrunc.f32 v31;
	v30 =	vmul.f32 $2.570000000e+02, v30;
	v28 =	vshll.u32 v28, $0x4  }
0x1b3: {  	v21 =	vadd.s32 v21, v28;
	v28 =	vcvt.f32.s32 v29;
	v29 =	vmul.f32 $2.570000000e+02, v57  }
0x1b4: {  	v27 =	vshll.u32 v27, $0x4;
	v30 =	vtrunc.f32 v30;
	v31 =	vmul.f32 $2.570000000e+02, v58  }
0x1b5: {  	v22 =	vadd.s32 v22, v27;
	v27 =	vcvt.f32.s32 v30;
	v29 =	vtrunc.f32 v29  }
0x1b6: {  	v28 =	vshll.u32 v28, $0x4;
	v29 =	vcvt.f32.s32 v29;
	v30 =	vtrunc.f32 v31  }
0x1b7: {  	v23 =	vadd.s32 v23, v28;
	v27 =	vshll.u32 v27, $0x4;
	v28 =	vcvt.f32.s32 v30  }
0x1b8: {  	[tilespmem:v19+s4+$0x0] =	vst.idx.add.f32.msk $0xffff, v3;
	v19 =	vadd.s32 v24, v27;
	v24 =	vshll.u32 v29, $0x4  }
0x1b9: {  	[tilespmem:v20+s4+$0x0] =	vst.idx.add.f32.msk $0xffff, v3;
	v20 =	vadd.s32 v25, v24;
	v24 =	vshll.u32 v28, $0x4  }
0x1ba: {  	[tilespmem:v21+s4+$0x0] =	vst.idx.add.f32.msk $0xffff, v3;
	v21 =	vadd.s32 v26, v24  }
0x1bb: {  	[tilespmem:v22+s4+$0x0] =	vst.idx.add.f32.msk $0xffff, v3  }
0x1bc: {  	p0 =	seq.s32 s23, $0x6;
	[tilespmem:v23+s4+$0x0] =	vst.idx.add.f32.msk $0xffff, v3  }
0x1bd: {  	s0 =	sadd.s32 @!p0 s24, s22;
	[tilespmem:v19+s4+$0x0] =	vst.idx.add.f32.msk $0xffff, v3  }
0x1be: {  	s5 =	simm.s32 @!p0 $0x9200;
	s0 =	sshrl.u32 @!p0 s0, $0x3;
	[tilespmem:v20+s4+$0x0] =	vst.idx.add.f32.msk $0xffff, v3  }
0x1bf: {  	s3 =	simm.s32 @!p0 $0x6000;
	s2 =	simm.s32 @!p0 $0x800;
	s0 =	sadd.s32 @!p0 s10, s0;
	[tilespmem:v21+s4+$0x0] =	vst.idx.add.f32.msk $0xffff, v3  }
0x1c0: {  	[tilespmem:s5], [sflag:$0x1] =	stream.strided.gather @!p0 [hbm4b:s0+s2], $0x8000, s3, s2, $0x38;
	[tilespmem:$0x1AA00] =	vst v63  }
0x1c1: {  	s3 =	simm.s32 $0x0;
	s5 =	simm.s32 $0x0;
	_ =	swait.ge [sflag:s15], $0x8000  }
0x1c2: {  	s0 =	sand.u32 $0x7800, s3;
	s2 =	sand.u32 $0x3FFFFF80, s5;
	[sflag:s15] =	ssyncset.done $0x0  }
0x1c3: {  	s0 =	sadd.s32 s2, s0;
	[sflag:s15] =	ssyncadd.s32 $0xFFFF8000  }
0x1c4: {  	v19 =	vld [tilespmem:s0+$0x11200];
	_ =	sdelay $0x4  }
0x1c5: {  	v19 =	vmul.f32 $2.570000000e+02, v19;
	_ =	sdelay $0x1  }
0x1c6: {  	s6 =	simm.s32 $0x0;
	v19 =	vtrunc.f32 v19  }
0x1c7: {  	s2 =	smul.u32 $0x1020, s6;
	v20 =	vcvt.f32.s32 v19;
	_ =	sdelay $0x1  }
0x1c8: {  	v19 =	vor.u32 s2, v0;
	v20 =	vshll.u32 v20, $0x4  }
0x1c9: {  	v20 =	vadd.s32 v19, v20;
	_ =	sdelay $0x4  }
0x1ca: {  	s24 =	sadd.s32 $0x11200, s0;
	[tilespmem:v20+s4+$0x0] =	vst.idx.add.f32.msk $0xffff, v3  }
0x1cb: {  	v20 =	vld [tilespmem:s24+$0x10];
	_ =	sdelay $0x4  }
0x1cc: {  	v20 =	vmul.f32 $2.570000000e+02, v20;
	_ =	sdelay $0x1  }
0x1cd: {  	s7 =	simm.s32 $0x8;
	s8 =	simm.s32 $0x800;
	v20 =	vtrunc.f32 v20  }
0x1ce: {  	s0 =	sand.u32 $0x3FFFFF80, s7;
	s2 =	sand.u32 $0x7800, s8;
	v20 =	vcvt.f32.s32 v20  }
0x1cf: {  	s0 =	sadd.s32 s0, s2  }
0x1d0: {  	v21 =	vld [tilespmem:s0+$0x11200];
	v20 =	vshll.u32 v20, $0x4  }
0x1d1: {  	v20 =	vadd.s32 v19, v20;
	_ =	sdelay $0x3  }
0x1d2: {  	v21 =	vmul.f32 $2.570000000e+02, v21  }
0x1d3: {  	[tilespmem:v20+s4+$0x0] =	vst.idx.add.f32.msk $0xffff, v3  }
0x1d4: {  	v20 =	vtrunc.f32 v21;
	v21 =	vld [tilespmem:s24+$0x20]  }
0x1d5: {  	s9 =	simm.s32 $0x0  }
0x1d6: {  	s2 =	smul.u32 $0x1020, s9;
	v22 =	vcvt.f32.s32 v20;
	_ =	sdelay $0x1  }
0x1d7: {  	v20 =	vor.u32 s2, v0;
	v22 =	vshll.u32 v22, $0x4  }
0x1d8: {  	v22 =	vadd.s32 v20, v22;
	v21 =	vmul.f32 $2.570000000e+02, v21;
	_ =	sdelay $0x1  }
0x1d9: {  	v21 =	vtrunc.f32 v21  }
0x1da: {  	v21 =	vcvt.f32.s32 v21;
	_ =	sdelay $0x1  }
0x1db: {  	s25 =	sadd.s32 $0x11200, s0;
	[tilespmem:v22+s4+$0x0] =	vst.idx.add.f32.msk $0xffff, v3;
	v21 =	vshll.u32 v21, $0x4  }
0x1dc: {  	v22 =	vld [tilespmem:s25+$0x10];
	v21 =	vadd.s32 v19, v21;
	_ =	sdelay $0x4  }
0x1dd: {  	v22 =	vmul.f32 $2.570000000e+02, v22;
	[tilespmem:v21+s4+$0x0] =	vst.idx.add.f32.msk $0xffff, v3  }
0x1de: {  	v21 =	vld [tilespmem:s24+$0x30]  }
0x1df: {  	v22 =	vtrunc.f32 v22  }
0x1e0: {  	v22 =	vcvt.f32.s32 v22  }
0x1e1: {  	s16 =	simm.s32 $0x10;
	s17 =	simm.s32 $0x1000  }
0x1e2: {  	s0 =	sand.u32 $0x3FFFFF80, s16;
	s2 =	sand.u32 $0x7800, s17;
	v22 =	vshll.u32 v22, $0x4  }
0x1e3: {  	s0 =	sadd.s32 s0, s2;
	v22 =	vadd.s32 v20, v22;
	v21 =	vmul.f32 $2.570000000e+02, v21  }
0x1e4: {  	v23 =	vld [tilespmem:s0+$0x11200]  }
0x1e5: {  	v21 =	vtrunc.f32 v21  }
0x1e6: {  	v21 =	vcvt.f32.s32 v21;
	_ =	sdelay $0x1  }
0x1e7: {  	[tilespmem:v22+s4+$0x0] =	vst.idx.add.f32.msk $0xffff, v3;
	v21 =	vshll.u32 v21, $0x4  }
0x1e8: {  	v23 =	vmul.f32 $2.570000000e+02, v23;
	v22 =	vld [tilespmem:s25+$0x20];
	v24 =	vadd.s32 v19, v21;
	_ =	sdelay $0x1  }
0x1e9: {  	s18 =	simm.s32 $0x0;
	v21 =	vtrunc.f32 v23  }
0x1ea: {  	s2 =	smul.u32 $0x1020, s18;
	v23 =	vcvt.f32.s32 v21;
	_ =	sdelay $0x1  }
0x1eb: {  	v21 =	vor.u32 s2, v0;
	v22 =	vmul.f32 $2.570000000e+02, v22;
	v23 =	vshll.u32 v23, $0x4;
	[tilespmem:v24+s4+$0x0] =	vst.idx.add.f32.msk $0xffff, v3  }
0x1ec: {  	v23 =	vadd.s32 v21, v23;
	v24 =	vld [tilespmem:s24+$0x40]  }
0x1ed: {  	v22 =	vtrunc.f32 v22  }
0x1ee: {  	v22 =	vcvt.f32.s32 v22;
	_ =	sdelay $0x1  }
0x1ef: {  	v22 =	vshll.u32 v22, $0x4  }
0x1f0: {  	s26 =	sadd.s32 $0x11200, s0;
	v22 =	vadd.s32 v20, v22;
	[tilespmem:v23+s4+$0x0] =	vst.idx.add.f32.msk $0xffff, v3;
	v23 =	vmul.f32 $2.570000000e+02, v24  }
0x1f1: {  	v24 =	vld [tilespmem:s26+$0x10]  }
0x1f2: {  	v23 =	vtrunc.f32 v23  }
0x1f3: {  	v23 =	vcvt.f32.s32 v23;
	_ =	sdelay $0x1  }
0x1f4: {  	[tilespmem:v22+s4+$0x0] =	vst.idx.add.f32.msk $0xffff, v3;
	v22 =	vshll.u32 v23, $0x4  }
0x1f5: {  	v23 =	vld [tilespmem:s25+$0x30];
	v24 =	vmul.f32 $2.570000000e+02, v24;
	v22 =	vadd.s32 v19, v22;
	_ =	sdelay $0x1  }
0x1f6: {  	v24 =	vtrunc.f32 v24  }
0x1f7: {  	v24 =	vcvt.f32.s32 v24;
	_ =	sdelay $0x1  }
0x1f8: {  	s19 =	simm.s32 $0x18;
	s31 =	simm.s32 $0x1800;
	v23 =	vmul.f32 $2.570000000e+02, v23;
	[tilespmem:v22+s4+$0x0] =	vst.idx.add.f32.msk $0xffff, v3;
	v22 =	vshll.u32 v24, $0x4  }
0x1f9: {  	s0 =	sand.u32 $0x3FFFFF80, s19;
	s2 =	sand.u32 $0x7800, s31;
	v24 =	vld [tilespmem:s24+$0x50];
	v22 =	vadd.s32 v21, v22  }
0x1fa: {  	s0 =	sadd.s32 s0, s2;
	v23 =	vtrunc.f32 v23  }
0x1fb: {  	v25 =	vld [tilespmem:s0+$0x11200];
	v23 =	vcvt.f32.s32 v23;
	_ =	sdelay $0x1  }
0x1fc: {  	v23 =	vshll.u32 v23, $0x4  }
0x1fd: {  	v23 =	vadd.s32 v20, v23;
	v24 =	vmul.f32 $2.570000000e+02, v24;
	[tilespmem:v22+s4+$0x0] =	vst.idx.add.f32.msk $0xffff, v3  }
0x1fe: {  	v22 =	vld [tilespmem:s26+$0x20]  }
0x1ff: {  	v25 =	vmul.f32 $2.570000000e+02, v25;
	v24 =	vtrunc.f32 v24  }
0x200: {  	v24 =	vcvt.f32.s32 v24  }
0x201: {  	s1 =	simm.s32 $0x0;
	v25 =	vtrunc.f32 v25  }
0x202: {  	s2 =	smul.u32 $0x1020, s1;
	[tilespmem:v23+s4+$0x0] =	vst.idx.add.f32.msk $0xffff, v3;
	v23 =	vcvt.f32.s32 v25;
	v24 =	vshll.u32 v24, $0x4  }
0x203: {  	v25 =	vld [tilespmem:s25+$0x40];
	v24 =	vadd.s32 v19, v24;
	v26 =	vmul.f32 $2.570000000e+02, v22  }
0x204: {  	v22 =	vor.u32 s2, v0;
	v23 =	vshll.u32 v23, $0x4  }
0x205: {  	v23 =	vadd.s32 v22, v23;
	v26 =	vtrunc.f32 v26  }
0x206: {  	v26 =	vcvt.f32.s32 v26;
	_ =	sdelay $0x1  }
0x207: {  	v25 =	vmul.f32 $2.570000000e+02, v25;
	[tilespmem:v24+s4+$0x0] =	vst.idx.add.f32.msk $0xffff, v3;
	v24 =	vshll.u32 v26, $0x4  }
0x208: {  	v24 =	vadd.s32 v21, v24;
	v26 =	vld [tilespmem:s24+$0x60]  }
0x209: {  	s28 =	sadd.s32 $0x11200, s0;
	v25 =	vtrunc.f32 v25;
	[tilespmem:v23+s4+$0x0] =	vst.idx.add.f32.msk $0xffff, v3  }
0x20a: {  	v23 =	vcvt.f32.s32 v25;
	v25 =	vld [tilespmem:s28+$0x10];
	_ =	sdelay $0x1  }
0x20b: {  	v23 =	vshll.u32 v23, $0x4  }
0x20c: {  	v23 =	vadd.s32 v20, v23;
	[tilespmem:v24+s4+$0x0] =	vst.idx.add.f32.msk $0xffff, v3;
	v24 =	vmul.f32 $2.570000000e+02, v26  }
0x20d: {  	v26 =	vld [tilespmem:s26+$0x30]  }
0x20e: {  	v25 =	vmul.f32 $2.570000000e+02, v25;
	v24 =	vtrunc.f32 v24  }
0x20f: {  	v24 =	vcvt.f32.s32 v24  }
0x210: {  	v25 =	vtrunc.f32 v25  }
0x211: {  	[tilespmem:v23+s4+$0x0] =	vst.idx.add.f32.msk $0xffff, v3;
	v23 =	vcvt.f32.s32 v25;
	v24 =	vshll.u32 v24, $0x4  }
0x212: {  	v25 =	vld [tilespmem:s25+$0x50];
	v26 =	vmul.f32 $2.570000000e+02, v26;
	v24 =	vadd.s32 v19, v24  }
0x213: {  	s3 =	simm.s32 $0x20;
	s5 =	simm.s32 $0x2000;
	v23 =	vshll.u32 v23, $0x4  }
0x214: {  	s0 =	sand.u32 $0x3FFFFF80, s3;
	s2 =	sand.u32 $0x7800, s5;
	v23 =	vadd.s32 v22, v23;
	v26 =	vtrunc.f32 v26  }
0x215: {  	s0 =	sadd.s32 s0, s2;
	v26 =	vcvt.f32.s32 v26  }
0x216: {  	v27 =	vld [tilespmem:s0+$0x11200]  }
0x217: {  	v25 =	vmul.f32 $2.570000000e+02, v25;
	v26 =	vshll.u32 v26, $0x4;
	[tilespmem:v24+s4+$0x0] =	vst.idx.add.f32.msk $0xffff, v3  }
0x218: {  	v24 =	vadd.s32 v21, v26;
	v26 =	vld [tilespmem:s24+$0x70]  }
0x219: {  	v25 =	vtrunc.f32 v25;
	[tilespmem:v23+s4+$0x0] =	vst.idx.add.f32.msk $0xffff, v3  }
0x21a: {  	v23 =	vcvt.f32.s32 v25;
	v25 =	vld [tilespmem:s28+$0x20]  }
0x21b: {  	v27 =	vmul.f32 $2.570000000e+02, v27  }
0x21c: {  	v23 =	vshll.u32 v23, $0x4  }
0x21d: {  	s6 =	simm.s32 $0x0;
	v28 =	vadd.s32 v20, v23;
	v23 =	vtrunc.f32 v27;
	[tilespmem:v24+s4+$0x0] =	vst.idx.add.f32.msk $0xffff, v3;
	v24 =	vmul.f32 $2.570000000e+02, v26  }
0x21e: {  	s2 =	smul.u32 $0x1020, s6;
	v26 =	vcvt.f32.s32 v23;
	v27 =	vld [tilespmem:s26+$0x40]  }
0x21f: {  	v25 =	vmul.f32 $2.570000000e+02, v25;
	v24 =	vtrunc.f32 v24  }
0x220: {  	v23 =	vor.u32 s2, v0;
	v26 =	vshll.u32 v26, $0x4;
	v24 =	vcvt.f32.s32 v24  }
0x221: {  	v26 =	vadd.s32 v23, v26;
	v25 =	vtrunc.f32 v25  }
0x222: {  	[tilespmem:v28+s4+$0x0] =	vst.idx.add.f32.msk $0xffff, v3;
	v25 =	vcvt.f32.s32 v25;
	v24 =	vshll.u32 v24, $0x4  }
0x223: {  	v28 =	vld [tilespmem:s25+$0x60];
	v27 =	vmul.f32 $2.570000000e+02, v27;
	v24 =	vadd.s32 v19, v24  }
0x224: {  	v25 =	vshll.u32 v25, $0x4  }
0x225: {  	v25 =	vadd.s32 v22, v25;
	v27 =	vtrunc.f32 v27  }
0x226: {  	s29 =	sadd.s32 $0x11200, s0;
	[tilespmem:v26+s4+$0x0] =	vst.idx.add.f32.msk $0xffff, v3;
	v26 =	vcvt.f32.s32 v27  }
0x227: {  	v27 =	vld [tilespmem:s29+$0x10]  }
0x228: {  	v28 =	vmul.f32 $2.570000000e+02, v28;
	v26 =	vshll.u32 v26, $0x4;
	[tilespmem:v24+s4+$0x0] =	vst.idx.add.f32.msk $0xffff, v3  }
0x229: {  	v24 =	vadd.s32 v21, v26;
	v26 =	vld [tilespmem:s24+$0x400]  }
0x22a: {  	v28 =	vtrunc.f32 v28;
	[tilespmem:v25+s4+$0x0] =	vst.idx.add.f32.msk $0xffff, v3  }
0x22b: {  	v25 =	vcvt.f32.s32 v28;
	v28 =	vld [tilespmem:s28+$0x30]  }
0x22c: {  	v27 =	vmul.f32 $2.570000000e+02, v27  }
0x22d: {  	v25 =	vshll.u32 v25, $0x4  }
0x22e: {  	s7 =	simm.s32 $0x28;
	s8 =	simm.s32 $0x2800;
	v25 =	vadd.s32 v20, v25;
	v27 =	vtrunc.f32 v27;
	[tilespmem:v24+s4+$0x0] =	vst.idx.add.f32.msk $0xffff, v3;
	v24 =	vmul.f32 $2.570000000e+02, v26  }
0x22f: {  	s0 =	sand.u32 $0x3FFFFF80, s7;
	s2 =	sand.u32 $0x7800, s8;
	v26 =	vcvt.f32.s32 v27;
	v27 =	vld [tilespmem:s26+$0x50]  }
0x230: {  	s0 =	sadd.s32 s0, s2;
	v28 =	vmul.f32 $2.570000000e+02, v28;
	v24 =	vtrunc.f32 v24  }
0x231: {  	v29 =	vld [tilespmem:s0+$0x11200];
	v26 =	vshll.u32 v26, $0x4;
	v24 =	vcvt.f32.s32 v24  }
0x232: {  	v26 =	vadd.s32 v23, v26;
	v28 =	vtrunc.f32 v28  }
0x233: {  	[tilespmem:v25+s4+$0x0] =	vst.idx.add.f32.msk $0xffff, v3;
	v25 =	vcvt.f32.s32 v28;
	v24 =	vshll.u32 v24, $0x4  }
0x234: {  	v28 =	vld [tilespmem:s25+$0x70];
	v24 =	vadd.s32 v19, v24;
	v27 =	vmul.f32 $2.570000000e+02, v27  }
0x235: {  	v25 =	vshll.u32 v25, $0x4  }
0x236: {  	v29 =	vmul.f32 $2.570000000e+02, v29;
	v25 =	vadd.s32 v22, v25;
	v27 =	vtrunc.f32 v27  }
0x237: {  	[tilespmem:v26+s4+$0x0] =	vst.idx.add.f32.msk $0xffff, v3;
	v26 =	vcvt.f32.s32 v27  }
0x238: {  	s9 =	simm.s32 $0x0;
	v27 =	vtrunc.f32 v29;
	v29 =	vld [tilespmem:s29+$0x20]  }
0x239: {  	s2 =	smul.u32 $0x1020, s9;
	v28 =	vmul.f32 $2.570000000e+02, v28;
	v27 =	vcvt.f32.s32 v27;
	[tilespmem:v24+s4+$0x0] =	vst.idx.add.f32.msk $0xffff, v3;
	v24 =	vshll.u32 v26, $0x4  }
0x23a: {  	v26 =	vld [tilespmem:s24+$0x410];
	v30 =	vadd.s32 v21, v24  }
0x23b: {  	v28 =	vtrunc.f32 v28;
	v24 =	vor.u32 s2, v0;
	v27 =	vshll.u32 v27, $0x4;
	[tilespmem:v25+s4+$0x0] =	vst.idx.add.f32.msk $0xffff, v3  }
0x23c: {  	v25 =	vcvt.f32.s32 v28;
	v27 =	vadd.s32 v24, v27;
	v28 =	vld [tilespmem:s28+$0x40]  }
0x23d: {  	v29 =	vmul.f32 $2.570000000e+02, v29  }
0x23e: {  	v25 =	vshll.u32 v25, $0x4  }
0x23f: {  	v25 =	vadd.s32 v20, v25;
	v29 =	vtrunc.f32 v29;
	v26 =	vmul.f32 $2.570000000e+02, v26;
	[tilespmem:v30+s4+$0x0] =	vst.idx.add.f32.msk $0xffff, v3  }
0x240: {  	v29 =	vcvt.f32.s32 v29;
	v30 =	vld [tilespmem:s26+$0x60]  }
0x241: {  	[tilespmem:v27+s4+$0x0] =	vst.idx.add.f32.msk $0xffff, v3;
	v27 =	vmul.f32 $2.570000000e+02, v28;
	v26 =	vtrunc.f32 v26  }
0x242: {  	s30 =	sadd.s32 $0x11200, s0;
	v28 =	vshll.u32 v29, $0x4;
	v26 =	vcvt.f32.s32 v26  }
0x243: {  	v29 =	vld [tilespmem:s30+$0x10];
	v28 =	vadd.s32 v23, v28;
	v27 =	vtrunc.f32 v27  }
0x244: {  	[tilespmem:v25+s4+$0x0] =	vst.idx.add.f32.msk $0xffff, v3;
	v25 =	vcvt.f32.s32 v27;
	v26 =	vshll.u32 v26, $0x4  }
0x245: {  	v27 =	vld [tilespmem:s25+$0x400];
	v26 =	vadd.s32 v19, v26  }
0x246: {  	v30 =	vmul.f32 $2.570000000e+02, v30;
	v25 =	vshll.u32 v25, $0x4  }
0x247: {  	v25 =	vadd.s32 v22, v25  }
0x248: {  	v29 =	vmul.f32 $2.570000000e+02, v29;
	v30 =	vtrunc.f32 v30;
	[tilespmem:v28+s4+$0x0] =	vst.idx.add.f32.msk $0xffff, v3  }
0x249: {  	v28 =	vcvt.f32.s32 v30;
	v30 =	vld [tilespmem:s29+$0x30]  }
0x24a: {  	v29 =	vtrunc.f32 v29;
	v27 =	vmul.f32 $2.570000000e+02, v27;
	[tilespmem:v26+s4+$0x0] =	vst.idx.add.f32.msk $0xffff, v3  }
0x24b: {  	v26 =	vcvt.f32.s32 v29;
	v28 =	vshll.u32 v28, $0x4;
	v29 =	vld [tilespmem:s24+$0x420]  }
0x24c: {  	s16 =	simm.s32 $0x30;
	s17 =	simm.s32 $0x3000;
	v28 =	vadd.s32 v21, v28;
	v27 =	vtrunc.f32 v27;
	[tilespmem:v25+s4+$0x0] =	vst.idx.add.f32.msk $0xffff, v3  }
0x24d: {  	s0 =	sand.u32 $0x3FFFFF80, s16;
	s2 =	sand.u32 $0x7800, s17;
	v25 =	vshll.u32 v26, $0x4;
	v26 =	vcvt.f32.s32 v27;
	v27 =	vld [tilespmem:s28+$0x50]  }
0x24e: {  	s0 =	sadd.s32 s0, s2;
	v25 =	vadd.s32 v24, v25;
	v30 =	vmul.f32 $2.570000000e+02, v30  }
0x24f: {  	v31 =	vld [tilespmem:s0+$0x11200];
	v26 =	vshll.u32 v26, $0x4  }
0x250: {  	v26 =	vadd.s32 v20, v26;
	v30 =	vtrunc.f32 v30;
	v29 =	vmul.f32 $2.570000000e+02, v29  }
0x251: {  	[tilespmem:v28+s4+$0x0] =	vst.idx.add.f32.msk $0xffff, v3;
	v28 =	vcvt.f32.s32 v30  }
0x252: {  	v30 =	vld [tilespmem:s26+$0x70];
	v27 =	vmul.f32 $2.570000000e+02, v27;
	v29 =	vtrunc.f32 v29  }
0x253: {  	[tilespmem:v25+s4+$0x0] =	vst.idx.add.f32.msk $0xffff, v3;
	v25 =	vshll.u32 v28, $0x4;
	v28 =	vcvt.f32.s32 v29  }
0x254: {  	v31 =	vmul.f32 $2.570000000e+02, v31;
	v29 =	vld [tilespmem:s30+$0x20];
	v59 =	vadd.s32 v23, v25;
	v25 =	vtrunc.f32 v27  }
0x255: {  	s18 =	simm.s32 $0x0;
	[tilespmem:v26+s4+$0x0] =	vst.idx.add.f32.msk $0xffff, v3;
	v25 =	vcvt.f32.s32 v25;
	v26 =	vshll.u32 v28, $0x4  }
0x256: {  	s2 =	smul.u32 $0x1020, s18;
	v27 =	vld [tilespmem:s25+$0x410];
	v28 =	vtrunc.f32 v31;
	v26 =	vadd.s32 v19, v26  }
0x257: {  	v30 =	vmul.f32 $2.570000000e+02, v30;
	v28 =	vcvt.f32.s32 v28;
	v25 =	vshll.u32 v25, $0x4  }
0x258: {  	v31 =	vadd.s32 v22, v25;
	v25 =	vor.u32 s2, v0  }
0x259: {  	v29 =	vmul.f32 $2.570000000e+02, v29;
	v30 =	vtrunc.f32 v30;
	v28 =	vshll.u32 v28, $0x4;
	[tilespmem:v59+s4+$0x0] =	vst.idx.add.f32.msk $0xffff, v3  }
0x25a: {  	v30 =	vcvt.f32.s32 v30;
	v28 =	vadd.s32 v25, v28;
	v32 =	vld [tilespmem:s29+$0x40]  }
0x25b: {  	v29 =	vtrunc.f32 v29;
	v27 =	vmul.f32 $2.570000000e+02, v27;
	[tilespmem:v26+s4+$0x0] =	vst.idx.add.f32.msk $0xffff, v3  }
0x25c: {  	v26 =	vcvt.f32.s32 v29;
	v29 =	vshll.u32 v30, $0x4;
	v30 =	vld [tilespmem:s24+$0x430]  }
0x25d: {  	v29 =	vadd.s32 v21, v29;
	v27 =	vtrunc.f32 v27  }
0x25e: {  	[tilespmem:v31+s4+$0x0] =	vst.idx.add.f32.msk $0xffff, v3;
	v26 =	vshll.u32 v26, $0x4;
	v27 =	vcvt.f32.s32 v27  }
0x25f: {  	v26 =	vadd.s32 v24, v26;
	[tilespmem:v28+s4+$0x0] =	vst.idx.add.f32.msk $0xffff, v3;
	v28 =	vmul.f32 $2.570000000e+02, v32  }
0x260: {  	s2 =	sadd.s32 $0x11200, s0;
	v31 =	vld [tilespmem:s28+$0x60];
	v27 =	vshll.u32 v27, $0x4  }
0x261: {  	v60 =	vld [tilespmem:s2+$0x10];
	v27 =	vadd.s32 v20, v27;
	v28 =	vtrunc.f32 v28;
	v30 =	vmul.f32 $2.570000000e+02, v30  }
0x262: {  	[tilespmem:v29+s4+$0x0] =	vst.idx.add.f32.msk $0xffff, v3;
	v28 =	vcvt.f32.s32 v28  }
0x263: {  	v29 =	vld [tilespmem:s26+$0x400];
	v30 =	vtrunc.f32 v30  }
0x264: {  	[tilespmem:v26+s4+$0x0] =	vst.idx.add.f32.msk $0xffff, v3;
	v28 =	vshll.u32 v28, $0x4;
	v30 =	vcvt.f32.s32 v30  }
0x265: {  	s19 =	simm.s32 $0x38;
	s0 =	simm.s32 $0x3800;
	v26 =	vmul.f32 $2.570000000e+02, v31;
	v31 =	vld [tilespmem:s30+$0x30];
	v28 =	vadd.s32 v23, v28  }
0x266: {  	s3 =	sand.u32 $0x3FFFFF80, s19;
	s31 =	sand.u32 $0x7800, s0;
	[tilespmem:v27+s4+$0x0] =	vst.idx.add.f32.msk $0xffff, v3;
	v27 =	vshll.u32 v30, $0x4  }
0x267: {  	s3 =	sadd.s32 s3, s31;
	v27 =	vadd.s32 v19, v27  }
0x268: {  	v62 =	vld [tilespmem:s3+$0x11200];
	v32 =	vmul.f32 $2.570000000e+02, v60;
	v26 =	vtrunc.f32 v26  }
0x269: {  	v26 =	vcvt.f32.s32 v26;
	v61 =	vld [tilespmem:s25+$0x420]  }
0x26a: {  	v30 =	vtrunc.f32 v32;
	v29 =	vmul.f32 $2.570000000e+02, v29;
	[tilespmem:v28+s4+$0x0] =	vst.idx.add.f32.msk $0xffff, v3  }
0x26b: {  	v32 =	vcvt.f32.s32 v30;
	v26 =	vshll.u32 v26, $0x4;
	v35 =	vmul.f32 $2.570000000e+02, v31;
	v31 =	vld [tilespmem:s29+$0x50]  }
0x26c: {  	v29 =	vtrunc.f32 v29;
	v30 =	vadd.s32 v22, v26;
	[tilespmem:v27+s4+$0x0] =	vst.idx.add.f32.msk $0xffff, v3  }
0x26d: {  	v28 =	vshll.u32 v32, $0x4;
	v26 =	vcvt.f32.s32 v29;
	v27 =	vld [tilespmem:s24+$0x440]  }
0x26e: {  	v33 =	vadd.s32 v25, v28;
	v29 =	vtrunc.f32 v35;
	v63 =	vmul.f32 $2.570000000e+02, v61  }
0x26f: {  	v32 =	vcvt.f32.s32 v29;
	v28 =	vshll.u32 v26, $0x4  }
0x270: {  	s5 =	simm.s32 $0x8;
	s6 =	simm.s32 $0x7;
	v26 =	vmul.f32 $2.570000000e+02, v62;
	v29 =	vadd.s32 v21, v28;
	v28 =	vtrunc.f32 v63  }
.LBB2_8:
0x271: {  	p0 =	sne.s32 s5, $0x7F;
	v32 =	vshll.u32 v32, $0x4;
	v31 =	vmul.f32 $2.570000000e+02, v31;
	[tilespmem:v30+s4+$0x0] =	vst.idx.add.f32.msk $0xffff, v3;
	v28 =	vcvt.f32.s32 v28  }
0x272: {  	s7 =	sshrl.u32 s6, $0x4;
	s6 =	smov.u32 s5;
	v26 =	vtrunc.f32 v26;
	v30 =	vadd.s32 v24, v32;
	v32 =	vld [tilespmem:s28+$0x70];
	v27 =	vmul.f32 $2.570000000e+02, v27  }
0x273: {  	s7 =	smul.u32 $0x1020, s7;
	v26 =	vcvt.f32.s32 v26;
	[tilespmem:v33+s4+$0x0] =	vst.idx.add.f32.msk $0xffff, v3;
	v31 =	vtrunc.f32 v31;
	v28 =	vshll.u32 v28, $0x4  }
0x274: {  	v33 =	vld [tilespmem:s2+$0x20];
	v31 =	vcvt.f32.s32 v31;
	v28 =	vadd.s32 v20, v28;
	v27 =	vtrunc.f32 v27  }
0x275: {  	v34 =	vor.u32 s7, v0;
	v26 =	vshll.u32 v26, $0x4;
	[tilespmem:v29+s4+$0x0] =	vst.idx.add.f32.msk $0xffff, v3;
	v27 =	vcvt.f32.s32 v27  }
0x276: {  	v26 =	vadd.s32 v34, v26;
	v29 =	vshll.u32 v31, $0x4;
	v31 =	vld [tilespmem:s26+$0x410]  }
0x277: {  	[tilespmem:v30+s4+$0x0] =	vst.idx.add.f32.msk $0xffff, v3;
	v29 =	vadd.s32 v23, v29;
	v30 =	vmul.f32 $2.570000000e+02, v32;
	v27 =	vshll.u32 v27, $0x4  }
0x278: {  	v32 =	vld [tilespmem:s30+$0x40];
	v27 =	vadd.s32 v19, v27  }
0x279: {  	v33 =	vmul.f32 $2.570000000e+02, v33;
	v30 =	vtrunc.f32 v30;
	[tilespmem:v28+s4+$0x0] =	vst.idx.add.f32.msk $0xffff, v3  }
0x27a: {  	v28 =	vcvt.f32.s32 v30;
	v30 =	vld [tilespmem:s25+$0x430]  }
0x27b: {  	[tilespmem:v26+s4+$0x0] =	vst.idx.add.f32.msk $0xffff, v3;
	v26 =	vtrunc.f32 v33;
	v31 =	vmul.f32 $2.570000000e+02, v31  }
0x27c: {  	v26 =	vcvt.f32.s32 v26;
	[tilespmem:v29+s4+$0x0] =	vst.idx.add.f32.msk $0xffff, v3;
	v28 =	vshll.u32 v28, $0x4  }
0x27d: {  	v29 =	vmul.f32 $2.570000000e+02, v32;
	v28 =	vadd.s32 v22, v28;
	v31 =	vtrunc.f32 v31;
	[tilespmem:v27+s4+$0x0] =	vst.idx.add.f32.msk $0xffff, v3  }
0x27e: {  	s0 =	sadd.s32 $0x800, s0;
	s7 =	sshll.u32 s5, $0x3;
	v26 =	vshll.u32 v26, $0x4;
	v27 =	vcvt.f32.s32 v31;
	v31 =	vld [tilespmem:s24+$0x450];
	s24 =	smov.u32 s25  }
0x27f: {  	s9 =	sadd.s32 $0x11200, s3;
	s8 =	sand.u32 $0x7800, s0;
	s7 =	sand.u32 $0x3FFFFF80, s7;
	v26 =	vadd.s32 v25, v26;
	v29 =	vtrunc.f32 v29;
	v32 =	vld [tilespmem:s29+$0x60];
	v30 =	vmul.f32 $2.570000000e+02, v30  }
0x280: {  	s3 =	sadd.s32 s7, s8;
	s25 =	smov.u32 s26;
	s26 =	smov.u32 s28;
	v33 =	vld [tilespmem:s9+$0x10];
	v29 =	vcvt.f32.s32 v29;
	v27 =	vshll.u32 v27, $0x4  }
0x281: {  	s28 =	smov.u32 s29;
	s29 =	smov.u32 s30;
	s30 =	smov.u32 s2;
	v35 =	vld [tilespmem:s3+$0x11200];
	v27 =	vadd.s32 v21, v27;
	v30 =	vtrunc.f32 v30  }
0x282: {  	s2 =	smov.u32 s9;
	v29 =	vshll.u32 v29, $0x4;
	[tilespmem:v28+s4+$0x0] =	vst.idx.add.f32.msk $0xffff, v3;
	v28 =	vcvt.f32.s32 v30  }
0x283: {  	v29 =	vadd.s32 v24, v29;
	v30 =	vld [tilespmem:s26+$0x400];
	v31 =	vmul.f32 $2.570000000e+02, v31  }
0x284: {  	[tilespmem:v26+s4+$0x0] =	vst.idx.add.f32.msk $0xffff, v3;
	v26 =	vmul.f32 $2.570000000e+02, v32;
	v28 =	vshll.u32 v28, $0x4  }
0x285: {  	v32 =	vmul.f32 $2.570000000e+02, v33;
	v33 =	vld [tilespmem:s30+$0x30];
	v28 =	vadd.s32 v20, v28;
	v31 =	vtrunc.f32 v31  }
0x286: {  	v26 =	vtrunc.f32 v26;
	[tilespmem:v27+s4+$0x0] =	vst.idx.add.f32.msk $0xffff, v3;
	v27 =	vcvt.f32.s32 v31  }
0x287: {  	v26 =	vcvt.f32.s32 v26;
	v36 =	vld [tilespmem:s25+$0x420]  }
0x288: {  	v31 =	vtrunc.f32 v32;
	[tilespmem:v29+s4+$0x0] =	vst.idx.add.f32.msk $0xffff, v3;
	v29 =	vmul.f32 $2.570000000e+02, v30;
	v27 =	vshll.u32 v27, $0x4  }
0x289: {  	v32 =	vcvt.f32.s32 v31;
	v31 =	vld [tilespmem:s29+$0x50];
	v26 =	vshll.u32 v26, $0x4;
	v37 =	vadd.s32 v19, v27;
	v19 =	vmovc v20;
	v20 =	vmovc v21  }
.Ltmp2:
0x28a: {  	v21 =	vmovc v22;
	v38 =	vmul.f32 $2.570000000e+02, v33;
	v30 =	vadd.s32 v23, v26;
	v26 =	vtrunc.f32 v29;
	[tilespmem:v28+s4+$0x0] =	vst.idx.add.f32.msk $0xffff, v3;
	(pc) =	sbr.rel @p0 .LBB2_8-.Ltmp2, $4  }
0x28b: {  	v22 =	vmovc v23;
	v28 =	vshll.u32 v32, $0x4;
	v23 =	vmovc v24;
	v24 =	vmov v25;
	v26 =	vcvt.f32.s32 v26;
	v27 =	vld [tilespmem:s24+$0x440]  }
0x28c: {  	v25 =	vmovc v34;
	v33 =	vadd.s32 v34, v28;
	v28 =	vtrunc.f32 v38;
	v36 =	vmul.f32 $2.570000000e+02, v36  }
0x28d: {  	v32 =	vcvt.f32.s32 v28;
	v28 =	vshll.u32 v26, $0x4  }
0x28e: {  	s5 =	sadd.s32 $0x1, s5;
	v26 =	vmul.f32 $2.570000000e+02, v35;
	v29 =	vadd.s32 v21, v28;
	v28 =	vtrunc.f32 v36;
	[tilespmem:v37+s4+$0x0] =	vst.idx.add.f32.msk $0xffff, v3  }
0x28f: {  	_ = 	snop  }
0x290: {  	s0 =	sshrl.u32 s6, $0x4;
	v26 =	vtrunc.f32 v26  }
0x291: {  	s0 =	smul.u32 $0x1020, s0;
	v34 =	vcvt.f32.s32 v26;
	_ =	sdelay $0x1  }
0x292: {  	v26 =	vor.u32 s0, v0;
	v34 =	vshll.u32 v34, $0x4  }
0x293: {  	v34 =	vadd.s32 v26, v34;
	_ =	sdelay $0x4  }
0x294: {  	s31 =	sadd.s32 $0x11200, s3;
	[tilespmem:v34+s4+$0x0] =	vst.idx.add.f32.msk $0xffff, v3  }
0x295: {  	v34 =	vld [tilespmem:s31+$0x10];
	_ =	sdelay $0x4  }
0x296: {  	v34 =	vmul.f32 $2.570000000e+02, v34;
	_ =	sdelay $0x1  }
0x297: {  	v34 =	vtrunc.f32 v34  }
0x298: {  	v34 =	vcvt.f32.s32 v34;
	_ =	sdelay $0x1  }
0x299: {  	v34 =	vshll.u32 v34, $0x4  }
0x29a: {  	v34 =	vadd.s32 v26, v34;
	_ =	sdelay $0x1  }
0x29b: {  	[tilespmem:v33+s4+$0x0] =	vst.idx.add.f32.msk $0xffff, v3  }
0x29c: {  	v33 =	vld [tilespmem:s2+$0x20];
	_ =	sdelay $0x1  }
0x29d: {  	[tilespmem:v34+s4+$0x0] =	vst.idx.add.f32.msk $0xffff, v3  }
0x29e: {  	v34 =	vld [tilespmem:s31+$0x20];
	_ =	sdelay $0x1  }
0x29f: {  	v33 =	vmul.f32 $2.570000000e+02, v33;
	_ =	sdelay $0x1  }
0x2a0: {  	v33 =	vtrunc.f32 v33  }
0x2a1: {  	v33 =	vcvt.f32.s32 v33;
	v34 =	vmul.f32 $2.570000000e+02, v34;
	_ =	sdelay $0x1  }
0x2a2: {  	v33 =	vshll.u32 v33, $0x4;
	v34 =	vtrunc.f32 v34  }
0x2a3: {  	v33 =	vadd.s32 v25, v33;
	v34 =	vcvt.f32.s32 v34;
	_ =	sdelay $0x1  }
0x2a4: {  	v34 =	vshll.u32 v34, $0x4  }
0x2a5: {  	v34 =	vadd.s32 v26, v34;
	_ =	sdelay $0x1  }
0x2a6: {  	[tilespmem:v33+s4+$0x0] =	vst.idx.add.f32.msk $0xffff, v3  }
0x2a7: {  	v33 =	vld [tilespmem:s2+$0x30];
	_ =	sdelay $0x1  }
0x2a8: {  	[tilespmem:v34+s4+$0x0] =	vst.idx.add.f32.msk $0xffff, v3  }
0x2a9: {  	v34 =	vld [tilespmem:s31+$0x30];
	_ =	sdelay $0x1  }
0x2aa: {  	v33 =	vmul.f32 $2.570000000e+02, v33  }
0x2ab: {  	v32 =	vshll.u32 v32, $0x4  }
0x2ac: {  	v32 =	vadd.s32 v24, v32;
	v33 =	vtrunc.f32 v33  }
0x2ad: {  	v33 =	vcvt.f32.s32 v33;
	v34 =	vmul.f32 $2.570000000e+02, v34;
	_ =	sdelay $0x1  }
0x2ae: {  	v33 =	vshll.u32 v33, $0x4;
	v34 =	vtrunc.f32 v34  }
0x2af: {  	v33 =	vadd.s32 v25, v33;
	v34 =	vcvt.f32.s32 v34  }
0x2b0: {  	[tilespmem:v32+s4+$0x0] =	vst.idx.add.f32.msk $0xffff, v3  }
0x2b1: {  	v32 =	vld [tilespmem:s30+$0x40];
	v34 =	vshll.u32 v34, $0x4  }
0x2b2: {  	v34 =	vadd.s32 v26, v34;
	_ =	sdelay $0x1  }
0x2b3: {  	[tilespmem:v33+s4+$0x0] =	vst.idx.add.f32.msk $0xffff, v3  }
0x2b4: {  	v33 =	vld [tilespmem:s2+$0x40]  }
0x2b5: {  	v32 =	vmul.f32 $2.570000000e+02, v32  }
0x2b6: {  	[tilespmem:v34+s4+$0x0] =	vst.idx.add.f32.msk $0xffff, v3  }
0x2b7: {  	v32 =	vtrunc.f32 v32;
	v34 =	vld [tilespmem:s31+$0x40]  }
0x2b8: {  	v32 =	vcvt.f32.s32 v32  }
0x2b9: {  	v33 =	vmul.f32 $2.570000000e+02, v33  }
0x2ba: {  	v32 =	vshll.u32 v32, $0x4  }
0x2bb: {  	v32 =	vadd.s32 v24, v32;
	v33 =	vtrunc.f32 v33  }
0x2bc: {  	v33 =	vcvt.f32.s32 v33;
	v34 =	vmul.f32 $2.570000000e+02, v34;
	_ =	sdelay $0x1  }
0x2bd: {  	v33 =	vshll.u32 v33, $0x4;
	v34 =	vtrunc.f32 v34  }
0x2be: {  	v33 =	vadd.s32 v25, v33;
	v34 =	vcvt.f32.s32 v34  }
0x2bf: {  	[tilespmem:v32+s4+$0x0] =	vst.idx.add.f32.msk $0xffff, v3  }
0x2c0: {  	v32 =	vld [tilespmem:s30+$0x50];
	v34 =	vshll.u32 v34, $0x4  }
0x2c1: {  	v31 =	vmul.f32 $2.570000000e+02, v31;
	v34 =	vadd.s32 v26, v34;
	_ =	sdelay $0x1  }
0x2c2: {  	v31 =	vtrunc.f32 v31;
	[tilespmem:v33+s4+$0x0] =	vst.idx.add.f32.msk $0xffff, v3  }
0x2c3: {  	v31 =	vcvt.f32.s32 v31;
	v33 =	vld [tilespmem:s2+$0x50]  }
0x2c4: {  	v32 =	vmul.f32 $2.570000000e+02, v32  }
0x2c5: {  	v31 =	vshll.u32 v31, $0x4;
	[tilespmem:v34+s4+$0x0] =	vst.idx.add.f32.msk $0xffff, v3  }
0x2c6: {  	v31 =	vadd.s32 v23, v31;
	v32 =	vtrunc.f32 v32;
	v34 =	vld [tilespmem:s31+$0x50]  }
0x2c7: {  	v32 =	vcvt.f32.s32 v32  }
0x2c8: {  	v33 =	vmul.f32 $2.570000000e+02, v33  }
0x2c9: {  	v32 =	vshll.u32 v32, $0x4  }
0x2ca: {  	v32 =	vadd.s32 v24, v32;
	v33 =	vtrunc.f32 v33  }
0x2cb: {  	[tilespmem:v31+s4+$0x0] =	vst.idx.add.f32.msk $0xffff, v3;
	v33 =	vcvt.f32.s32 v33;
	v34 =	vmul.f32 $2.570000000e+02, v34  }
0x2cc: {  	v54 =	vld [tilespmem:s29+$0x60]  }
0x2cd: {  	v33 =	vshll.u32 v33, $0x4;
	v34 =	vtrunc.f32 v34  }
0x2ce: {  	v33 =	vadd.s32 v25, v33;
	v34 =	vcvt.f32.s32 v34  }
0x2cf: {  	[tilespmem:v32+s4+$0x0] =	vst.idx.add.f32.msk $0xffff, v3  }
0x2d0: {  	v32 =	vld [tilespmem:s30+$0x60];
	v53 =	vshll.u32 v34, $0x4  }
0x2d1: {  	v34 =	vmul.f32 $2.570000000e+02, v54;
	v31 =	vadd.s32 v26, v53;
	_ =	sdelay $0x1  }
0x2d2: {  	[tilespmem:v33+s4+$0x0] =	vst.idx.add.f32.msk $0xffff, v3;
	v34 =	vtrunc.f32 v34  }
0x2d3: {  	v33 =	vld [tilespmem:s2+$0x60];
	v34 =	vcvt.f32.s32 v34  }
0x2d4: {  	v32 =	vmul.f32 $2.570000000e+02, v32  }
0x2d5: {  	v34 =	vshll.u32 v34, $0x4;
	[tilespmem:v31+s4+$0x0] =	vst.idx.add.f32.msk $0xffff, v3  }
0x2d6: {  	v32 =	vtrunc.f32 v32;
	v34 =	vadd.s32 v23, v34;
	v31 =	vld [tilespmem:s31+$0x60]  }
0x2d7: {  	v32 =	vcvt.f32.s32 v32  }
0x2d8: {  	v33 =	vmul.f32 $2.570000000e+02, v33  }
0x2d9: {  	v32 =	vshll.u32 v32, $0x4  }
0x2da: {  	v32 =	vadd.s32 v24, v32;
	v33 =	vtrunc.f32 v33  }
0x2db: {  	v33 =	vcvt.f32.s32 v33;
	[tilespmem:v34+s4+$0x0] =	vst.idx.add.f32.msk $0xffff, v3;
	v31 =	vmul.f32 $2.570000000e+02, v31  }
0x2dc: {  	v34 =	vld [tilespmem:s29+$0x70]  }
0x2dd: {  	[tilespmem:v30+s4+$0x0] =	vst.idx.add.f32.msk $0xffff, v3;
	v55 =	vshll.u32 v33, $0x4;
	v31 =	vtrunc.f32 v31  }
0x2de: {  	v56 =	vld [tilespmem:s28+$0x70];
	v30 =	vadd.s32 v25, v55;
	v31 =	vcvt.f32.s32 v31  }
0x2df: {  	[tilespmem:v32+s4+$0x0] =	vst.idx.add.f32.msk $0xffff, v3  }
0x2e0: {  	v32 =	vld [tilespmem:s30+$0x70];
	v31 =	vshll.u32 v31, $0x4  }
0x2e1: {  	v34 =	vmul.f32 $2.570000000e+02, v34;
	v31 =	vadd.s32 v26, v31;
	_ =	sdelay $0x1  }
0x2e2: {  	v33 =	vmul.f32 $2.570000000e+02, v56;
	[tilespmem:v30+s4+$0x0] =	vst.idx.add.f32.msk $0xffff, v3;
	v34 =	vtrunc.f32 v34  }
0x2e3: {  	v30 =	vld [tilespmem:s2+$0x70];
	v34 =	vcvt.f32.s32 v34  }
0x2e4: {  	v32 =	vmul.f32 $2.570000000e+02, v32;
	v33 =	vtrunc.f32 v33  }
0x2e5: {  	v57 =	vcvt.f32.s32 v33;
	v34 =	vshll.u32 v34, $0x4;
	[tilespmem:v31+s4+$0x0] =	vst.idx.add.f32.msk $0xffff, v3  }
0x2e6: {  	v32 =	vtrunc.f32 v32;
	v34 =	vadd.s32 v23, v34;
	v58 =	vld [tilespmem:s31+$0x70]  }
0x2e7: {  	v32 =	vcvt.f32.s32 v32;
	v31 =	vshll.u32 v57, $0x4  }
0x2e8: {  	v30 =	vmul.f32 $2.570000000e+02, v30;
	v31 =	vadd.s32 v22, v31  }
0x2e9: {  	v32 =	vshll.u32 v32, $0x4  }
0x2ea: {  	v32 =	vadd.s32 v24, v32;
	v30 =	vtrunc.f32 v30  }
0x2eb: {  	v30 =	vcvt.f32.s32 v30;
	[tilespmem:v34+s4+$0x0] =	vst.idx.add.f32.msk $0xffff, v3;
	v33 =	vmul.f32 $2.570000000e+02, v58  }
0x2ec: {  	v34 =	vld [tilespmem:s29+$0x400]  }
0x2ed: {  	v30 =	vshll.u32 v30, $0x4;
	[tilespmem:v31+s4+$0x0] =	vst.idx.add.f32.msk $0xffff, v3;
	v33 =	vtrunc.f32 v33  }
0x2ee: {  	v30 =	vadd.s32 v25, v30;
	v60 =	vld [tilespmem:s28+$0x400];
	v59 =	vcvt.f32.s32 v33  }
0x2ef: {  	[tilespmem:v32+s4+$0x0] =	vst.idx.add.f32.msk $0xffff, v3  }
0x2f0: {  	v32 =	vld [tilespmem:s30+$0x400];
	v31 =	vshll.u32 v59, $0x4  }
0x2f1: {  	v34 =	vmul.f32 $2.570000000e+02, v34;
	v31 =	vadd.s32 v26, v31;
	_ =	sdelay $0x1  }
0x2f2: {  	[tilespmem:v30+s4+$0x0] =	vst.idx.add.f32.msk $0xffff, v3;
	v33 =	vmul.f32 $2.570000000e+02, v60;
	v34 =	vtrunc.f32 v34  }
0x2f3: {  	v30 =	vld [tilespmem:s2+$0x400];
	v34 =	vcvt.f32.s32 v34  }
0x2f4: {  	v32 =	vmul.f32 $2.570000000e+02, v32;
	v33 =	vtrunc.f32 v33  }
0x2f5: {  	v61 =	vcvt.f32.s32 v33;
	v34 =	vshll.u32 v34, $0x4;
	[tilespmem:v31+s4+$0x0] =	vst.idx.add.f32.msk $0xffff, v3  }
0x2f6: {  	v32 =	vtrunc.f32 v32;
	v34 =	vadd.s32 v23, v34;
	v62 =	vld [tilespmem:s31+$0x400]  }
0x2f7: {  	v32 =	vcvt.f32.s32 v32;
	v31 =	vshll.u32 v61, $0x4  }
0x2f8: {  	v30 =	vmul.f32 $2.570000000e+02, v30;
	v31 =	vadd.s32 v22, v31  }
0x2f9: {  	[tilespmem:v29+s4+$0x0] =	vst.idx.add.f32.msk $0xffff, v3;
	v63 =	vshll.u32 v32, $0x4  }
0x2fa: {  	v36 =	vld [tilespmem:s26+$0x410];
	v29 =	vadd.s32 v24, v63;
	v30 =	vtrunc.f32 v30  }
0x2fb: {  	v30 =	vcvt.f32.s32 v30;
	[tilespmem:v34+s4+$0x0] =	vst.idx.add.f32.msk $0xffff, v3;
	v33 =	vmul.f32 $2.570000000e+02, v62  }
0x2fc: {  	v34 =	vld [tilespmem:s29+$0x410]  }
0x2fd: {  	v30 =	vshll.u32 v30, $0x4;
	[tilespmem:v31+s4+$0x0] =	vst.idx.add.f32.msk $0xffff, v3;
	v33 =	vtrunc.f32 v33  }
0x2fe: {  	v30 =	vadd.s32 v25, v30;
	v38 =	vld [tilespmem:s28+$0x410];
	v37 =	vcvt.f32.s32 v33  }
0x2ff: {  	v32 =	vmul.f32 $2.570000000e+02, v36;
	[tilespmem:v29+s4+$0x0] =	vst.idx.add.f32.msk $0xffff, v3  }
0x300: {  	v29 =	vld [tilespmem:s30+$0x410];
	v31 =	vshll.u32 v37, $0x4  }
0x301: {  	v32 =	vtrunc.f32 v32;
	v34 =	vmul.f32 $2.570000000e+02, v34;
	v31 =	vadd.s32 v26, v31  }
0x302: {  	v39 =	vcvt.f32.s32 v32  }
0x303: {  	[tilespmem:v30+s4+$0x0] =	vst.idx.add.f32.msk $0xffff, v3;
	v33 =	vmul.f32 $2.570000000e+02, v38;
	v34 =	vtrunc.f32 v34  }
0x304: {  	v30 =	vshll.u32 v39, $0x4;
	v40 =	vld [tilespmem:s2+$0x410];
	v34 =	vcvt.f32.s32 v34  }
0x305: {  	v29 =	vmul.f32 $2.570000000e+02, v29;
	v30 =	vadd.s32 v21, v30;
	v33 =	vtrunc.f32 v33  }
0x306: {  	v41 =	vcvt.f32.s32 v33;
	v34 =	vshll.u32 v34, $0x4;
	[tilespmem:v31+s4+$0x0] =	vst.idx.add.f32.msk $0xffff, v3  }
0x307: {  	v29 =	vtrunc.f32 v29;
	v34 =	vadd.s32 v23, v34;
	v42 =	vld [tilespmem:s31+$0x410]  }
0x308: {  	v29 =	vcvt.f32.s32 v29;
	v31 =	vshll.u32 v41, $0x4  }
0x309: {  	v32 =	vmul.f32 $2.570000000e+02, v40;
	v31 =	vadd.s32 v22, v31  }
0x30a: {  	v29 =	vshll.u32 v29, $0x4;
	[tilespmem:v30+s4+$0x0] =	vst.idx.add.f32.msk $0xffff, v3  }
0x30b: {  	v28 =	vcvt.f32.s32 v28;
	v29 =	vadd.s32 v24, v29;
	v44 =	vld [tilespmem:s26+$0x420];
	v32 =	vtrunc.f32 v32  }
0x30c: {  	v43 =	vcvt.f32.s32 v32;
	[tilespmem:v34+s4+$0x0] =	vst.idx.add.f32.msk $0xffff, v3;
	v33 =	vmul.f32 $2.570000000e+02, v42  }
0x30d: {  	v28 =	vshll.u32 v28, $0x4;
	v34 =	vld [tilespmem:s29+$0x420]  }
0x30e: {  	v28 =	vadd.s32 v20, v28;
	v30 =	vshll.u32 v43, $0x4;
	[tilespmem:v31+s4+$0x0] =	vst.idx.add.f32.msk $0xffff, v3;
	v33 =	vtrunc.f32 v33  }
0x30f: {  	v30 =	vadd.s32 v25, v30;
	v46 =	vld [tilespmem:s28+$0x420];
	v45 =	vcvt.f32.s32 v33  }
0x310: {  	[tilespmem:v29+s4+$0x0] =	vst.idx.add.f32.msk $0xffff, v3;
	v32 =	vmul.f32 $2.570000000e+02, v44  }
0x311: {  	v29 =	vld [tilespmem:s30+$0x420];
	v31 =	vshll.u32 v45, $0x4  }
0x312: {  	v32 =	vtrunc.f32 v32;
	v34 =	vmul.f32 $2.570000000e+02, v34;
	v31 =	vadd.s32 v26, v31  }
0x313: {  	[tilespmem:v28+s4+$0x0] =	vst.idx.add.f32.msk $0xffff, v3;
	v47 =	vcvt.f32.s32 v32  }
0x314: {  	[tilespmem:v30+s4+$0x0] =	vst.idx.add.f32.msk $0xffff, v3;
	v33 =	vmul.f32 $2.570000000e+02, v46;
	v34 =	vtrunc.f32 v34  }
0x315: {  	v30 =	vshll.u32 v47, $0x4;
	v48 =	vld [tilespmem:s2+$0x420];
	v34 =	vcvt.f32.s32 v34  }
0x316: {  	v52 =	vld [tilespmem:s25+$0x430];
	v29 =	vmul.f32 $2.570000000e+02, v29;
	v30 =	vadd.s32 v21, v30;
	v33 =	vtrunc.f32 v33  }
0x317: {  	v49 =	vcvt.f32.s32 v33;
	v51 =	vshll.u32 v34, $0x4;
	[tilespmem:v31+s4+$0x0] =	vst.idx.add.f32.msk $0xffff, v3  }
0x318: {  	v29 =	vtrunc.f32 v29;
	v28 =	vadd.s32 v23, v51;
	v50 =	vld [tilespmem:s31+$0x420]  }
0x319: {  	v29 =	vcvt.f32.s32 v29;
	v31 =	vshll.u32 v49, $0x4  }
0x31a: {  	v32 =	vmul.f32 $2.570000000e+02, v48;
	v31 =	vadd.s32 v22, v31  }
0x31b: {  	v29 =	vshll.u32 v29, $0x4;
	[tilespmem:v30+s4+$0x0] =	vst.idx.add.f32.msk $0xffff, v3  }
0x31c: {  	v29 =	vadd.s32 v24, v29;
	v54 =	vld [tilespmem:s26+$0x430];
	v32 =	vtrunc.f32 v32;
	v34 =	vmul.f32 $2.570000000e+02, v52  }
0x31d: {  	v53 =	vcvt.f32.s32 v32;
	[tilespmem:v28+s4+$0x0] =	vst.idx.add.f32.msk $0xffff, v3;
	v33 =	vmul.f32 $2.570000000e+02, v50  }
0x31e: {  	v34 =	vtrunc.f32 v34;
	v58 =	vld [tilespmem:s29+$0x430]  }
0x31f: {  	v30 =	vshll.u32 v53, $0x4;
	v59 =	vcvt.f32.s32 v34;
	[tilespmem:v31+s4+$0x0] =	vst.idx.add.f32.msk $0xffff, v3;
	v33 =	vtrunc.f32 v33  }
0x320: {  	v30 =	vadd.s32 v25, v30;
	v56 =	vld [tilespmem:s28+$0x430];
	v55 =	vcvt.f32.s32 v33  }
0x321: {  	[tilespmem:v29+s4+$0x0] =	vst.idx.add.f32.msk $0xffff, v3;
	v32 =	vmul.f32 $2.570000000e+02, v54;
	v29 =	vshll.u32 v59, $0x4  }
0x322: {  	v29 =	vadd.s32 v20, v29;
	v57 =	vshll.u32 v55, $0x4  }
0x323: {  	v32 =	vtrunc.f32 v32;
	v31 =	vmul.f32 $2.570000000e+02, v58;
	v28 =	vadd.s32 v26, v57  }
0x324: {  	v60 =	vld [tilespmem:s30+$0x430];
	v61 =	vcvt.f32.s32 v32  }
0x325: {  	[tilespmem:v30+s4+$0x0] =	vst.idx.add.f32.msk $0xffff, v3;
	v33 =	vmul.f32 $2.570000000e+02, v56;
	v31 =	vtrunc.f32 v31  }
0x326: {  	v62 =	vld [tilespmem:s2+$0x430];
	v31 =	vcvt.f32.s32 v31  }
0x327: {  	v63 =	vshll.u32 v61, $0x4;
	[tilespmem:v29+s4+$0x0] =	vst.idx.add.f32.msk $0xffff, v3;
	v33 =	vtrunc.f32 v33  }
0x328: {  	v36 =	vcvt.f32.s32 v33;
	v38 =	vshll.u32 v31, $0x4;
	[tilespmem:v28+s4+$0x0] =	vst.idx.add.f32.msk $0xffff, v3;
	v28 =	vadd.s32 v21, v63  }
0x329: {  	v29 =	vadd.s32 v23, v38;
	v37 =	vld [tilespmem:s31+$0x430]  }
0x32a: {  	v34 =	vmul.f32 $2.570000000e+02, v60;
	v30 =	vshll.u32 v36, $0x4  }
0x32b: {  	v30 =	vadd.s32 v22, v30  }
0x32c: {  	v32 =	vmul.f32 $2.570000000e+02, v62;
	v34 =	vtrunc.f32 v34;
	v40 =	vld [tilespmem:s25+$0x440]  }
0x32d: {  	v39 =	vcvt.f32.s32 v34;
	[tilespmem:v28+s4+$0x0] =	vst.idx.add.f32.msk $0xffff, v3  }
0x32e: {  	v32 =	vtrunc.f32 v32;
	[tilespmem:v29+s4+$0x0] =	vst.idx.add.f32.msk $0xffff, v3;
	v33 =	vmul.f32 $2.570000000e+02, v37  }
0x32f: {  	v42 =	vcvt.f32.s32 v32;
	v41 =	vshll.u32 v39, $0x4;
	v43 =	vld [tilespmem:s26+$0x440]  }
0x330: {  	v27 =	vmul.f32 $2.570000000e+02, v27;
	v28 =	vadd.s32 v24, v41;
	[tilespmem:v30+s4+$0x0] =	vst.idx.add.f32.msk $0xffff, v3;
	v33 =	vtrunc.f32 v33  }
0x331: {  	v44 =	vshll.u32 v42, $0x4;
	v34 =	vmul.f32 $2.570000000e+02, v40;
	v48 =	vld [tilespmem:s29+$0x440];
	v45 =	vcvt.f32.s32 v33  }
0x332: {  	v30 =	vadd.s32 v25, v44;
	v46 =	vld [tilespmem:s28+$0x440]  }
0x333: {  	v27 =	vtrunc.f32 v27;
	v34 =	vtrunc.f32 v34;
	v47 =	vshll.u32 v45, $0x4  }
0x334: {  	v27 =	vcvt.f32.s32 v27;
	v49 =	vcvt.f32.s32 v34;
	v29 =	vadd.s32 v26, v47  }
0x335: {  	[tilespmem:v28+s4+$0x0] =	vst.idx.add.f32.msk $0xffff, v3;
	v32 =	vmul.f32 $2.570000000e+02, v43  }
0x336: {  	v27 =	vshll.u32 v27, $0x4;
	v28 =	vshll.u32 v49, $0x4;
	v50 =	vld [tilespmem:s30+$0x440];
	v31 =	vmul.f32 $2.570000000e+02, v48  }
0x337: {  	[tilespmem:v30+s4+$0x0] =	vst.idx.add.f32.msk $0xffff, v3;
	v28 =	vadd.s32 v20, v28;
	v33 =	vmul.f32 $2.570000000e+02, v46;
	v32 =	vtrunc.f32 v32  }
0x338: {  	v27 =	vadd.s32 v19, v27;
	v52 =	vld [tilespmem:s2+$0x440];
	v31 =	vtrunc.f32 v31;
	v51 =	vcvt.f32.s32 v32  }
0x339: {  	v33 =	vtrunc.f32 v33;
	v57 =	vcvt.f32.s32 v31;
	[tilespmem:v29+s4+$0x0] =	vst.idx.add.f32.msk $0xffff, v3  }
0x33a: {  	v54 =	vcvt.f32.s32 v33;
	v53 =	vshll.u32 v51, $0x4;
	v55 =	vld [tilespmem:s31+$0x440]  }
0x33b: {  	v34 =	vmul.f32 $2.570000000e+02, v50;
	v59 =	vshll.u32 v57, $0x4;
	v29 =	vadd.s32 v21, v53  }
0x33c: {  	[tilespmem:v28+s4+$0x0] =	vst.idx.add.f32.msk $0xffff, v3;
	v28 =	vadd.s32 v23, v59  }
0x33d: {  	[tilespmem:v27+s4+$0x0] =	vst.idx.add.f32.msk $0xffff, v3;
	v56 =	vshll.u32 v54, $0x4;
	v32 =	vmul.f32 $2.570000000e+02, v52;
	v34 =	vtrunc.f32 v34  }
0x33e: {  	v58 =	vld [tilespmem:s24+$0x450];
	v27 =	vadd.s32 v22, v56;
	v60 =	vcvt.f32.s32 v34  }
0x33f: {  	v61 =	vld [tilespmem:s25+$0x450];
	v32 =	vtrunc.f32 v32;
	v33 =	vmul.f32 $2.570000000e+02, v55  }
0x340: {  	v63 =	vcvt.f32.s32 v32;
	v62 =	vshll.u32 v60, $0x4;
	[tilespmem:v29+s4+$0x0] =	vst.idx.add.f32.msk $0xffff, v3  }
0x341: {  	v29 =	vadd.s32 v24, v62;
	[tilespmem:v28+s4+$0x0] =	vst.idx.add.f32.msk $0xffff, v3;
	v33 =	vtrunc.f32 v33  }
0x342: {  	v37 =	vshll.u32 v63, $0x4;
	v36 =	vld [tilespmem:s26+$0x450];
	v38 =	vcvt.f32.s32 v33  }
0x343: {  	[tilespmem:v27+s4+$0x0] =	vst.idx.add.f32.msk $0xffff, v3;
	v27 =	vadd.s32 v25, v37  }
0x344: {  	v42 =	vld [tilespmem:s29+$0x450];
	v40 =	vshll.u32 v38, $0x4  }
0x345: {  	v41 =	vmul.f32 $2.570000000e+02, v58;
	v39 =	vld [tilespmem:s28+$0x450];
	v28 =	vadd.s32 v26, v40  }
0x346: {  	v34 =	vmul.f32 $2.570000000e+02, v61;
	[tilespmem:v29+s4+$0x0] =	vst.idx.add.f32.msk $0xffff, v3  }
0x347: {  	v43 =	vtrunc.f32 v41;
	v44 =	vld [tilespmem:s30+$0x450]  }
0x348: {  	v45 =	vcvt.f32.s32 v43;
	v34 =	vtrunc.f32 v34;
	[tilespmem:v27+s4+$0x0] =	vst.idx.add.f32.msk $0xffff, v3  }
0x349: {  	v46 =	vcvt.f32.s32 v34;
	v32 =	vmul.f32 $2.570000000e+02, v36;
	v47 =	vld [tilespmem:s2+$0x450]  }
0x34a: {  	v31 =	vmul.f32 $2.570000000e+02, v42;
	v33 =	vmul.f32 $2.570000000e+02, v39;
	[tilespmem:v28+s4+$0x0] =	vst.idx.add.f32.msk $0xffff, v3  }
0x34b: {  	v29 =	vshll.u32 v46, $0x4;
	v32 =	vtrunc.f32 v32;
	v49 =	vld [tilespmem:s31+$0x450]  }
0x34c: {  	v27 =	vshll.u32 v45, $0x4;
	v51 =	vtrunc.f32 v31;
	v33 =	vtrunc.f32 v33  }
0x34d: {  	v20 =	vadd.s32 v20, v29;
	v48 =	vcvt.f32.s32 v32;
	v50 =	vcvt.f32.s32 v33  }
0x34e: {  	v19 =	vadd.s32 v19, v27;
	v53 =	vcvt.f32.s32 v51;
	v30 =	vmul.f32 $2.570000000e+02, v44  }
0x34f: {  	v28 =	vshll.u32 v48, $0x4;
	v54 =	vmul.f32 $2.570000000e+02, v47;
	v27 =	vshll.u32 v50, $0x4  }
0x350: {  	v52 =	vadd.s32 v21, v28;
	v30 =	vtrunc.f32 v30;
	v55 =	vmul.f32 $2.570000000e+02, v49  }
0x351: {  	v56 =	vadd.s32 v22, v27;
	v57 =	vcvt.f32.s32 v30;
	v29 =	vtrunc.f32 v54  }
0x352: {  	v28 =	vshll.u32 v53, $0x4;
	v29 =	vcvt.f32.s32 v29;
	v58 =	vtrunc.f32 v55  }
0x353: {  	v59 =	vadd.s32 v23, v28;
	v27 =	vshll.u32 v57, $0x4;
	v60 =	vcvt.f32.s32 v58  }
0x354: {  	[tilespmem:v19+s4+$0x0] =	vst.idx.add.f32.msk $0xffff, v3;
	v19 =	vadd.s32 v24, v27;
	v61 =	vshll.u32 v29, $0x4  }
0x355: {  	s23 =	sadd.s32 $0x1, s23;
	[tilespmem:v20+s4+$0x0] =	vst.idx.add.f32.msk $0xffff, v3;
	v20 =	vadd.s32 v25, v61;
	v62 =	vshll.u32 v60, $0x4  }
0x356: {  	p0 =	seq.s32 s23, $0x7;
	[tilespmem:v52+s4+$0x0] =	vst.idx.add.f32.msk $0xffff, v3;
	v63 =	vadd.s32 v26, v62  }
.Ltmp3:
0x357: {  	[tilespmem:v56+s4+$0x0] =	vst.idx.add.f32.msk $0xffff, v3;
	(pc) =	sbr.rel @!p0 .LBB2_5-.Ltmp3, $4  }
0x358: {  	[tilespmem:v59+s4+$0x0] =	vst.idx.add.f32.msk $0xffff, v3  }
0x359: {  	[tilespmem:v19+s4+$0x0] =	vst.idx.add.f32.msk $0xffff, v3  }
0x35a: {  	[tilespmem:v20+s4+$0x0] =	vst.idx.add.f32.msk $0xffff, v3  }
0x35b: {  	[tilespmem:v63+s4+$0x0] =	vst.idx.add.f32.msk $0xffff, v3  }
0x35c: {  	s0 =	sand.u32 $0x3FFFF800, s20  }
0x35d: {  	s20 =	simm.s32 $0x0;
	s21 =	simm.s32 $0x90;
	s22 =	simm.s32 $0x0  }
0x35e: {  	s23 =	simm.s32 $0x0;
	s24 =	simm.s32 $0x0;
	s2 =	sadd.s32 $0x19200, s0  }
.LBB2_11:
0x35f: {  	s0 =	sshll.u32 s23, $0x2;
	s3 =	sand.u32 $0x3, s22  }
0x360: {  	s0 =	sand.u32 $0xFFFFFE00, s0;
	s3 =	sshll.u32 s3, $0x7  }
0x361: {  	s5 =	smul.u32 $0x1020, s24;
	s0 =	sor.u32 s3, s0  }
0x362: {  	s0 =	sshrl.u32 s0, $0x2  }
0x363: {  	v19 =	vld [tilespmem:s5+$0x0];
	[tilespmem:s5+$0x0] =	vst v2;
	s0 =	sadd.s32 $0x100, s0  }
0x364: {  	v20 =	vld [tilespmem:s0+$0xFFFFFF10];
	_ =	sdelay $0x3  }
0x365: {  	s13 =	simm.s32 $0x8100  }
0x366: {  	[tilespmem:v1+s13+$0x0] =	vst.idx.msk $0xffff, v20  }
0x367: {  	[tilespmem:s0+$0xFFFFFF10] =	vst v2  }
0x368: {  	v20 =	vld [tilespmem:s21+$0xFFFFFF90];
	_ =	sdelay $0x4  }
0x369: {  	[tilespmem:v4+s13+$0x0] =	vst.idx.msk $0xffff, v20  }
0x36a: {  	v20 =	vld [tilespmem:s21+$0xFFFFFFA0];
	_ =	sdelay $0x3  }
0x36b: {  	[tilespmem:s21+$0xFFFFFF90] =	vst v2  }
0x36c: {  	[tilespmem:v5+s13+$0x0] =	vst.idx.msk $0xffff, v20  }
0x36d: {  	v20 =	vld [tilespmem:s21+$0xFFFFFFB0];
	_ =	sdelay $0x1  }
0x36e: {  	s14 =	sadd.s32 $0x100, s0  }
0x36f: {  	v21 =	vld [tilespmem:s14+$0xFFFFFF10]  }
0x370: {  	[tilespmem:s21+$0xFFFFFFA0] =	vst v2  }
0x371: {  	[tilespmem:v6+s13+$0x0] =	vst.idx.msk $0xffff, v20  }
0x372: {  	v20 =	vld [tilespmem:s21+$0xFFFFFFC0]  }
0x373: {  	s26 =	simm.s32 $0x8210  }
0x374: {  	[tilespmem:v1+s26+$0x0] =	vst.idx.msk $0xffff, v21  }
0x375: {  	s6 =	sadd.s32 $0x100, s21;
	[tilespmem:s14+$0xFFFFFF10] =	vst v2  }
0x376: {  	v21 =	vld [tilespmem:s6+$0xFFFFFF90];
	[tilespmem:s21+$0xFFFFFFB0] =	vst v2  }
0x377: {  	[tilespmem:v7+s13+$0x0] =	vst.idx.msk $0xffff, v20  }
0x378: {  	v20 =	vld [tilespmem:s21+$0xFFFFFFD0];
	_ =	sdelay $0x2  }
0x379: {  	[tilespmem:v4+s26+$0x0] =	vst.idx.msk $0xffff, v21  }
0x37a: {  	v21 =	vld [tilespmem:s6+$0xFFFFFFA0];
	[tilespmem:s21+$0xFFFFFFC0] =	vst v2  }
0x37b: {  	[tilespmem:v8+s13+$0x0] =	vst.idx.msk $0xffff, v20  }
0x37c: {  	v20 =	vld [tilespmem:s21+$0xFFFFFFE0];
	_ =	sdelay $0x1  }
0x37d: {  	[tilespmem:s6+$0xFFFFFF90] =	vst v2  }
0x37e: {  	[tilespmem:v5+s26+$0x0] =	vst.idx.msk $0xffff, v21  }
0x37f: {  	v21 =	vld [tilespmem:s6+$0xFFFFFFB0];
	[tilespmem:s21+$0xFFFFFFD0] =	vst v2  }
0x380: {  	[tilespmem:v9+s13+$0x0] =	vst.idx.msk $0xffff, v20  }
0x381: {  	[tilespmem:s21+$0xFFFFFFE0] =	vst v2  }
0x382: {  	v20 =	vld [tilespmem:s0+$0xFFFFFF80]  }
0x383: {  	[tilespmem:s6+$0xFFFFFFA0] =	vst v2  }
0x384: {  	[tilespmem:v6+s26+$0x0] =	vst.idx.msk $0xffff, v21  }
0x385: {  	s16 =	sadd.s32 $0x100, s14;
	v21 =	vld [tilespmem:s6+$0xFFFFFFC0]  }
0x386: {  	v22 =	vld [tilespmem:s16+$0xFFFFFF10]  }
0x387: {  	[tilespmem:v10+s13+$0x0] =	vst.idx.msk $0xffff, v20  }
0x388: {  	[tilespmem:s0+$0xFFFFFF80] =	vst v2  }
0x389: {  	[tilespmem:s6+$0xFFFFFFB0] =	vst v2;
	v20 =	vld [tilespmem:s21+$0x0]  }
0x38a: {  	s25 =	simm.s32 $0x8320;
	[tilespmem:v7+s26+$0x0] =	vst.idx.msk $0xffff, v21  }
0x38b: {  	[tilespmem:v1+s25+$0x0] =	vst.idx.msk $0xffff, v22;
	v21 =	vld [tilespmem:s6+$0xFFFFFFD0]  }
0x38c: {  	s17 =	sadd.s32 $0x100, s6;
	[tilespmem:s16+$0xFFFFFF10] =	vst v2  }
0x38d: {  	v22 =	vld [tilespmem:s17+$0xFFFFFF90]  }
0x38e: {  	[tilespmem:v11+s13+$0x0] =	vst.idx.msk $0xffff, v20  }
0x38f: {  	[tilespmem:s6+$0xFFFFFFC0] =	vst v2;
	v20 =	vld [tilespmem:s21+$0x10]  }
0x390: {  	[tilespmem:v8+s26+$0x0] =	vst.idx.msk $0xffff, v21  }
0x391: {  	v21 =	vld [tilespmem:s6+$0xFFFFFFE0]  }
0x392: {  	[tilespmem:v4+s25+$0x0] =	vst.idx.msk $0xffff, v22  }
0x393: {  	[tilespmem:s21+$0x0] =	vst v2  }
0x394: {  	[tilespmem:v12+s13+$0x0] =	vst.idx.msk $0xffff, v20  }
0x395: {  	[tilespmem:s6+$0xFFFFFFD0] =	vst v2;
	v20 =	vld [tilespmem:s21+$0x20]  }
0x396: {  	[tilespmem:v9+s26+$0x0] =	vst.idx.msk $0xffff, v21  }
0x397: {  	v22 =	vld [tilespmem:s17+$0xFFFFFFA0];
	[tilespmem:s6+$0xFFFFFFE0] =	vst v2  }
0x398: {  	v21 =	vld [tilespmem:s14+$0xFFFFFF80]  }
0x399: {  	[tilespmem:s21+$0x10] =	vst v2  }
0x39a: {  	[tilespmem:v13+s13+$0x0] =	vst.idx.msk $0xffff, v20  }
0x39b: {  	[tilespmem:s17+$0xFFFFFF90] =	vst v2;
	v20 =	vld [tilespmem:s21+$0x30]  }
0x39c: {  	[tilespmem:v5+s25+$0x0] =	vst.idx.msk $0xffff, v22  }
0x39d: {  	v22 =	vld [tilespmem:s17+$0xFFFFFFB0];
	[tilespmem:v10+s26+$0x0] =	vst.idx.msk $0xffff, v21  }
0x39e: {  	[tilespmem:s14+$0xFFFFFF80] =	vst v2  }
0x39f: {  	v21 =	vld [tilespmem:s6+$0x0];
	[tilespmem:s21+$0x20] =	vst v2  }
0x3a0: {  	[tilespmem:v14+s13+$0x0] =	vst.idx.msk $0xffff, v20  }
0x3a1: {  	[tilespmem:s17+$0xFFFFFFA0] =	vst v2;
	v20 =	vld [tilespmem:s21+$0x40]  }
0x3a2: {  	[tilespmem:v6+s25+$0x0] =	vst.idx.msk $0xffff, v22  }
0x3a3: {  	v22 =	vld [tilespmem:s17+$0xFFFFFFC0]  }
0x3a4: {  	[tilespmem:v11+s26+$0x0] =	vst.idx.msk $0xffff, v21  }
0x3a5: {  	v21 =	vld [tilespmem:s6+$0x10];
	[tilespmem:s21+$0x30] =	vst v2  }
0x3a6: {  	[tilespmem:v15+s13+$0x0] =	vst.idx.msk $0xffff, v20  }
0x3a7: {  	[tilespmem:s17+$0xFFFFFFB0] =	vst v2;
	v20 =	vld [tilespmem:s21+$0x50]  }
0x3a8: {  	[tilespmem:v7+s25+$0x0] =	vst.idx.msk $0xffff, v22  }
0x3a9: {  	(xrf2) =	vadd.scan.msk.f32 $0xffff, v19;
	v19 =	vld [tilespmem:s17+$0xFFFFFFD0];
	[tilespmem:s6+$0x0] =	vst v2  }
0x3aa: {  	[tilespmem:v12+s26+$0x0] =	vst.idx.msk $0xffff, v21  }
0x3ab: {  	v21 =	vld [tilespmem:s6+$0x20];
	[tilespmem:s21+$0x40] =	vst v2  }
0x3ac: {  	[tilespmem:v16+s13+$0x0] =	vst.idx.msk $0xffff, v20  }
0x3ad: {  	[tilespmem:s17+$0xFFFFFFC0] =	vst v2;
	v20 =	vld [tilespmem:s21+$0x60]  }
0x3ae: {  	[tilespmem:v8+s25+$0x0] =	vst.idx.msk $0xffff, v19  }
0x3af: {  	[tilespmem:s6+$0x10] =	vst v2  }
0x3b0: {  	[tilespmem:v13+s26+$0x0] =	vst.idx.msk $0xffff, v21  }
0x3b1: {  	[tilespmem:s21+$0x50] =	vst v2  }
0x3b2: {  	v21 =	vld [tilespmem:s17+$0xFFFFFFE0];
	[tilespmem:v17+s13+$0x0] =	vst.idx.msk $0xffff, v20  }
0x3b3: {  	v19 =	vld [tilespmem:s6+$0x30];
	[tilespmem:s21+$0x60] =	vst v2  }
0x3b4: {  	v20 =	vld [tilespmem:s0+$0x0]  }
0x3b5: {  	[tilespmem:s17+$0xFFFFFFD0] =	vst v2  }
0x3b6: {  	s9 =	sadd.s32 $0x100, s16;
	[tilespmem:s6+$0x20] =	vst v2  }
0x3b7: {  	v22 =	vld [tilespmem:s9+$0xFFFFFF10];
	[tilespmem:v9+s25+$0x0] =	vst.idx.msk $0xffff, v21  }
0x3b8: {  	[tilespmem:v14+s26+$0x0] =	vst.idx.msk $0xffff, v19  }
0x3b9: {  	v21 =	vld [tilespmem:s6+$0x40];
	[tilespmem:v18+s13+$0x0] =	vst.idx.msk $0xffff, v20  }
0x3ba: {  	[tilespmem:s0+$0x0] =	vst v2  }
0x3bb: {  	[tilespmem:s6+$0x30] =	vst v2;
	s0 =	simm.s32 $0x8430;
	v20 =	vld [tilespmem:s13+$0x0]  }
0x3bc: {  	[tilespmem:v1+s0+$0x0] =	vst.idx.msk $0xffff, v22;
	v22 =	vld [tilespmem:s13+$0x11]  }
0x3bd: {  	s7 =	sadd.s32 $0x100, s17;
	v23 =	vld [tilespmem:s13+$0x22];
	[tilespmem:s9+$0xFFFFFF10] =	vst v2  }
0x3be: {  	[tilespmem:v15+s26+$0x0] =	vst.idx.msk $0xffff, v21;
	v24 =	vld [tilespmem:s7+$0xFFFFFF90]  }
0x3bf: {  	v25, _, _ =	vpop (xrf2);
	v21 =	vld [tilespmem:s6+$0x50]  }
0x3c0: {  	(v2sf) =	vpush v25, $0xF;
	[tilespmem:s17+$0xFFFFFFE0] =	vst v2;
	v19 =	vld [tilespmem:s13+$0x33]  }
0x3c1: {  	v25 =	vld [tilespmem:s16+$0xFFFFFF80];
	v20 =	vadd.f32 v22, v20  }
0x3c2: {  	[tilespmem:s6+$0x40] =	vst v2;
	v22 =	vld [tilespmem:s13+$0x44]  }
0x3c3: {  	[tilespmem:v4+s0+$0x0] =	vst.idx.msk $0xffff, v24;
	v20 =	vadd.f32 v23, v20;
	v23 =	vld [tilespmem:s13+$0x55]  }
0x3c4: {  	[tilespmem:v16+s26+$0x0] =	vst.idx.msk $0xffff, v21;
	v24 =	vld [tilespmem:s7+$0xFFFFFFA0]  }
0x3c5: {  	v21 =	vld [tilespmem:s6+$0x60];
	v19 =	vadd.f32 v19, v20  }
0x3c6: {  	[tilespmem:v10+s25+$0x0] =	vst.idx.msk $0xffff, v25;
	v20 =	vld [tilespmem:s13+$0x66]  }
0x3c7: {  	[tilespmem:s16+$0xFFFFFF80] =	vst v2;
	v25 =	vld [tilespmem:s13+$0x88];
	v19 =	vadd.f32 v22, v19  }
0x3c8: {  	[tilespmem:s7+$0xFFFFFF90] =	vst v2;
	v22 =	vld [tilespmem:s13+$0x77]  }
0x3c9: {  	[tilespmem:v5+s0+$0x0] =	vst.idx.msk $0xffff, v24;
	v24 =	vld [tilespmem:s17+$0x0];
	v19 =	vadd.f32 v23, v19  }
0x3ca: {  	v23 =	vld [tilespmem:s7+$0xFFFFFFB0]  }
0x3cb: {  	[tilespmem:s6+$0x50] =	vst v2;
	v19 =	vadd.f32 v20, v19  }
0x3cc: {  	[tilespmem:v17+s26+$0x0] =	vst.idx.msk $0xffff, v21;
	v20 =	vld [tilespmem:s13+$0x99]  }
0x3cd: {  	[tilespmem:s7+$0xFFFFFFA0] =	vst v2;
	v19 =	vadd.f32 v22, v19;
	v22 =	vld [tilespmem:s13+$0xAA]  }
0x3ce: {  	[tilespmem:v11+s25+$0x0] =	vst.idx.msk $0xffff, v24;
	v24 =	vld [tilespmem:s13+$0xBB]  }
0x3cf: {  	s8 =	spop (v2sf);
	[tilespmem:v6+s0+$0x0] =	vst.idx.msk $0xffff, v23;
	v23 =	vld [tilespmem:s17+$0x10];
	v19 =	vadd.f32 v25, v19  }
0x3d0: {  	s8 =	ssub.f32 $5.017600000e+04, s8;
	[tilespmem:s6+$0x60] =	vst v2;
	v25 =	vld [tilespmem:s7+$0xFFFFFFC0]  }
0x3d1: {  	v27 =	vld [tilespmem:s14+$0x0];
	v19 =	vadd.f32 v20, v19  }
0x3d2: {  	s8 =	smax.f32 s8, $1.000000010e-07;
	[tilespmem:s17+$0x0] =	vst v2;
	v20 =	vld [tilespmem:s13+$0xCC]  }
0x3d3: {  	v26 =	vmov s8;
	v21 =	vld [tilespmem:s13+$0xDD];
	[tilespmem:s7+$0xFFFFFFB0] =	vst v2;
	v19 =	vadd.f32 v22, v19  }
0x3d4: {  	(erf) = vrcp.f32 v26;
	v22 =	vld [tilespmem:s13+$0xEE];
	[tilespmem:v12+s25+$0x0] =	vst.idx.msk $0xffff, v23  }
0x3d5: {  	[tilespmem:v7+s0+$0x0] =	vst.idx.msk $0xffff, v25;
	v23 =	vld [tilespmem:s17+$0x20];
	v19 =	vadd.f32 v24, v19  }
0x3d6: {  	s6 =	sadd.s32 $0x100, s9;
	[tilespmem:v18+s26+$0x0] =	vst.idx.msk $0xffff, v27;
	v24 =	vld [tilespmem:s7+$0xFFFFFFD0]  }
0x3d7: {  	[tilespmem:s14+$0x0] =	vst v2;
	v25 =	vld [tilespmem:s6+$0xFFFFFF10];
	v19 =	vadd.f32 v20, v19  }
0x3d8: {  	[tilespmem:s17+$0x10] =	vst v2;
	v20 =	vld [tilespmem:s13+$0xFF]  }
0x3d9: {  	s18 =	sshll.u32 s24, $0x7;
	s31 =	simm.s32 $0x20;
	s30 =	simm.s32 $0x30;
	[tilespmem:s7+$0xFFFFFFC0] =	vst v2;
	v19 =	vadd.f32 v21, v19  }
0x3da: {  	s29 =	simm.s32 $0x40;
	s10 =	simm.s32 $0x50;
	s3 =	sand.u32 $0x3FFFFF80, s18;
	v21 =	vld [tilespmem:s26+$0x0];
	[tilespmem:v13+s25+$0x0] =	vst.idx.msk $0xffff, v23  }
0x3db: {  	s19 =	sand.u32 $0x400, s20;
	s18 =	simm.s32 $0x8540;
	s28 =	sadd.s32 s3, s2;
	[tilespmem:v8+s0+$0x0] =	vst.idx.msk $0xffff, v24;
	v23 =	vld [tilespmem:s17+$0x30];
	v26 =	vadd.f32 v22, v19  }
0x3dc: {  	s5 =	simm.s32 $0x0;
	s3 =	simm.s32 $0x0;
	s12 =	sadd.s32 s19, s28;
	[tilespmem:v1+s18+$0x0] =	vst.idx.msk $0xffff, v25;
	v24 =	vld [tilespmem:s7+$0xFFFFFFE0]  }
0x3dd: {  	s19 =	smov.u32 s7;
	s8 =	simm.s32 $0x10;
	s13 =	smov.u32 s6;
	[tilespmem:s17+$0x20] =	vst v2;
	v22 =	vld [tilespmem:s26+$0x11];
	v19 =	vpop (erf);
	v20 =	vadd.f32 v20, v26  }
.LBB2_12:
0x3de: {  	p0 =	sne.s32 s10, $0xF0;
	[tilespmem:s6+$0xFFFFFF10] =	vst v2;
	s7 =	sadd.s32 $0x100, s7;
	v25 =	vld [tilespmem:s26+$0x22];
	s5 =	sadd.s32 $0x80, s5  }
0x3df: {  	s1 =	smov.u32 s10;
	s10 =	sadd.s32 $0x10, s10;
	v26 =	vld [tilespmem:s7+$0xFFFFFF90];
	[tilespmem:s19+$0xFFFFFFD0] =	vst v2;
	s11 =	sand.u32 $0x400, s5;
	v20 =	vmul.f32 v20, v19  }
0x3e0: {  	s14 =	sand.u32 $0x70, s3;
	s3 =	smov.u32 s8;
	[tilespmem:v14+s25+$0x0] =	vst.idx.msk $0xffff, v23;
	v23 =	vld [tilespmem:s26+$0x33];
	s11 =	sadd.s32 s11, s28  }
0x3e1: {  	s8 =	smov.u32 s31;
	s31 =	smov.u32 s30;
	s14 =	sadd.s32 s14, s12;
	[tilespmem:v9+s0+$0x0] =	vst.idx.msk $0xffff, v24;
	v24 =	vld [tilespmem:s17+$0x40]  }
0x3e2: {  	s30 =	smov.u32 s29;
	s29 =	smov.u32 s1;
	s12 =	smov.u32 s11;
	[tilespmem:s19+$0xFFFFFFE0] =	vst v2;
	v21 =	vadd.f32 v22, v21;
	v22 =	vld [tilespmem:s26+$0x44]  }
0x3e3: {  	v27 =	vld [tilespmem:s9+$0xFFFFFF80];
	[tilespmem:s14+$0x0] =	vst v20  }
0x3e4: {  	[tilespmem:v4+s18+$0x0] =	vst.idx.msk $0xffff, v26;
	v20 =	vadd.f32 v25, v21;
	v21 =	vld [tilespmem:s26+$0x55]  }
0x3e5: {  	v25 =	vld [tilespmem:s7+$0xFFFFFFA0];
	[tilespmem:s17+$0x30] =	vst v2  }
0x3e6: {  	[tilespmem:v15+s25+$0x0] =	vst.idx.msk $0xffff, v24;
	v20 =	vadd.f32 v23, v20;
	v23 =	vld [tilespmem:s26+$0x66]  }
0x3e7: {  	[tilespmem:s7+$0xFFFFFF90] =	vst v2;
	v24 =	vld [tilespmem:s17+$0x50]  }
0x3e8: {  	[tilespmem:v10+s0+$0x0] =	vst.idx.msk $0xffff, v27;
	v20 =	vadd.f32 v22, v20;
	v22 =	vld [tilespmem:s26+$0x77]  }
0x3e9: {  	[tilespmem:s9+$0xFFFFFF80] =	vst v2;
	v26 =	vld [tilespmem:s26+$0x88]  }
0x3ea: {  	[tilespmem:v5+s18+$0x0] =	vst.idx.msk $0xffff, v25;
	v25 =	vld [tilespmem:s19+$0x0];
	v20 =	vadd.f32 v21, v20  }
0x3eb: {  	v21 =	vld [tilespmem:s7+$0xFFFFFFB0];
	[tilespmem:s17+$0x40] =	vst v2  }
0x3ec: {  	[tilespmem:v16+s25+$0x0] =	vst.idx.msk $0xffff, v24;
	v20 =	vadd.f32 v23, v20;
	v23 =	vld [tilespmem:s26+$0x99]  }
0x3ed: {  	[tilespmem:s17+$0x50] =	vst v2;
	v24 =	vld [tilespmem:s17+$0x60]  }
0x3ee: {  	[tilespmem:s7+$0xFFFFFFA0] =	vst v2;
	v20 =	vadd.f32 v22, v20;
	v22 =	vld [tilespmem:s26+$0xAA]  }
0x3ef: {  	[tilespmem:v11+s0+$0x0] =	vst.idx.msk $0xffff, v25;
	v25 =	vld [tilespmem:s26+$0xBB]  }
0x3f0: {  	[tilespmem:v6+s18+$0x0] =	vst.idx.msk $0xffff, v21;
	v21 =	vld [tilespmem:s19+$0x10];
	v20 =	vadd.f32 v26, v20  }
0x3f1: {  	v26 =	vld [tilespmem:s7+$0xFFFFFFC0];
	[tilespmem:s19+$0x0] =	vst v2  }
0x3f2: {  	[tilespmem:v17+s25+$0x0] =	vst.idx.msk $0xffff, v24;
	v20 =	vadd.f32 v23, v20;
	v23 =	vld [tilespmem:s26+$0xCC]  }
0x3f3: {  	[tilespmem:s17+$0x60] =	vst v2;
	v24 =	vld [tilespmem:s26+$0xDD];
	s17 =	smov.u32 s19;
	s19 =	smov.u32 s7  }
0x3f4: {  	[tilespmem:s7+$0xFFFFFFB0] =	vst v2;
	v27 =	vld [tilespmem:s16+$0x0];
	v20 =	vadd.f32 v22, v20  }
0x3f5: {  	[tilespmem:v12+s0+$0x0] =	vst.idx.msk $0xffff, v21;
	v22 =	vld [tilespmem:s26+$0xEE]  }
0x3f6: {  	[tilespmem:v7+s18+$0x0] =	vst.idx.msk $0xffff, v26;
	v21 =	vld [tilespmem:s17+$0x20];
	v20 =	vadd.f32 v25, v20  }
0x3f7: {  	v25 =	vld [tilespmem:s7+$0xFFFFFFD0];
	[tilespmem:s17+$0x10] =	vst v2  }
0x3f8: {  	s6 =	sadd.s32 $0x100, s6;
	[tilespmem:s7+$0xFFFFFFC0] =	vst v2;
	v20 =	vadd.f32 v23, v20;
	v26 =	vld [tilespmem:s26+$0xFF];
	s26 =	smov.u32 s25;
	s25 =	smov.u32 s0  }
0x3f9: {  	s0 =	smov.u32 s18;
	v28 =	vld [tilespmem:s6+$0xFFFFFF10];
	[tilespmem:v18+s26+$0x0] =	vst.idx.msk $0xffff, v27  }
.Ltmp4:
0x3fa: {  	[tilespmem:s16+$0x0] =	vst v2;
	v20 =	vadd.f32 v24, v20;
	s16 =	smov.u32 s9;
	s9 =	smov.u32 s13;
	(pc) =	sbr.rel @p0 .LBB2_12-.Ltmp4, $4  }
0x3fb: {  	s13 =	smov.u32 s6;
	[tilespmem:v13+s25+$0x0] =	vst.idx.msk $0xffff, v21;
	v21 =	vld [tilespmem:s26+$0x0]  }
0x3fc: {  	[tilespmem:v8+s18+$0x0] =	vst.idx.msk $0xffff, v25;
	v23 =	vld [tilespmem:s17+$0x30];
	v20 =	vadd.f32 v22, v20  }
0x3fd: {  	s18 =	sadd.s32 $0x110, s18;
	v24 =	vld [tilespmem:s7+$0xFFFFFFE0];
	[tilespmem:s17+$0x20] =	vst v2  }
0x3fe: {  	[tilespmem:v1+s18+$0x0] =	vst.idx.msk $0xffff, v28;
	v22 =	vld [tilespmem:s26+$0x11];
	v20 =	vadd.f32 v26, v20  }
0x3ff: {  	[tilespmem:s6+$0xFFFFFF10] =	vst v2;
	s11 =	sadd.s32 $0x100, s7  }
0x400: {  	v25 =	vld [tilespmem:s11+$0xFFFFFF90];
	_ =	sdelay $0x4  }
0x401: {  	[tilespmem:v4+s18+$0x0] =	vst.idx.msk $0xffff, v25  }
0x402: {  	v25 =	vld [tilespmem:s11+$0xFFFFFFA0];
	_ =	sdelay $0x3  }
0x403: {  	[tilespmem:s11+$0xFFFFFF90] =	vst v2  }
0x404: {  	[tilespmem:v5+s18+$0x0] =	vst.idx.msk $0xffff, v25  }
0x405: {  	v25 =	vld [tilespmem:s11+$0xFFFFFFB0];
	_ =	sdelay $0x3  }
0x406: {  	[tilespmem:s11+$0xFFFFFFA0] =	vst v2  }
0x407: {  	[tilespmem:v6+s18+$0x0] =	vst.idx.msk $0xffff, v25  }
0x408: {  	v25 =	vld [tilespmem:s11+$0xFFFFFFC0];
	_ =	sdelay $0x3  }
0x409: {  	[tilespmem:s11+$0xFFFFFFB0] =	vst v2  }
0x40a: {  	[tilespmem:v7+s18+$0x0] =	vst.idx.msk $0xffff, v25  }
0x40b: {  	v25 =	vld [tilespmem:s11+$0xFFFFFFD0];
	_ =	sdelay $0x3  }
0x40c: {  	[tilespmem:s11+$0xFFFFFFC0] =	vst v2  }
0x40d: {  	[tilespmem:v8+s18+$0x0] =	vst.idx.msk $0xffff, v25  }
0x40e: {  	v25 =	vld [tilespmem:s11+$0xFFFFFFE0]  }
0x40f: {  	[tilespmem:s19+$0xFFFFFFD0] =	vst v2  }
0x410: {  	[tilespmem:v9+s0+$0x0] =	vst.idx.msk $0xffff, v24  }
0x411: {  	[tilespmem:s19+$0xFFFFFFE0] =	vst v2  }
0x412: {  	v61 =	vld [tilespmem:s9+$0xFFFFFF80];
	[tilespmem:s11+$0xFFFFFFD0] =	vst v2  }
0x413: {  	[tilespmem:v9+s18+$0x0] =	vst.idx.msk $0xffff, v25  }
0x414: {  	[tilespmem:s11+$0xFFFFFFE0] =	vst v2  }
0x415: {  	v25 =	vld [tilespmem:s13+$0xFFFFFF80]  }
0x416: {  	[tilespmem:v14+s25+$0x0] =	vst.idx.msk $0xffff, v23  }
0x417: {  	v62 =	vld [tilespmem:s17+$0x40];
	[tilespmem:v10+s0+$0x0] =	vst.idx.msk $0xffff, v61  }
0x418: {  	[tilespmem:s9+$0xFFFFFF80] =	vst v2  }
0x419: {  	[tilespmem:s17+$0x30] =	vst v2;
	v23 =	vld [tilespmem:s19+$0x0]  }
0x41a: {  	[tilespmem:v10+s18+$0x0] =	vst.idx.msk $0xffff, v25  }
0x41b: {  	[tilespmem:s13+$0xFFFFFF80] =	vst v2  }
0x41c: {  	[tilespmem:v15+s25+$0x0] =	vst.idx.msk $0xffff, v62;
	v25 =	vld [tilespmem:s11+$0x0]  }
0x41d: {  	v24 =	vld [tilespmem:s17+$0x50]  }
0x41e: {  	v26 =	vld [tilespmem:s26+$0x22];
	[tilespmem:v11+s0+$0x0] =	vst.idx.msk $0xffff, v23  }
0x41f: {  	v23 =	vld [tilespmem:s19+$0x10]  }
0x420: {  	v27 =	vld [tilespmem:s26+$0x33];
	[tilespmem:s17+$0x40] =	vst v2  }
0x421: {  	v28 =	vld [tilespmem:s26+$0x55];
	[tilespmem:v11+s18+$0x0] =	vst.idx.msk $0xffff, v25  }
0x422: {  	[tilespmem:v16+s25+$0x0] =	vst.idx.msk $0xffff, v24;
	v25 =	vld [tilespmem:s11+$0x10]  }
0x423: {  	v29 =	vld [tilespmem:s17+$0x60];
	[tilespmem:s19+$0x0] =	vst v2  }
0x424: {  	v30 =	vld [tilespmem:s26+$0x66];
	[tilespmem:v12+s0+$0x0] =	vst.idx.msk $0xffff, v23  }
0x425: {  	[tilespmem:s17+$0x50] =	vst v2;
	v23 =	vld [tilespmem:s19+$0x20]  }
0x426: {  	v31 =	vld [tilespmem:s26+$0x77];
	[tilespmem:s11+$0x0] =	vst v2  }
0x427: {  	v32 =	vld [tilespmem:s26+$0x88];
	[tilespmem:v12+s18+$0x0] =	vst.idx.msk $0xffff, v25  }
0x428: {  	[tilespmem:v17+s25+$0x0] =	vst.idx.msk $0xffff, v29;
	v25 =	vld [tilespmem:s11+$0x20]  }
0x429: {  	v34 =	vld [tilespmem:s26+$0xAA];
	[tilespmem:s19+$0x10] =	vst v2  }
0x42a: {  	v35 =	vld [tilespmem:s26+$0xBB];
	[tilespmem:v13+s0+$0x0] =	vst.idx.msk $0xffff, v23  }
0x42b: {  	[tilespmem:s17+$0x60] =	vst v2;
	v23 =	vld [tilespmem:s19+$0x30]  }
0x42c: {  	v33 =	vld [tilespmem:s16+$0x0];
	[tilespmem:s11+$0x10] =	vst v2  }
0x42d: {  	v37 =	vld [tilespmem:s26+$0xCC];
	[tilespmem:v13+s18+$0x0] =	vst.idx.msk $0xffff, v25  }
0x42e: {  	v25 =	vld [tilespmem:s11+$0x30]  }
0x42f: {  	v38 =	vld [tilespmem:s26+$0xEE];
	[tilespmem:s19+$0x20] =	vst v2  }
0x430: {  	v24 =	vld [tilespmem:s26+$0x44];
	[tilespmem:v14+s0+$0x0] =	vst.idx.msk $0xffff, v23  }
0x431: {  	[tilespmem:v18+s25+$0x0] =	vst.idx.msk $0xffff, v33;
	v36 =	vld [tilespmem:s19+$0x40]  }
0x432: {  	v29 =	vld [tilespmem:s26+$0x99];
	[tilespmem:s11+$0x20] =	vst v2  }
0x433: {  	v33 =	vld [tilespmem:s26+$0xDD];
	[tilespmem:v14+s18+$0x0] =	vst.idx.msk $0xffff, v25  }
0x434: {  	[tilespmem:s16+$0x0] =	vst v2;
	v25 =	vld [tilespmem:s11+$0x40]  }
0x435: {  	v39 =	vld [tilespmem:s25+$0x0];
	[tilespmem:s19+$0x30] =	vst v2  }
0x436: {  	v40 =	vld [tilespmem:s25+$0x11];
	[tilespmem:v15+s0+$0x0] =	vst.idx.msk $0xffff, v36  }
0x437: {  	v36 =	vld [tilespmem:s19+$0x50]  }
0x438: {  	v41 =	vld [tilespmem:s25+$0x22];
	[tilespmem:s11+$0x30] =	vst v2  }
0x439: {  	v42 =	vld [tilespmem:s25+$0x33];
	[tilespmem:v15+s18+$0x0] =	vst.idx.msk $0xffff, v25  }
0x43a: {  	v25 =	vld [tilespmem:s11+$0x50]  }
0x43b: {  	v44 =	vld [tilespmem:s25+$0x55];
	[tilespmem:s19+$0x40] =	vst v2  }
0x43c: {  	v45 =	vld [tilespmem:s25+$0x66];
	[tilespmem:v16+s0+$0x0] =	vst.idx.msk $0xffff, v36  }
0x43d: {  	v43 =	vld [tilespmem:s19+$0x60]  }
0x43e: {  	v46 =	vld [tilespmem:s25+$0x77];
	[tilespmem:s11+$0x40] =	vst v2  }
0x43f: {  	v47 =	vld [tilespmem:s25+$0x88];
	[tilespmem:v16+s18+$0x0] =	vst.idx.msk $0xffff, v25  }
0x440: {  	v25 =	vld [tilespmem:s11+$0x60]  }
0x441: {  	v48 =	vld [tilespmem:s25+$0xAA];
	[tilespmem:s19+$0x50] =	vst v2  }
0x442: {  	v51 =	vld [tilespmem:s25+$0xCC];
	[tilespmem:v17+s0+$0x0] =	vst.idx.msk $0xffff, v43  }
0x443: {  	v52 =	vld [tilespmem:s25+$0xDD];
	[tilespmem:s19+$0x60] =	vst v2  }
0x444: {  	v49 =	vld [tilespmem:s9+$0x0];
	[tilespmem:s11+$0x50] =	vst v2  }
0x445: {  	v53 =	vld [tilespmem:s25+$0xEE];
	[tilespmem:v17+s18+$0x0] =	vst.idx.msk $0xffff, v25  }
0x446: {  	v23 =	vld [tilespmem:s26+$0xFF];
	[tilespmem:s11+$0x60] =	vst v2  }
0x447: {  	v50 =	vld [tilespmem:s13+$0x0]  }
0x448: {  	v36 =	vld [tilespmem:s25+$0x44]  }
0x449: {  	v43 =	vld [tilespmem:s25+$0x99];
	[tilespmem:v18+s0+$0x0] =	vst.idx.msk $0xffff, v49  }
0x44a: {  	v49 =	vld [tilespmem:s25+$0xFF];
	[tilespmem:s9+$0x0] =	vst v2  }
0x44b: {  	v54 =	vld [tilespmem:s0+$0x0]  }
0x44c: {  	v63 =	vld [tilespmem:s0+$0x11];
	[tilespmem:v18+s18+$0x0] =	vst.idx.msk $0xffff, v50  }
0x44d: {  	v57 =	vld [tilespmem:s0+$0x22];
	[tilespmem:s13+$0x0] =	vst v2  }
0x44e: {  	v39 =	vadd.f32 v40, v39;
	v55 =	vld [tilespmem:s18+$0x0]  }
0x44f: {  	v56 =	vld [tilespmem:s18+$0x11]  }
0x450: {  	v39 =	vadd.f32 v41, v39;
	v58 =	vld [tilespmem:s0+$0x33]  }
0x451: {  	v21 =	vadd.f32 v22, v21;
	v22 =	vld [tilespmem:s18+$0x22]  }
0x452: {  	v39 =	vadd.f32 v42, v39;
	v62 =	vld [tilespmem:s0+$0x44]  }
0x453: {  	v21 =	vadd.f32 v26, v21;
	v59 =	vadd.f32 v63, v54;
	v60 =	vld [tilespmem:s18+$0x33]  }
0x454: {  	v36 =	vadd.f32 v36, v39;
	v39 =	vld [tilespmem:s0+$0x99];
	v61 =	vadd.f32 v56, v55  }
0x455: {  	v21 =	vadd.f32 v27, v21;
	v26 =	vadd.f32 v57, v59;
	v63 =	vld [tilespmem:s18+$0x44]  }
0x456: {  	v55 =	vld [tilespmem:s0+$0x55];
	v22 =	vadd.f32 v22, v61  }
0x457: {  	v21 =	vadd.f32 v24, v21;
	v57 =	vld [tilespmem:s18+$0x55];
	v56 =	vadd.f32 v58, v26  }
0x458: {  	v58 =	vld [tilespmem:s0+$0x66];
	v22 =	vadd.f32 v60, v22  }
0x459: {  	v21 =	vadd.f32 v28, v21;
	v59 =	vld [tilespmem:s18+$0x66];
	v24 =	vadd.f32 v62, v56  }
0x45a: {  	v36 =	vadd.f32 v44, v36;
	v60 =	vld [tilespmem:s0+$0x77];
	v22 =	vadd.f32 v63, v22  }
0x45b: {  	v21 =	vadd.f32 v30, v21;
	v61 =	vld [tilespmem:s18+$0x77];
	v24 =	vadd.f32 v55, v24  }
0x45c: {  	v36 =	vadd.f32 v45, v36;
	v62 =	vld [tilespmem:s0+$0x88];
	v22 =	vadd.f32 v57, v22  }
0x45d: {  	v21 =	vadd.f32 v31, v21;
	v63 =	vld [tilespmem:s18+$0x88];
	v24 =	vadd.f32 v58, v24  }
0x45e: {  	v36 =	vadd.f32 v46, v36;
	v42 =	vld [tilespmem:s0+$0xAA];
	v22 =	vadd.f32 v59, v22  }
0x45f: {  	v21 =	vadd.f32 v32, v21;
	v40 =	vld [tilespmem:s18+$0x99];
	v24 =	vadd.f32 v60, v24  }
0x460: {  	v41 =	vadd.f32 v47, v36;
	v25 =	vld [tilespmem:s25+$0xBB];
	v22 =	vadd.f32 v61, v22  }
0x461: {  	v21 =	vadd.f32 v29, v21;
	v44 =	vld [tilespmem:s18+$0xAA];
	v24 =	vadd.f32 v62, v24  }
0x462: {  	v45 =	vadd.f32 v43, v41;
	v46 =	vld [tilespmem:s0+$0xBB];
	v22 =	vadd.f32 v63, v22  }
0x463: {  	v21 =	vadd.f32 v34, v21;
	v47 =	vld [tilespmem:s18+$0xBB];
	v24 =	vadd.f32 v39, v24  }
0x464: {  	v29 =	vadd.f32 v48, v45;
	v50 =	vld [tilespmem:s0+$0xCC];
	v22 =	vadd.f32 v40, v22  }
0x465: {  	v21 =	vadd.f32 v35, v21;
	v54 =	vld [tilespmem:s18+$0xCC];
	v24 =	vadd.f32 v42, v24  }
0x466: {  	v25 =	vadd.f32 v25, v29;
	v55 =	vld [tilespmem:s0+$0xDD];
	v22 =	vadd.f32 v44, v22  }
0x467: {  	v21 =	vadd.f32 v37, v21;
	v56 =	vld [tilespmem:s18+$0xDD];
	v24 =	vadd.f32 v46, v24  }
0x468: {  	v25 =	vadd.f32 v51, v25;
	v57 =	vld [tilespmem:s0+$0xEE];
	v22 =	vadd.f32 v47, v22  }
0x469: {  	v21 =	vadd.f32 v33, v21;
	v58 =	vld [tilespmem:s18+$0xEE];
	v24 =	vadd.f32 v50, v24  }
0x46a: {  	s14 =	sadd.s32 $0x80, s5;
	v25 =	vadd.f32 v52, v25;
	v59 =	vld [tilespmem:s0+$0xFF];
	v22 =	vadd.f32 v54, v22  }
0x46b: {  	s3 =	sand.u32 $0x70, s3;
	s24 =	sadd.s32 $0x1, s24;
	s1 =	sand.u32 $0x400, s14;
	v21 =	vadd.f32 v38, v21;
	v60 =	vld [tilespmem:s18+$0xFF];
	v24 =	vadd.f32 v55, v24  }
0x46c: {  	s3 =	sadd.s32 s3, s12;
	s1 =	sadd.s32 s1, s28;
	s17 =	sand.u32 $0x70, s8;
	v25 =	vadd.f32 v53, v25;
	v22 =	vadd.f32 v56, v22  }
0x46d: {  	p0 =	sne.s32 s24, $0x8;
	s1 =	sadd.s32 s17, s1;
	v21 =	vadd.f32 v23, v21;
	s0 =	sadd.s32 $0x80, s14;
	v61 =	vadd.f32 v57, v24  }
0x46e: {  	v20 =	vmul.f32 v20, v19;
	s25 =	sand.u32 $0x70, s31;
	s16 =	sand.u32 $0x400, s0;
	v62 =	vadd.f32 v49, v25;
	s0 =	sadd.s32 $0x80, s0;
	v22 =	vadd.f32 v58, v22  }
0x46f: {  	v21 =	vmul.f32 v21, v19;
	s5 =	sadd.s32 s16, s28;
	s18 =	sand.u32 $0x400, s0;
	s0 =	sadd.s32 $0x80, s0;
	v23 =	vadd.f32 v59, v61  }
.Ltmp5:
0x470: {  	[tilespmem:s3+$0x0] =	vst v20;
	v20 =	vmul.f32 v62, v19;
	s19 =	sadd.s32 s18, s28;
	s0 =	sand.u32 $0x400, s0;
	v22 =	vadd.f32 v60, v22;
	(pc) =	sbr.rel @p0 .LBB2_11-.Ltmp5, $4  }
0x471: {  	[tilespmem:s1+$0x0] =	vst v21;
	s26 =	sadd.s32 s25, s5;
	s0 =	sadd.s32 s0, s28;
	s28 =	sand.u32 $0x70, s30;
	v63 =	vmul.f32 v23, v19  }
0x472: {  	s31 =	sand.u32 $0x70, s29;
	[tilespmem:s26+$0x0] =	vst v20;
	s30 =	sadd.s32 s28, s19;
	v19 =	vmul.f32 v22, v19  }
0x473: {  	s0 =	sadd.s32 s31, s0;
	[tilespmem:s30+$0x0] =	vst v63  }
0x474: {  	s23 =	sadd.s32 $0x1020, s23;
	s22 =	sadd.s32 $0x1, s22;
	s21 =	sadd.s32 $0x1020, s21;
	[tilespmem:s0+$0x0] =	vst v19  }
0x475: {  	s0 =	rddreg [dreg:$0xa]  }
0x476: {  	s0 =	sadd.s32 $0x1, s0  }
0x477: {  	p0 =	sne.s32 s0, $0x3  }
.Ltmp6:
0x478: {  	_ = 	snop;
	(pc) =	sbr.rel @p0 .LBB2_4-.Ltmp6, $3  }
0x479: {  	_ =	sdelay $0x1  }
0x47a: {  	s10 =	rddreg [dreg:$0x0];
	s11 =	simm.s32 $0x800  }
0x47b: {  	s12 =	simm.s32 $0x6000;
	s13 =	simm.s32 $0x11200;
	s14 =	simm.s32 $0x1  }
0x47c: {  	s0 =	rddreg [dreg:$0x7];
	s1 =	simm.s32 $0x19200;
	s30 =	simm.s32 $0x3  }
0x47d: {  	[hbm4b:s0+s4] =	stream.linear.scatter [tilespmem:s1], [sflag:$0x3], $0x1800, $0x38;
	[tilespmem:$0x1AA00] =	vst v63  }
0x47e: {  	_ =	swait.ge [sflag:s30], $0x1800  }
0x47f: {  	s2 =	rddreg [dreg:$0x9]  }
0x480: {  	s31 =	rddreg [dreg:$0x8];
	s2 =	sadd.s32 $0x1, s2  }
0x481: {  	p0 =	sne.s32 s2, s31  }
.Ltmp7:
0x482: {  	_ = 	snop;
	(pc) =	sbr.rel @p0 .LBB2_1-.Ltmp7, $3  }
0x483: {  	_ =	sdelay $0x1  }
0x484: {  	[sflag:s30] =	ssyncset.done $0x0  }
0x485: {  	[sflag:s30] =	ssyncadd.s32 $0xFFFFE800  }
0x486: {  	_ =	sfence.sel $0x180000  }
0x487: {  	[bflag:$0x0] =	sbarrier.arrive $0xFFFF  }
0x488: {  	_ =	strace $0x90000047  }
0x489: {  	s0 =	stileid.u32;
	[bflag:$0x2] =	sbarrier.arrive $0xFFFF  }
0x48a: {  	p0 =	sne.s32 s0, $0x0;
	s0 =	rddreg [dreg:$0x2]  }
0x48b: {  	s0 =	sadd.s32 @!p0 $0x100000, s0  }
0x48c: {  	[sflag:s0] =	ssyncadd.tile.s32 @!p0 $0x1;
	_ =	shalt  }
.Lfunc_end2:
_tile_overlayer_lowered:
.L_overlay_start_2:
0x48d: {  	(tag) =	ssettag $0x2  }
0x48e: {  	s0 =	rddreg [dreg:$0x0];
	s2 =	stileid.u32  }
0x48f: {  	s1 =	rddreg [dreg:$0x1];
	p0 =	sne.s32 s2, $0x0  }
0x490: {  	s3 =	rddreg [dreg:$0x2];
	[bflag:$0x3] =	sbarrier.arrive $0xFFFF;
	s2 =	simm.s32 @!p0 $0x1C03  }
0x491: {  	[timem:s3], [sflag:s2] =	dma.local @!p0 [hbm:s0], s1  }
0x492: {  	s0 =	simm.s32 @!p0 $0x3  }
0x493: {  	_ =	swait.ge @!p0 [sflag:s0], s1  }
0x494: {  	s1 =	ssub.s32 @!p0 $0x0, s1;
	[sflag:s0] =	ssyncset.done @!p0 $0x0  }
0x495: {  	[sflag:s0] =	ssyncadd.s32 @!p0 s1  }
0x496: {  	[bflag:$0x3] =	sbarrier.arrive $0xFFFF  }
0x497: {  	_ =	shalt  }

</sc_bundles>
